<compile_context>
chip_gen: v7x
topology: tpu7x:2x2x1
jax: 0.10.2.dev20260603
libtpu: 0.0.44.dev20260713+nightly
codegen_flags: <defaults>
</compile_context>

<pallas_src>
import functools

import jax
import jax.numpy as jnp
from jax import lax
from jax.experimental import pallas as pl
from jax.experimental.pallas import tpu as pltpu
from jax.experimental.pallas import tpu_sc as plsc

N_POINTS = 65536
ROWS = 512
LANES = 128
NUM_KEYPOINTS = 4096
C_BEV = 256
NUM_OUT = 128

_VOX_X = 0.05
_VOX_Y = 0.05
_STRIDE = 8.0
_PC_X0 = 0.0
_PC_Y0 = -40.0
_WIN_Y0 = 100
_WIN_X0 = 0
_WIN = 4
_BEV_H = 200
_BEV_W = 176


_SUB = 8
_NCHUNK = ROWS // _SUB
_NACC = 2


def _pick(t1, t2):
    take2 = t2[0] > t1[0]
    return tuple(jnp.where(take2, b, a) for a, b in zip(t1, t2))


def _fps_body(x3_ref, kp_ref, dists_ref):
    lane_iota = lax.broadcasted_iota(jnp.int32, (1, LANES), 1)
    sub_iota = lax.broadcasted_iota(jnp.int32, (_SUB, LANES), 0)
    lane_f = lane_iota.astype(jnp.float32)
    dists_ref[...] = jnp.full((ROWS, LANES), 1e10, jnp.float32)

    neg = jnp.float32(-1e30)
    sel0 = lane_iota == 0
    cx0 = jnp.full((1, LANES), jnp.max(jnp.where(sel0, x3_ref[0, 0:1, :], neg)))
    cy0 = jnp.full((1, LANES), jnp.max(jnp.where(sel0, x3_ref[1, 0:1, :], neg)))
    cz0 = jnp.full((1, LANES), jnp.max(jnp.where(sel0, x3_ref[2, 0:1, :], neg)))

    def body(i, carry):
        cx1, cy1, cz1 = carry
        kp_row = jnp.where(
            lane_iota == 0,
            cx1,
            jnp.where(lane_iota == 1, cy1, jnp.where(lane_iota == 2, cz1, 0.0)),
        )
        kp_ref[pl.ds(i, 1), :] = kp_row
        cx = jnp.broadcast_to(cx1, (_SUB, LANES))
        cy = jnp.broadcast_to(cy1, (_SUB, LANES))
        cz = jnp.broadcast_to(cz1, (_SUB, LANES))
        blk = _NCHUNK // _NACC
        ms = [jnp.full((_SUB, LANES), -1.0, jnp.float32) for _ in range(_NACC)]
        xs = [jnp.zeros((_SUB, LANES), jnp.float32) for _ in range(_NACC)]
        ys = [jnp.zeros((_SUB, LANES), jnp.float32) for _ in range(_NACC)]
        zs = [jnp.zeros((_SUB, LANES), jnp.float32) for _ in range(_NACC)]
        for k in range(_NCHUNK):
            a = k // blk
            sl = pl.ds(k * _SUB, _SUB)
            xk = x3_ref[0, sl, :]
            yk = x3_ref[1, sl, :]
            zk = x3_ref[2, sl, :]
            dx = xk - cx
            dy = yk - cy
            dz = zk - cz
            dk = dx * dx + dy * dy + dz * dz
            ndk = jnp.minimum(dists_ref[sl, :], dk)
            dists_ref[sl, :] = ndk
            upd = ndk > ms[a]
            ms[a] = jnp.where(upd, ndk, ms[a])
            xs[a] = jnp.where(upd, xk, xs[a])
            ys[a] = jnp.where(upd, yk, ys[a])
            zs[a] = jnp.where(upd, zk, zs[a])
        accs = [(ms[a], xs[a], ys[a], zs[a]) for a in range(_NACC)]
        t = accs[0]
        for a in range(1, _NACC):
            t = _pick(t, accs[a])
        for sh in (1, 2, 4):
            t = _pick(t, tuple(pltpu.roll(u, sh, axis=0) for u in t))
        v0 = t[0][0:1, :]
        x0 = t[1][0:1, :]
        y0 = t[2][0:1, :]
        z0 = t[3][0:1, :]
        vm = jnp.max(v0, axis=1, keepdims=True)
        mask = v0 == vm
        minl = jnp.min(jnp.where(mask, lane_f, 1e9), axis=1, keepdims=True)

        def _pack(w):
            return jnp.where(
                sub_iota == 0,
                jnp.where(w, x0, 0.0),
                jnp.where(
                    sub_iota == 1,
                    jnp.where(w, y0, 0.0),
                    jnp.where(
                        sub_iota == 2,
                        jnp.where(w, z0, 0.0),
                        jnp.where(
                            (sub_iota == 3) & w, 1.0, 0.0
                        ),
                    ),
                ),
            )

        s = jnp.sum(_pack(mask), axis=1, keepdims=True)

        def _tie():
            u = mask & (lane_f == minl)
            return jnp.sum(_pack(u), axis=1, keepdims=True)

        s = lax.cond(s[3, 0] == 1.0, lambda: s, _tie)
        return (
            jnp.broadcast_to(s[0:1, :], (1, LANES)),
            jnp.broadcast_to(s[1:2, :], (1, LANES)),
            jnp.broadcast_to(s[2:3, :], (1, LANES)),
        )

    lax.fori_loop(0, NUM_KEYPOINTS, body, (cx0, cy0, cz0), unroll=False)


def _corner_math(kp_ref):
    x = kp_ref[:, 0:1]
    y = kp_ref[:, 1:2]
    xi = (x - _PC_X0) / _VOX_X / _STRIDE
    yi = (y - _PC_Y0) / _VOX_Y / _STRIDE
    x0 = jnp.floor(xi).astype(jnp.int32)
    x1 = x0 + 1
    y0 = jnp.floor(yi).astype(jnp.int32)
    y1 = y0 + 1
    x0 = jnp.clip(x0, 0, _BEV_W - 1)
    x1 = jnp.clip(x1, 0, _BEV_W - 1)
    y0 = jnp.clip(y0, 0, _BEV_H - 1)
    y1 = jnp.clip(y1, 0, _BEV_H - 1)
    x0f = x0.astype(jnp.float32)
    x1f = x1.astype(jnp.float32)
    y0f = y0.astype(jnp.float32)
    y1f = y1.astype(jnp.float32)
    wa = (x1f - xi) * (y1f - yi)
    wb = (x1f - xi) * (yi - y0f)
    wc = (xi - x0f) * (y1f - yi)
    wd = (xi - x0f) * (yi - y0f)
    return x0, x1, y0, y1, (wa, wb, wc, wd)


def _prep_body(kp_ref, idx_ref):
    x0, x1, y0, y1, _ = _corner_math(kp_ref)
    ia = y0 * _BEV_W + x0
    ib = y1 * _BEV_W + x0
    ic = y0 * _BEV_W + x1
    id_ = y1 * _BEV_W + x1
    j = lax.broadcasted_iota(jnp.int32, (1, LANES), 1)
    idx_ref[...] = jnp.where(
        j == 0, ia, jnp.where(j == 1, ib, jnp.where(j == 2, ic, id_))
    )


_GATHER_ROWS = 4 * NUM_KEYPOINTS
_NWORK = 32
_PER_W = _GATHER_ROWS // _NWORK
_GCHUNK = 128


def _sc_gather(table, idx):
    mesh = plsc.VectorSubcoreMesh(core_axis_name="c", subcore_axis_name="s")

    @functools.partial(
        pl.kernel,
        out_type=jax.ShapeDtypeStruct((_GATHER_ROWS, C_BEV), jnp.float32),
        mesh=mesh,
        scratch_types=[
            pltpu.VMEM((_GCHUNK,), jnp.int32),
            pltpu.VMEM((_GCHUNK, C_BEV), jnp.float32),
            pltpu.SemaphoreType.DMA,
        ],
    )
    def gather_kernel(table_hbm, idx_hbm, out_hbm, idx_v, rows_v, sem):
        wid = lax.axis_index("s") * 2 + lax.axis_index("c")
        base = wid * _PER_W
        for j in range(_PER_W // _GCHUNK):
            off = base + j * _GCHUNK
            pltpu.sync_copy(idx_hbm.at[pl.ds(off, _GCHUNK)], idx_v)
            pltpu.async_copy(table_hbm.at[idx_v], rows_v, sem).wait()
            pltpu.sync_copy(rows_v, out_hbm.at[pl.ds(off, _GCHUNK)])

    return gather_kernel(table, idx)


def _head_body(
    kp_ref, ia_ref, ib_ref, ic_ref, id_ref, w_ref, gamma_ref, beta_ref, out_ref
):
    _, _, _, _, (wa, wb, wc, wd) = _corner_math(kp_ref)
    pb = (
        ia_ref[...] * wa + ib_ref[...] * wb + ic_ref[...] * wc
        + id_ref[...] * wd
    )
    h = lax.dot_general(
        pb,
        w_ref[...],
        (((1,), (1,)), ((), ())),
        precision=lax.Precision.HIGHEST,
        preferred_element_type=jnp.float32,
    )
    mean = jnp.mean(h, axis=0, keepdims=True)
    cen = h - mean
    var = jnp.mean(cen * cen, axis=0, keepdims=True)
    hn = cen / jnp.sqrt(var + 1e-5) * gamma_ref[...] + beta_ref[...]
    out_ref[...] = jnp.maximum(hn, 0.0)


@jax.jit
def kernel(points, spatial_features, W, gamma, beta):
    xyz = points[:, 1:4]
    x3 = (
        xyz.T.reshape(3, LANES, _SUB, _NCHUNK)
        .transpose(0, 3, 2, 1)
        .reshape(3, ROWS, LANES)
    )

    kp_rows = pl.pallas_call(
        _fps_body,
        out_shape=jax.ShapeDtypeStruct((NUM_KEYPOINTS, LANES), jnp.float32),
        scratch_shapes=[pltpu.VMEM((ROWS, LANES), jnp.float32)],
    )(x3)

    idx_rows = pl.pallas_call(
        _prep_body,
        out_shape=jax.ShapeDtypeStruct((NUM_KEYPOINTS, LANES), jnp.int32),
    )(kp_rows)
    idx = idx_rows[:, :4].T.reshape(_GATHER_ROWS)
    table = jnp.transpose(spatial_features[0], (1, 2, 0)).reshape(
        _BEV_H * _BEV_W, C_BEV
    )
    gathered = _sc_gather(table, idx).reshape(4, NUM_KEYPOINTS, C_BEV)

    point_features = pl.pallas_call(
        _head_body,
        out_shape=jax.ShapeDtypeStruct((NUM_KEYPOINTS, NUM_OUT), jnp.float32),
    )(
        kp_rows,
        gathered[0],
        gathered[1],
        gathered[2],
        gathered[3],
        W,
        gamma.reshape(1, NUM_OUT),
        beta.reshape(1, NUM_OUT),
    )

    keypoints = kp_rows[:, :3]
    point_coords = jnp.concatenate(
        [jnp.zeros((NUM_KEYPOINTS, 1), jnp.float32), keypoints], axis=1
    )
    return point_features, point_coords

# --- scband reference (transcript-rebuilt; emitter-appended) ---
"""Pipeline reference for scband-voxel-set-abstraction-81982335746525 (READ-ONLY COPY).

The authoritative reference and input builder live on the scoring server;
editing this copy changes nothing except your own understanding.
"""

import jax, jax.numpy as jnp
import numpy as np

VOXEL_SIZE = (0.05, 0.05, 0.1)
PC_RANGE = (0.0, -40.0, -3.0, 70.4, 40.0, 1.0)
NUM_KEYPOINTS = 4096
NUM_OUT = 128
C_BEV = 256
BEV_H = 200
BEV_W = 176
N_POINTS = 65536
BEV_STRIDE = 8
BATCH_SIZE = 1


def farthest_point_sample(xyz, npoint):
    # Faithful re-implementation of pointnet2_stack_utils.furthest_point_sample
    # (CUDA kernel initializes the first selected index to 0).
    n = xyz.shape[0]

    def body(i, state):
        idxs, dists, far = state
        idxs = idxs.at[i].set(far)
        c = xyz[far]
        d = jnp.sum((xyz - c) ** 2, axis=1)
        dists = jnp.minimum(dists, d)
        far = jnp.argmax(dists).astype(jnp.int32)
        return (idxs, dists, far)

    idxs = jnp.zeros((npoint,), jnp.int32)
    dists = jnp.full((n,), 1e10, jnp.float32)
    idxs, _, _ = jax.lax.fori_loop(0, npoint, body, (idxs, dists, jnp.int32(0)))
    return idxs


def bilinear_interpolate(im, x, y):
    # Faithful translation of bilinear_interpolate_torch (weights computed from
    # CLAMPED integer coords, exactly as in the torch source).
    x0 = jnp.floor(x).astype(jnp.int32)
    x1 = x0 + 1
    y0 = jnp.floor(y).astype(jnp.int32)
    y1 = y0 + 1
    x0 = jnp.clip(x0, 0, im.shape[1] - 1)
    x1 = jnp.clip(x1, 0, im.shape[1] - 1)
    y0 = jnp.clip(y0, 0, im.shape[0] - 1)
    y1 = jnp.clip(y1, 0, im.shape[0] - 1)
    Ia = im[y0, x0]
    Ib = im[y1, x0]
    Ic = im[y0, x1]
    Id = im[y1, x1]
    wa = (x1.astype(x.dtype) - x) * (y1.astype(y.dtype) - y)
    wb = (x1.astype(x.dtype) - x) * (y - y0.astype(y.dtype))
    wc = (x - x0.astype(x.dtype)) * (y1.astype(y.dtype) - y)
    wd = (x - x0.astype(x.dtype)) * (y - y0.astype(y.dtype))
    return Ia * wa[:, None] + Ib * wb[:, None] + Ic * wc[:, None] + Id * wd[:, None]


def setup_inputs(seed: int = 0) -> dict:
    key = jax.random.key(seed)
    k1, k2, k3 = jax.random.split(key, 3)
    # points: [bs_idx, x, y, z, intensity]; rand in [0,1) so bs_idx.long() == 0 (batch_size=1)
    points = jax.random.uniform(k1, (N_POINTS, 5), dtype=jnp.float32)
    spatial_features = jax.random.normal(k2, (BATCH_SIZE, C_BEV, BEV_H, BEV_W), dtype=jnp.float32)
    # learned params: vsa_point_feature_fusion = Linear(256->128, bias=False) + BatchNorm1d(128) + ReLU
    W = jax.random.normal(k3, (NUM_OUT, C_BEV), dtype=jnp.float32) * (1.0 / np.sqrt(C_BEV))
    gamma = jnp.ones((NUM_OUT,), jnp.float32)
    beta = jnp.zeros((NUM_OUT,), jnp.float32)
    return {"points": points, "spatial_features": spatial_features, "W": W, "gamma": gamma, "beta": beta}


def _forward(points, spatial_features, W, gamma, beta):
    # get_sampled_points (POINT_SOURCE='raw_points', SAMPLE_METHOD='FPS', batch_size=1)
    xyz = points[:, 1:4]
    idxs = farthest_point_sample(jax.lax.stop_gradient(xyz), NUM_KEYPOINTS)  # FPS op has no grad in torch
    keypoints = xyz[idxs][None, :, :]  # (B, K, 3)
    # interpolate_from_bev_features
    x_idxs = (keypoints[:, :, 0] - PC_RANGE[0]) / VOXEL_SIZE[0] / BEV_STRIDE
    y_idxs = (keypoints[:, :, 1] - PC_RANGE[1]) / VOXEL_SIZE[1] / BEV_STRIDE
    feats = []
    for b in range(BATCH_SIZE):
        im = jnp.transpose(spatial_features[b], (1, 2, 0))  # (H, W, C)
        feats.append(bilinear_interpolate(im, x_idxs[b], y_idxs[b])[None])
    point_bev = jnp.concatenate(feats, axis=0)  # (B, K, C_BEV)
    # FEATURES_SOURCE = ['bev'] -> c_in = C_BEV; fusion MLP (Linear no-bias + BN(train) + ReLU)
    pf = point_bev.reshape(-1, C_BEV)
    h = pf @ W.T
    mean = jnp.mean(h, axis=0)
    var = jnp.mean((h - mean) ** 2, axis=0)
    h = (h - mean) / jnp.sqrt(var + 1e-5) * gamma + beta
    point_features = jax.nn.relu(h)
    bs_col = jnp.zeros((BATCH_SIZE * NUM_KEYPOINTS, 1), jnp.float32)
    point_coords = jnp.concatenate([bs_col, keypoints.reshape(-1, 3)], axis=1)
    return point_features, point_coords


def reference(points, spatial_features, W, gamma, beta):
    return _forward(points, spatial_features, W, gamma, beta)

if __name__ == "__main__":
    import jax
    _d = setup_inputs()
    print(jax.jit(kernel)(*tuple(_d.values())))

</pallas_src>

<mosaic_0001>
#map = affine_map<(d0, d1) -> (0, 0)>
#map1 = affine_map<(d0, d1) -> (0)>
module attributes {stable_mosaic.version = 14 : i64} {
  func.func @gather_kernel(%arg0: i32, %arg1: i32, %arg2: memref<35200x256xf32, #tpu.memory_space<hbm>>, %arg3: memref<16384xi32, #tpu.memory_space<hbm>>, %arg4: memref<16384x256xf32, #tpu.memory_space<hbm>>, %arg5: memref<128xi32, #tpu.memory_space<vmem>>, %arg6: memref<128x256xf32, #tpu.memory_space<vmem>>, %arg7: memref<!tpu.dma_semaphore, #tpu.memory_space<semaphore_mem>>) attributes {dimension_semantics = [#tpu.dimension_semantics<core_parallel>, #tpu.dimension_semantics<subcore_parallel>], iteration_bounds = array<i64: 2, 16>, scalar_prefetch = 0 : i64, scratch_operands = 3 : i64, tpu.core_type = #tpu.core_type<sc_vector_subcore>, window_params = [{transform_indices = #map}, {transform_indices = #map1}, {transform_indices = #map}]} {
    %mul3A = arith.constant 2 : i32
    %mul3A_0 = arith.muli %arg1, %mul3A : i32
    %add3A = arith.addi %mul3A_0, %arg0 : i32
    %mul3A_1 = arith.constant 512 : i32
    %mul3A_2 = arith.muli %add3A, %mul3A_1 : i32
    %add3A_3 = arith.constant 0 : i32
    %add3A_4 = arith.addi %mul3A_2, %add3A_3 : i32
    "tpu.region"() ({
      %run_scoped3A = tpu.sem_alloc : memref<!tpu.dma_semaphore, #tpu.memory_space<semaphore_mem>>
      %dma_start3A_33 = tpu.memref_slice %arg3[%add3A_4] : memref<16384xi32, #tpu.memory_space<hbm>> -> memref<128xi32, #tpu.memory_space<hbm>>
      %dma_start3A_34 = tpu.memref_slice %arg3[%add3A_4] : memref<16384xi32, #tpu.memory_space<hbm>> -> memref<128xi32, #tpu.memory_space<hbm>>
      tpu.enqueue_dma source(%dma_start3A_34 : memref<128xi32, #tpu.memory_space<hbm>>) target(%arg5 : memref<128xi32, #tpu.memory_space<vmem>>) target_semaphore(%run_scoped3A : memref<!tpu.dma_semaphore, #tpu.memory_space<semaphore_mem>>)
      %dma_wait3A_35 = tpu.memref_slice %arg3[%add3A_4] : memref<16384xi32, #tpu.memory_space<hbm>> -> memref<128xi32, #tpu.memory_space<hbm>>
      %dma_wait3A_36 = tpu.memref_slice %arg3[%add3A_4] : memref<16384xi32, #tpu.memory_space<hbm>> -> memref<128xi32, #tpu.memory_space<hbm>>
      tpu.wait_dma2 semaphore(%run_scoped3A : memref<!tpu.dma_semaphore, #tpu.memory_space<semaphore_mem>>) src(%dma_wait3A_36 : memref<128xi32, #tpu.memory_space<hbm>>) dst(%arg5 : memref<128xi32, #tpu.memory_space<vmem>>)
      tpu.yield
    }) : () -> ()
    %dma_start3A = arith.constant 0 : i32
    %dma_start3A_5 = arith.constant 0 : i32
    %dma_start3A_6 = tpu.memref_slice %arg2[%dma_start3A, %dma_start3A_5] : memref<35200x256xf32, #tpu.memory_space<hbm>> -> memref<35200x256xf32, #tpu.memory_space<hbm>>
    tpu.enqueue_indirect_dma source(%dma_start3A_6 : memref<35200x256xf32, #tpu.memory_space<hbm>>) target(%arg6 : memref<128x256xf32, #tpu.memory_space<vmem>>) offsets(%arg5 : memref<128xi32, #tpu.memory_space<vmem>>) semaphore(%arg7 : memref<!tpu.dma_semaphore, #tpu.memory_space<semaphore_mem>>)
    %dma_wait3A = arith.constant 0 : i32
    %dma_wait3A_7 = arith.constant 0 : i32
    %dma_wait3A_8 = tpu.memref_slice %arg2[%dma_wait3A, %dma_wait3A_7] : memref<35200x256xf32, #tpu.memory_space<hbm>> -> memref<35200x256xf32, #tpu.memory_space<hbm>>
    tpu.wait_indirect_dma semaphore(%arg7 : memref<!tpu.dma_semaphore, #tpu.memory_space<semaphore_mem>>) src(%dma_wait3A_8 : memref<35200x256xf32, #tpu.memory_space<hbm>>) dst(%arg6 : memref<128x256xf32, #tpu.memory_space<vmem>>)
    "tpu.region"() ({
      %run_scoped3A = tpu.sem_alloc : memref<!tpu.dma_semaphore, #tpu.memory_space<semaphore_mem>>
      %dma_start3A_33 = arith.constant 0 : i32
      %dma_start3A_34 = tpu.memref_slice %arg4[%add3A_4, %dma_start3A_33] : memref<16384x256xf32, #tpu.memory_space<hbm>> -> memref<128x256xf32, #tpu.memory_space<hbm>>
      %dma_start3A_35 = arith.constant 0 : i32
      %dma_start3A_36 = tpu.memref_slice %arg4[%add3A_4, %dma_start3A_35] : memref<16384x256xf32, #tpu.memory_space<hbm>> -> memref<128x256xf32, #tpu.memory_space<hbm>>
      tpu.enqueue_dma source(%arg6 : memref<128x256xf32, #tpu.memory_space<vmem>>) target(%dma_start3A_36 : memref<128x256xf32, #tpu.memory_space<hbm>>) target_semaphore(%run_scoped3A : memref<!tpu.dma_semaphore, #tpu.memory_space<semaphore_mem>>)
      %dma_wait3A_37 = arith.constant 0 : i32
      %dma_wait3A_38 = tpu.memref_slice %arg4[%add3A_4, %dma_wait3A_37] : memref<16384x256xf32, #tpu.memory_space<hbm>> -> memref<128x256xf32, #tpu.memory_space<hbm>>
      %dma_wait3A_39 = arith.constant 0 : i32
      %dma_wait3A_40 = tpu.memref_slice %arg4[%add3A_4, %dma_wait3A_39] : memref<16384x256xf32, #tpu.memory_space<hbm>> -> memref<128x256xf32, #tpu.memory_space<hbm>>
      tpu.wait_dma2 semaphore(%run_scoped3A : memref<!tpu.dma_semaphore, #tpu.memory_space<semaphore_mem>>) src(%arg6 : memref<128x256xf32, #tpu.memory_space<vmem>>) dst(%dma_wait3A_40 : memref<128x256xf32, #tpu.memory_space<hbm>>)
      tpu.yield
    }) : () -> ()
    %add3A_9 = arith.constant 128 : i32
    %add3A_10 = arith.addi %mul3A_2, %add3A_9 : i32
    "tpu.region"() ({
      %run_scoped3A = tpu.sem_alloc : memref<!tpu.dma_semaphore, #tpu.memory_space<semaphore_mem>>
      %dma_start3A_33 = tpu.memref_slice %arg3[%add3A_10] : memref<16384xi32, #tpu.memory_space<hbm>> -> memref<128xi32, #tpu.memory_space<hbm>>
      %dma_start3A_34 = tpu.memref_slice %arg3[%add3A_10] : memref<16384xi32, #tpu.memory_space<hbm>> -> memref<128xi32, #tpu.memory_space<hbm>>
      tpu.enqueue_dma source(%dma_start3A_34 : memref<128xi32, #tpu.memory_space<hbm>>) target(%arg5 : memref<128xi32, #tpu.memory_space<vmem>>) target_semaphore(%run_scoped3A : memref<!tpu.dma_semaphore, #tpu.memory_space<semaphore_mem>>)
      %dma_wait3A_35 = tpu.memref_slice %arg3[%add3A_10] : memref<16384xi32, #tpu.memory_space<hbm>> -> memref<128xi32, #tpu.memory_space<hbm>>
      %dma_wait3A_36 = tpu.memref_slice %arg3[%add3A_10] : memref<16384xi32, #tpu.memory_space<hbm>> -> memref<128xi32, #tpu.memory_space<hbm>>
      tpu.wait_dma2 semaphore(%run_scoped3A : memref<!tpu.dma_semaphore, #tpu.memory_space<semaphore_mem>>) src(%dma_wait3A_36 : memref<128xi32, #tpu.memory_space<hbm>>) dst(%arg5 : memref<128xi32, #tpu.memory_space<vmem>>)
      tpu.yield
    }) : () -> ()
    %dma_start3A_11 = arith.constant 0 : i32
    %dma_start3A_12 = arith.constant 0 : i32
    %dma_start3A_13 = tpu.memref_slice %arg2[%dma_start3A_11, %dma_start3A_12] : memref<35200x256xf32, #tpu.memory_space<hbm>> -> memref<35200x256xf32, #tpu.memory_space<hbm>>
    tpu.enqueue_indirect_dma source(%dma_start3A_13 : memref<35200x256xf32, #tpu.memory_space<hbm>>) target(%arg6 : memref<128x256xf32, #tpu.memory_space<vmem>>) offsets(%arg5 : memref<128xi32, #tpu.memory_space<vmem>>) semaphore(%arg7 : memref<!tpu.dma_semaphore, #tpu.memory_space<semaphore_mem>>)
    %dma_wait3A_14 = arith.constant 0 : i32
    %dma_wait3A_15 = arith.constant 0 : i32
    %dma_wait3A_16 = tpu.memref_slice %arg2[%dma_wait3A_14, %dma_wait3A_15] : memref<35200x256xf32, #tpu.memory_space<hbm>> -> memref<35200x256xf32, #tpu.memory_space<hbm>>
    tpu.wait_indirect_dma semaphore(%arg7 : memref<!tpu.dma_semaphore, #tpu.memory_space<semaphore_mem>>) src(%dma_wait3A_16 : memref<35200x256xf32, #tpu.memory_space<hbm>>) dst(%arg6 : memref<128x256xf32, #tpu.memory_space<vmem>>)
    "tpu.region"() ({
      %run_scoped3A = tpu.sem_alloc : memref<!tpu.dma_semaphore, #tpu.memory_space<semaphore_mem>>
      %dma_start3A_33 = arith.constant 0 : i32
      %dma_start3A_34 = tpu.memref_slice %arg4[%add3A_10, %dma_start3A_33] : memref<16384x256xf32, #tpu.memory_space<hbm>> -> memref<128x256xf32, #tpu.memory_space<hbm>>
      %dma_start3A_35 = arith.constant 0 : i32
      %dma_start3A_36 = tpu.memref_slice %arg4[%add3A_10, %dma_start3A_35] : memref<16384x256xf32, #tpu.memory_space<hbm>> -> memref<128x256xf32, #tpu.memory_space<hbm>>
      tpu.enqueue_dma source(%arg6 : memref<128x256xf32, #tpu.memory_space<vmem>>) target(%dma_start3A_36 : memref<128x256xf32, #tpu.memory_space<hbm>>) target_semaphore(%run_scoped3A : memref<!tpu.dma_semaphore, #tpu.memory_space<semaphore_mem>>)
      %dma_wait3A_37 = arith.constant 0 : i32
      %dma_wait3A_38 = tpu.memref_slice %arg4[%add3A_10, %dma_wait3A_37] : memref<16384x256xf32, #tpu.memory_space<hbm>> -> memref<128x256xf32, #tpu.memory_space<hbm>>
      %dma_wait3A_39 = arith.constant 0 : i32
      %dma_wait3A_40 = tpu.memref_slice %arg4[%add3A_10, %dma_wait3A_39] : memref<16384x256xf32, #tpu.memory_space<hbm>> -> memref<128x256xf32, #tpu.memory_space<hbm>>
      tpu.wait_dma2 semaphore(%run_scoped3A : memref<!tpu.dma_semaphore, #tpu.memory_space<semaphore_mem>>) src(%arg6 : memref<128x256xf32, #tpu.memory_space<vmem>>) dst(%dma_wait3A_40 : memref<128x256xf32, #tpu.memory_space<hbm>>)
      tpu.yield
    }) : () -> ()
    %add3A_17 = arith.constant 256 : i32
    %add3A_18 = arith.addi %mul3A_2, %add3A_17 : i32
    "tpu.region"() ({
      %run_scoped3A = tpu.sem_alloc : memref<!tpu.dma_semaphore, #tpu.memory_space<semaphore_mem>>
      %dma_start3A_33 = tpu.memref_slice %arg3[%add3A_18] : memref<16384xi32, #tpu.memory_space<hbm>> -> memref<128xi32, #tpu.memory_space<hbm>>
      %dma_start3A_34 = tpu.memref_slice %arg3[%add3A_18] : memref<16384xi32, #tpu.memory_space<hbm>> -> memref<128xi32, #tpu.memory_space<hbm>>
      tpu.enqueue_dma source(%dma_start3A_34 : memref<128xi32, #tpu.memory_space<hbm>>) target(%arg5 : memref<128xi32, #tpu.memory_space<vmem>>) target_semaphore(%run_scoped3A : memref<!tpu.dma_semaphore, #tpu.memory_space<semaphore_mem>>)
      %dma_wait3A_35 = tpu.memref_slice %arg3[%add3A_18] : memref<16384xi32, #tpu.memory_space<hbm>> -> memref<128xi32, #tpu.memory_space<hbm>>
      %dma_wait3A_36 = tpu.memref_slice %arg3[%add3A_18] : memref<16384xi32, #tpu.memory_space<hbm>> -> memref<128xi32, #tpu.memory_space<hbm>>
      tpu.wait_dma2 semaphore(%run_scoped3A : memref<!tpu.dma_semaphore, #tpu.memory_space<semaphore_mem>>) src(%dma_wait3A_36 : memref<128xi32, #tpu.memory_space<hbm>>) dst(%arg5 : memref<128xi32, #tpu.memory_space<vmem>>)
      tpu.yield
    }) : () -> ()
    %dma_start3A_19 = arith.constant 0 : i32
    %dma_start3A_20 = arith.constant 0 : i32
    %dma_start3A_21 = tpu.memref_slice %arg2[%dma_start3A_19, %dma_start3A_20] : memref<35200x256xf32, #tpu.memory_space<hbm>> -> memref<35200x256xf32, #tpu.memory_space<hbm>>
    tpu.enqueue_indirect_dma source(%dma_start3A_21 : memref<35200x256xf32, #tpu.memory_space<hbm>>) target(%arg6 : memref<128x256xf32, #tpu.memory_space<vmem>>) offsets(%arg5 : memref<128xi32, #tpu.memory_space<vmem>>) semaphore(%arg7 : memref<!tpu.dma_semaphore, #tpu.memory_space<semaphore_mem>>)
    %dma_wait3A_22 = arith.constant 0 : i32
    %dma_wait3A_23 = arith.constant 0 : i32
    %dma_wait3A_24 = tpu.memref_slice %arg2[%dma_wait3A_22, %dma_wait3A_23] : memref<35200x256xf32, #tpu.memory_space<hbm>> -> memref<35200x256xf32, #tpu.memory_space<hbm>>
    tpu.wait_indirect_dma semaphore(%arg7 : memref<!tpu.dma_semaphore, #tpu.memory_space<semaphore_mem>>) src(%dma_wait3A_24 : memref<35200x256xf32, #tpu.memory_space<hbm>>) dst(%arg6 : memref<128x256xf32, #tpu.memory_space<vmem>>)
    "tpu.region"() ({
      %run_scoped3A = tpu.sem_alloc : memref<!tpu.dma_semaphore, #tpu.memory_space<semaphore_mem>>
      %dma_start3A_33 = arith.constant 0 : i32
      %dma_start3A_34 = tpu.memref_slice %arg4[%add3A_18, %dma_start3A_33] : memref<16384x256xf32, #tpu.memory_space<hbm>> -> memref<128x256xf32, #tpu.memory_space<hbm>>
      %dma_start3A_35 = arith.constant 0 : i32
      %dma_start3A_36 = tpu.memref_slice %arg4[%add3A_18, %dma_start3A_35] : memref<16384x256xf32, #tpu.memory_space<hbm>> -> memref<128x256xf32, #tpu.memory_space<hbm>>
      tpu.enqueue_dma source(%arg6 : memref<128x256xf32, #tpu.memory_space<vmem>>) target(%dma_start3A_36 : memref<128x256xf32, #tpu.memory_space<hbm>>) target_semaphore(%run_scoped3A : memref<!tpu.dma_semaphore, #tpu.memory_space<semaphore_mem>>)
      %dma_wait3A_37 = arith.constant 0 : i32
      %dma_wait3A_38 = tpu.memref_slice %arg4[%add3A_18, %dma_wait3A_37] : memref<16384x256xf32, #tpu.memory_space<hbm>> -> memref<128x256xf32, #tpu.memory_space<hbm>>
      %dma_wait3A_39 = arith.constant 0 : i32
      %dma_wait3A_40 = tpu.memref_slice %arg4[%add3A_18, %dma_wait3A_39] : memref<16384x256xf32, #tpu.memory_space<hbm>> -> memref<128x256xf32, #tpu.memory_space<hbm>>
      tpu.wait_dma2 semaphore(%run_scoped3A : memref<!tpu.dma_semaphore, #tpu.memory_space<semaphore_mem>>) src(%arg6 : memref<128x256xf32, #tpu.memory_space<vmem>>) dst(%dma_wait3A_40 : memref<128x256xf32, #tpu.memory_space<hbm>>)
      tpu.yield
    }) : () -> ()
    %add3A_25 = arith.constant 384 : i32
    %add3A_26 = arith.addi %mul3A_2, %add3A_25 : i32
    "tpu.region"() ({
      %run_scoped3A = tpu.sem_alloc : memref<!tpu.dma_semaphore, #tpu.memory_space<semaphore_mem>>
      %dma_start3A_33 = tpu.memref_slice %arg3[%add3A_26] : memref<16384xi32, #tpu.memory_space<hbm>> -> memref<128xi32, #tpu.memory_space<hbm>>
      %dma_start3A_34 = tpu.memref_slice %arg3[%add3A_26] : memref<16384xi32, #tpu.memory_space<hbm>> -> memref<128xi32, #tpu.memory_space<hbm>>
      tpu.enqueue_dma source(%dma_start3A_34 : memref<128xi32, #tpu.memory_space<hbm>>) target(%arg5 : memref<128xi32, #tpu.memory_space<vmem>>) target_semaphore(%run_scoped3A : memref<!tpu.dma_semaphore, #tpu.memory_space<semaphore_mem>>)
      %dma_wait3A_35 = tpu.memref_slice %arg3[%add3A_26] : memref<16384xi32, #tpu.memory_space<hbm>> -> memref<128xi32, #tpu.memory_space<hbm>>
      %dma_wait3A_36 = tpu.memref_slice %arg3[%add3A_26] : memref<16384xi32, #tpu.memory_space<hbm>> -> memref<128xi32, #tpu.memory_space<hbm>>
      tpu.wait_dma2 semaphore(%run_scoped3A : memref<!tpu.dma_semaphore, #tpu.memory_space<semaphore_mem>>) src(%dma_wait3A_36 : memref<128xi32, #tpu.memory_space<hbm>>) dst(%arg5 : memref<128xi32, #tpu.memory_space<vmem>>)
      tpu.yield
    }) : () -> ()
    %dma_start3A_27 = arith.constant 0 : i32
    %dma_start3A_28 = arith.constant 0 : i32
    %dma_start3A_29 = tpu.memref_slice %arg2[%dma_start3A_27, %dma_start3A_28] : memref<35200x256xf32, #tpu.memory_space<hbm>> -> memref<35200x256xf32, #tpu.memory_space<hbm>>
    tpu.enqueue_indirect_dma source(%dma_start3A_29 : memref<35200x256xf32, #tpu.memory_space<hbm>>) target(%arg6 : memref<128x256xf32, #tpu.memory_space<vmem>>) offsets(%arg5 : memref<128xi32, #tpu.memory_space<vmem>>) semaphore(%arg7 : memref<!tpu.dma_semaphore, #tpu.memory_space<semaphore_mem>>)
    %dma_wait3A_30 = arith.constant 0 : i32
    %dma_wait3A_31 = arith.constant 0 : i32
    %dma_wait3A_32 = tpu.memref_slice %arg2[%dma_wait3A_30, %dma_wait3A_31] : memref<35200x256xf32, #tpu.memory_space<hbm>> -> memref<35200x256xf32, #tpu.memory_space<hbm>>
    tpu.wait_indirect_dma semaphore(%arg7 : memref<!tpu.dma_semaphore, #tpu.memory_space<semaphore_mem>>) src(%dma_wait3A_32 : memref<35200x256xf32, #tpu.memory_space<hbm>>) dst(%arg6 : memref<128x256xf32, #tpu.memory_space<vmem>>)
    "tpu.region"() ({
      %run_scoped3A = tpu.sem_alloc : memref<!tpu.dma_semaphore, #tpu.memory_space<semaphore_mem>>
      %dma_start3A_33 = arith.constant 0 : i32
      %dma_start3A_34 = tpu.memref_slice %arg4[%add3A_26, %dma_start3A_33] : memref<16384x256xf32, #tpu.memory_space<hbm>> -> memref<128x256xf32, #tpu.memory_space<hbm>>
      %dma_start3A_35 = arith.constant 0 : i32
      %dma_start3A_36 = tpu.memref_slice %arg4[%add3A_26, %dma_start3A_35] : memref<16384x256xf32, #tpu.memory_space<hbm>> -> memref<128x256xf32, #tpu.memory_space<hbm>>
      tpu.enqueue_dma source(%arg6 : memref<128x256xf32, #tpu.memory_space<vmem>>) target(%dma_start3A_36 : memref<128x256xf32, #tpu.memory_space<hbm>>) target_semaphore(%run_scoped3A : memref<!tpu.dma_semaphore, #tpu.memory_space<semaphore_mem>>)
      %dma_wait3A_37 = arith.constant 0 : i32
      %dma_wait3A_38 = tpu.memref_slice %arg4[%add3A_26, %dma_wait3A_37] : memref<16384x256xf32, #tpu.memory_space<hbm>> -> memref<128x256xf32, #tpu.memory_space<hbm>>
      %dma_wait3A_39 = arith.constant 0 : i32
      %dma_wait3A_40 = tpu.memref_slice %arg4[%add3A_26, %dma_wait3A_39] : memref<16384x256xf32, #tpu.memory_space<hbm>> -> memref<128x256xf32, #tpu.memory_space<hbm>>
      tpu.wait_dma2 semaphore(%run_scoped3A : memref<!tpu.dma_semaphore, #tpu.memory_space<semaphore_mem>>) src(%arg6 : memref<128x256xf32, #tpu.memory_space<vmem>>) dst(%dma_wait3A_40 : memref<128x256xf32, #tpu.memory_space<hbm>>)
      tpu.yield
    }) : () -> ()
    return
  }
}

module attributes {stable_mosaic.version = 14 : i64} {
  func.func @_fps_body(%arg0: memref<3x512x128xf32, #tpu.memory_space<vmem>>, %arg1: memref<4096x128xf32, #tpu.memory_space<vmem>>, %arg2: memref<512x128xf32, #tpu.memory_space<vmem>>) attributes {dimension_semantics = [], scalar_prefetch = 0 : i64, scratch_operands = 1 : i64, tpu.core_type = #tpu.core_type<tc>} {
    %iota3A = tpu.iota {dimensions = array<i32: 1>} : vector<1x128xi32>
    %iota3A_0 = tpu.iota {dimensions = array<i32: 0>} : vector<8x128xi32>
    %convert_element_type3A = arith.sitofp %iota3A : vector<1x128xi32> to vector<1x128xf32>
    %broadcast_in_dim3A = arith.constant 1.000000e+10 : f32
    %broadcast_in_dim3A_1 = vector.broadcast %broadcast_in_dim3A : f32 to vector<512x128xf32>
    %swap3A = arith.constant 0 : index
    %swap3A_2 = arith.constant 0 : index
    %swap3A_3 = vector.load %arg2[%swap3A, %swap3A_2] : memref<512x128xf32, #tpu.memory_space<vmem>>, vector<512x128xf32>
    tpu.vector_store %arg2[%swap3A, %swap3A_2], %broadcast_in_dim3A_1 {strides = array<i32>} : memref<512x128xf32, #tpu.memory_space<vmem>>, vector<512x128xf32>,
    %eq3A = arith.constant 0 : i32
    %eq3A_4 = vector.broadcast %eq3A : i32 to vector<1x128xi32>
    %eq3A_5 = arith.cmpi eq, %iota3A, %eq3A_4 : vector<1x128xi32>
    %get3A = arith.constant 0 : index
    %get3A_6 = arith.constant 0 : index
    %get3A_7 = arith.constant 0 : index
    %get3A_8 = vector.load %arg0[%get3A, %get3A_6, %get3A_7] : memref<3x512x128xf32, #tpu.memory_space<vmem>>, vector<1x1x128xf32>
    %get3A_9 = vector.shape_cast %get3A_8 : vector<1x1x128xf32> to vector<1x128xf32>
    %jit3A = arith.constant -1.000000e+30 : f32
    %broadcast_in_dim3A_10 = vector.broadcast %jit3A : f32 to vector<1x128xf32>
    %select_n3A = arith.select %eq3A_5, %get3A_9, %broadcast_in_dim3A_10 : vector<1x128xi1>, vector<1x128xf32>
    %reduce_max3A = vector.shape_cast %select_n3A : vector<1x128xf32> to vector<1x1x128xf32>
    %reduce_max3A_11 = arith.constant dense<0xFF800000> : vector<1xf32>
    %reduce_max3A_12 = vector.multi_reduction <maximumf>, %reduce_max3A, %reduce_max3A_11 [1, 2] : vector<1x1x128xf32> to vector<1xf32>
    %reduce_max3A_13 = vector.shape_cast %reduce_max3A_12 : vector<1xf32> to vector<1x1x1xf32>
    %reduce_max3A_14 = vector.extract %reduce_max3A_13[0, 0, 0] : f32 from vector<1x1x1xf32>
    %broadcast_in_dim3A_15 = vector.broadcast %reduce_max3A_14 : f32 to vector<1x128xf32>
    %get3A_16 = arith.constant 1 : index
    %get3A_17 = arith.constant 0 : index
    %get3A_18 = arith.constant 0 : index
    %get3A_19 = vector.load %arg0[%get3A_16, %get3A_17, %get3A_18] : memref<3x512x128xf32, #tpu.memory_space<vmem>>, vector<1x1x128xf32>
    %get3A_20 = vector.shape_cast %get3A_19 : vector<1x1x128xf32> to vector<1x128xf32>
    %jit3A_21 = arith.constant -1.000000e+30 : f32
    %broadcast_in_dim3A_22 = vector.broadcast %jit3A_21 : f32 to vector<1x128xf32>
    %select_n3A_23 = arith.select %eq3A_5, %get3A_20, %broadcast_in_dim3A_22 : vector<1x128xi1>, vector<1x128xf32>
    %reduce_max3A_24 = vector.shape_cast %select_n3A_23 : vector<1x128xf32> to vector<1x1x128xf32>
    %reduce_max3A_25 = arith.constant dense<0xFF800000> : vector<1xf32>
    %reduce_max3A_26 = vector.multi_reduction <maximumf>, %reduce_max3A_24, %reduce_max3A_25 [1, 2] : vector<1x1x128xf32> to vector<1xf32>
    %reduce_max3A_27 = vector.shape_cast %reduce_max3A_26 : vector<1xf32> to vector<1x1x1xf32>
    %reduce_max3A_28 = vector.extract %reduce_max3A_27[0, 0, 0] : f32 from vector<1x1x1xf32>
    %broadcast_in_dim3A_29 = vector.broadcast %reduce_max3A_28 : f32 to vector<1x128xf32>
    %get3A_30 = arith.constant 2 : index
    %get3A_31 = arith.constant 0 : index
    %get3A_32 = arith.constant 0 : index
    %get3A_33 = vector.load %arg0[%get3A_30, %get3A_31, %get3A_32] : memref<3x512x128xf32, #tpu.memory_space<vmem>>, vector<1x1x128xf32>
    %get3A_34 = vector.shape_cast %get3A_33 : vector<1x1x128xf32> to vector<1x128xf32>
    %jit3A_35 = arith.constant -1.000000e+30 : f32
    %broadcast_in_dim3A_36 = vector.broadcast %jit3A_35 : f32 to vector<1x128xf32>
    %select_n3A_37 = arith.select %eq3A_5, %get3A_34, %broadcast_in_dim3A_36 : vector<1x128xi1>, vector<1x128xf32>
    %reduce_max3A_38 = vector.shape_cast %select_n3A_37 : vector<1x128xf32> to vector<1x1x128xf32>
    %reduce_max3A_39 = arith.constant dense<0xFF800000> : vector<1xf32>
    %reduce_max3A_40 = vector.multi_reduction <maximumf>, %reduce_max3A_38, %reduce_max3A_39 [1, 2] : vector<1x1x128xf32> to vector<1xf32>
    %reduce_max3A_41 = vector.shape_cast %reduce_max3A_40 : vector<1xf32> to vector<1x1x1xf32>
    %reduce_max3A_42 = vector.extract %reduce_max3A_41[0, 0, 0] : f32 from vector<1x1x1xf32>
    %broadcast_in_dim3A_43 = vector.broadcast %reduce_max3A_42 : f32 to vector<1x128xf32>
    %scan3A = arith.constant 0 : i32
    %scan3A_44 = arith.constant 4096 : i32
    %scan3A_45 = arith.addi %scan3A, %scan3A_44 : i32
    %scan3A_46 = arith.constant 1 : i32
    %scan3A_47:3 = scf.for %scan3A_49 = %scan3A to %scan3A_45 step %scan3A_46 iter_args(%scan3A_50 = %broadcast_in_dim3A_15, %scan3A_51 = %broadcast_in_dim3A_29, %scan3A_52 = %broadcast_in_dim3A_43) -> (vector<1x128xf32>, vector<1x128xf32>, vector<1x128xf32>)  : i32 {
      %eq3A_53 = arith.constant 0 : i32
      %eq3A_54 = vector.broadcast %eq3A_53 : i32 to vector<1x128xi32>
      %eq3A_55 = arith.cmpi eq, %iota3A, %eq3A_54 : vector<1x128xi32>
      %eq3A_56 = arith.constant 1 : i32
      %eq3A_57 = vector.broadcast %eq3A_56 : i32 to vector<1x128xi32>
      %eq3A_58 = arith.cmpi eq, %iota3A, %eq3A_57 : vector<1x128xi32>
      %eq3A_59 = arith.constant 2 : i32
      %eq3A_60 = vector.broadcast %eq3A_59 : i32 to vector<1x128xi32>
      %eq3A_61 = arith.cmpi eq, %iota3A, %eq3A_60 : vector<1x128xi32>
      %jit3A_62 = arith.constant 0.000000e+00 : f32
      %broadcast_in_dim3A_63 = vector.broadcast %jit3A_62 : f32 to vector<1x128xf32>
      %select_n3A_64 = arith.select %eq3A_61, %scan3A_52, %broadcast_in_dim3A_63 : vector<1x128xi1>, vector<1x128xf32>
      %select_n3A_65 = arith.select %eq3A_58, %scan3A_51, %select_n3A_64 : vector<1x128xi1>, vector<1x128xf32>
      %select_n3A_66 = arith.select %eq3A_55, %scan3A_50, %select_n3A_65 : vector<1x128xi1>, vector<1x128xf32>
      %swap3A_67 = arith.index_cast %scan3A_49 : i32 to index
      %swap3A_68 = arith.constant 0 : index
      %swap3A_69 = vector.load %arg1[%swap3A_67, %swap3A_68] : memref<4096x128xf32, #tpu.memory_space<vmem>>, vector<1x128xf32>
      tpu.vector_store %arg1[%swap3A_67, %swap3A_68], %select_n3A_66 {strides = array<i32>} : memref<4096x128xf32, #tpu.memory_space<vmem>>, vector<1x128xf32>,
      %broadcast_in_dim3A_70 = vector.shape_cast %scan3A_50 : vector<1x128xf32> to vector<1x128xf32>
      %broadcast_in_dim3A_71 = vector.broadcast %broadcast_in_dim3A_70 : vector<1x128xf32> to vector<8x128xf32>
      %broadcast_in_dim3A_72 = vector.shape_cast %scan3A_51 : vector<1x128xf32> to vector<1x128xf32>
      %broadcast_in_dim3A_73 = vector.broadcast %broadcast_in_dim3A_72 : vector<1x128xf32> to vector<8x128xf32>
      %broadcast_in_dim3A_74 = vector.shape_cast %scan3A_52 : vector<1x128xf32> to vector<1x128xf32>
      %broadcast_in_dim3A_75 = vector.broadcast %broadcast_in_dim3A_74 : vector<1x128xf32> to vector<8x128xf32>
      %broadcast_in_dim3A_76 = arith.constant -1.000000e+00 : f32
      %broadcast_in_dim3A_77 = vector.broadcast %broadcast_in_dim3A_76 : f32 to vector<8x128xf32>
      %broadcast_in_dim3A_78 = arith.constant -1.000000e+00 : f32
      %broadcast_in_dim3A_79 = vector.broadcast %broadcast_in_dim3A_78 : f32 to vector<8x128xf32>
      %broadcast_in_dim3A_80 = arith.constant 0.000000e+00 : f32
      %broadcast_in_dim3A_81 = vector.broadcast %broadcast_in_dim3A_80 : f32 to vector<8x128xf32>
      %broadcast_in_dim3A_82 = arith.constant 0.000000e+00 : f32
      %broadcast_in_dim3A_83 = vector.broadcast %broadcast_in_dim3A_82 : f32 to vector<8x128xf32>
      %broadcast_in_dim3A_84 = arith.constant 0.000000e+00 : f32
      %broadcast_in_dim3A_85 = vector.broadcast %broadcast_in_dim3A_84 : f32 to vector<8x128xf32>
      %broadcast_in_dim3A_86 = arith.constant 0.000000e+00 : f32
      %broadcast_in_dim3A_87 = vector.broadcast %broadcast_in_dim3A_86 : f32 to vector<8x128xf32>
      %broadcast_in_dim3A_88 = arith.constant 0.000000e+00 : f32
      %broadcast_in_dim3A_89 = vector.broadcast %broadcast_in_dim3A_88 : f32 to vector<8x128xf32>
      %broadcast_in_dim3A_90 = arith.constant 0.000000e+00 : f32
      %broadcast_in_dim3A_91 = vector.broadcast %broadcast_in_dim3A_90 : f32 to vector<8x128xf32>
      %get3A_92 = arith.constant 0 : index
      %get3A_93 = arith.constant 0 : index
      %get3A_94 = arith.constant 0 : index
      %get3A_95 = vector.load %arg0[%get3A_92, %get3A_93, %get3A_94] : memref<3x512x128xf32, #tpu.memory_space<vmem>>, vector<1x8x128xf32>
      %get3A_96 = vector.shape_cast %get3A_95 : vector<1x8x128xf32> to vector<8x128xf32>
      %get3A_97 = arith.constant 1 : index
      %get3A_98 = arith.constant 0 : index
      %get3A_99 = arith.constant 0 : index
      %get3A_100 = vector.load %arg0[%get3A_97, %get3A_98, %get3A_99] : memref<3x512x128xf32, #tpu.memory_space<vmem>>, vector<1x8x128xf32>
      %get3A_101 = vector.shape_cast %get3A_100 : vector<1x8x128xf32> to vector<8x128xf32>
      %get3A_102 = arith.constant 2 : index
      %get3A_103 = arith.constant 0 : index
      %get3A_104 = arith.constant 0 : index
      %get3A_105 = vector.load %arg0[%get3A_102, %get3A_103, %get3A_104] : memref<3x512x128xf32, #tpu.memory_space<vmem>>, vector<1x8x128xf32>
      %get3A_106 = vector.shape_cast %get3A_105 : vector<1x8x128xf32> to vector<8x128xf32>
      %sub3A = arith.subf %get3A_96, %broadcast_in_dim3A_71 : vector<8x128xf32>
      %sub3A_107 = arith.subf %get3A_101, %broadcast_in_dim3A_73 : vector<8x128xf32>
      %sub3A_108 = arith.subf %get3A_106, %broadcast_in_dim3A_75 : vector<8x128xf32>
      %mul3A = arith.mulf %sub3A, %sub3A : vector<8x128xf32>
      %mul3A_109 = arith.mulf %sub3A_107, %sub3A_107 : vector<8x128xf32>
      %add3A = arith.addf %mul3A, %mul3A_109 : vector<8x128xf32>
      %mul3A_110 = arith.mulf %sub3A_108, %sub3A_108 : vector<8x128xf32>
      %add3A_111 = arith.addf %add3A, %mul3A_110 : vector<8x128xf32>
      %get3A_112 = arith.constant 0 : index
      %get3A_113 = arith.constant 0 : index
      %get3A_114 = vector.load %arg2[%get3A_112, %get3A_113] : memref<512x128xf32, #tpu.memory_space<vmem>>, vector<8x128xf32>
      %min3A = arith.minimumf %get3A_114, %add3A_111 : vector<8x128xf32>
      %swap3A_115 = arith.constant 0 : index
      %swap3A_116 = arith.constant 0 : index
      %swap3A_117 = vector.load %arg2[%swap3A_115, %swap3A_116] : memref<512x128xf32, #tpu.memory_space<vmem>>, vector<8x128xf32>
      tpu.vector_store %arg2[%swap3A_115, %swap3A_116], %min3A {strides = array<i32>} : memref<512x128xf32, #tpu.memory_space<vmem>>, vector<8x128xf32>,
      %gt3A = arith.cmpf ogt, %min3A, %broadcast_in_dim3A_77 : vector<8x128xf32>
      %select_n3A_118 = arith.select %gt3A, %min3A, %broadcast_in_dim3A_77 : vector<8x128xi1>, vector<8x128xf32>
      %select_n3A_119 = arith.select %gt3A, %get3A_96, %broadcast_in_dim3A_81 : vector<8x128xi1>, vector<8x128xf32>
      %select_n3A_120 = arith.select %gt3A, %get3A_101, %broadcast_in_dim3A_85 : vector<8x128xi1>, vector<8x128xf32>
      %select_n3A_121 = arith.select %gt3A, %get3A_106, %broadcast_in_dim3A_89 : vector<8x128xi1>, vector<8x128xf32>
      %get3A_122 = arith.constant 0 : index
      %get3A_123 = arith.constant 8 : index
      %get3A_124 = arith.constant 0 : index
      %get3A_125 = vector.load %arg0[%get3A_122, %get3A_123, %get3A_124] : memref<3x512x128xf32, #tpu.memory_space<vmem>>, vector<1x8x128xf32>
      %get3A_126 = vector.shape_cast %get3A_125 : vector<1x8x128xf32> to vector<8x128xf32>
      %get3A_127 = arith.constant 1 : index
      %get3A_128 = arith.constant 8 : index
      %get3A_129 = arith.constant 0 : index
      %get3A_130 = vector.load %arg0[%get3A_127, %get3A_128, %get3A_129] : memref<3x512x128xf32, #tpu.memory_space<vmem>>, vector<1x8x128xf32>
      %get3A_131 = vector.shape_cast %get3A_130 : vector<1x8x128xf32> to vector<8x128xf32>
      %get3A_132 = arith.constant 2 : index
      %get3A_133 = arith.constant 8 : index
      %get3A_134 = arith.constant 0 : index
      %get3A_135 = vector.load %arg0[%get3A_132, %get3A_133, %get3A_134] : memref<3x512x128xf32, #tpu.memory_space<vmem>>, vector<1x8x128xf32>
      %get3A_136 = vector.shape_cast %get3A_135 : vector<1x8x128xf32> to vector<8x128xf32>
      %sub3A_137 = arith.subf %get3A_126, %broadcast_in_dim3A_71 : vector<8x128xf32>
      %sub3A_138 = arith.subf %get3A_131, %broadcast_in_dim3A_73 : vector<8x128xf32>
      %sub3A_139 = arith.subf %get3A_136, %broadcast_in_dim3A_75 : vector<8x128xf32>
      %mul3A_140 = arith.mulf %sub3A_137, %sub3A_137 : vector<8x128xf32>
      %mul3A_141 = arith.mulf %sub3A_138, %sub3A_138 : vector<8x128xf32>
      %add3A_142 = arith.addf %mul3A_140, %mul3A_141 : vector<8x128xf32>
      %mul3A_143 = arith.mulf %sub3A_139, %sub3A_139 : vector<8x128xf32>
      %add3A_144 = arith.addf %add3A_142, %mul3A_143 : vector<8x128xf32>
      %get3A_145 = arith.constant 8 : index
      %get3A_146 = arith.constant 0 : index
      %get3A_147 = vector.load %arg2[%get3A_145, %get3A_146] : memref<512x128xf32, #tpu.memory_space<vmem>>, vector<8x128xf32>
      %min3A_148 = arith.minimumf %get3A_147, %add3A_144 : vector<8x128xf32>
      %swap3A_149 = arith.constant 8 : index
      %swap3A_150 = arith.constant 0 : index
      %swap3A_151 = vector.load %arg2[%swap3A_149, %swap3A_150] : memref<512x128xf32, #tpu.memory_space<vmem>>, vector<8x128xf32>
      tpu.vector_store %arg2[%swap3A_149, %swap3A_150], %min3A_148 {strides = array<i32>} : memref<512x128xf32, #tpu.memory_space<vmem>>, vector<8x128xf32>,
      %gt3A_152 = arith.cmpf ogt, %min3A_148, %select_n3A_118 : vector<8x128xf32>
      %select_n3A_153 = arith.select %gt3A_152, %min3A_148, %select_n3A_118 : vector<8x128xi1>, vector<8x128xf32>
      %select_n3A_154 = arith.select %gt3A_152, %get3A_126, %select_n3A_119 : vector<8x128xi1>, vector<8x128xf32>
      %select_n3A_155 = arith.select %gt3A_152, %get3A_131, %select_n3A_120 : vector<8x128xi1>, vector<8x128xf32>
      %select_n3A_156 = arith.select %gt3A_152, %get3A_136, %select_n3A_121 : vector<8x128xi1>, vector<8x128xf32>
      %get3A_157 = arith.constant 0 : index
      %get3A_158 = arith.constant 16 : index
      %get3A_159 = arith.constant 0 : index
      %get3A_160 = vector.load %arg0[%get3A_157, %get3A_158, %get3A_159] : memref<3x512x128xf32, #tpu.memory_space<vmem>>, vector<1x8x128xf32>
      %get3A_161 = vector.shape_cast %get3A_160 : vector<1x8x128xf32> to vector<8x128xf32>
      %get3A_162 = arith.constant 1 : index
      %get3A_163 = arith.constant 16 : index
      %get3A_164 = arith.constant 0 : index
      %get3A_165 = vector.load %arg0[%get3A_162, %get3A_163, %get3A_164] : memref<3x512x128xf32, #tpu.memory_space<vmem>>, vector<1x8x128xf32>
      %get3A_166 = vector.shape_cast %get3A_165 : vector<1x8x128xf32> to vector<8x128xf32>
      %get3A_167 = arith.constant 2 : index
      %get3A_168 = arith.constant 16 : index
      %get3A_169 = arith.constant 0 : index
      %get3A_170 = vector.load %arg0[%get3A_167, %get3A_168, %get3A_169] : memref<3x512x128xf32, #tpu.memory_space<vmem>>, vector<1x8x128xf32>
      %get3A_171 = vector.shape_cast %get3A_170 : vector<1x8x128xf32> to vector<8x128xf32>
      %sub3A_172 = arith.subf %get3A_161, %broadcast_in_dim3A_71 : vector<8x128xf32>
      %sub3A_173 = arith.subf %get3A_166, %broadcast_in_dim3A_73 : vector<8x128xf32>
      %sub3A_174 = arith.subf %get3A_171, %broadcast_in_dim3A_75 : vector<8x128xf32>
      %mul3A_175 = arith.mulf %sub3A_172, %sub3A_172 : vector<8x128xf32>
      %mul3A_176 = arith.mulf %sub3A_173, %sub3A_173 : vector<8x128xf32>
      %add3A_177 = arith.addf %mul3A_175, %mul3A_176 : vector<8x128xf32>
      %mul3A_178 = arith.mulf %sub3A_174, %sub3A_174 : vector<8x128xf32>
      %add3A_179 = arith.addf %add3A_177, %mul3A_178 : vector<8x128xf32>
      %get3A_180 = arith.constant 16 : index
      %get3A_181 = arith.constant 0 : index
      %get3A_182 = vector.load %arg2[%get3A_180, %get3A_181] : memref<512x128xf32, #tpu.memory_space<vmem>>, vector<8x128xf32>
      %min3A_183 = arith.minimumf %get3A_182, %add3A_179 : vector<8x128xf32>
      %swap3A_184 = arith.constant 16 : index
      %swap3A_185 = arith.constant 0 : index
      %swap3A_186 = vector.load %arg2[%swap3A_184, %swap3A_185] : memref<512x128xf32, #tpu.memory_space<vmem>>, vector<8x128xf32>
      tpu.vector_store %arg2[%swap3A_184, %swap3A_185], %min3A_183 {strides = array<i32>} : memref<512x128xf32, #tpu.memory_space<vmem>>, vector<8x128xf32>,
      %gt3A_187 = arith.cmpf ogt, %min3A_183, %select_n3A_153 : vector<8x128xf32>
      %select_n3A_188 = arith.select %gt3A_187, %min3A_183, %select_n3A_153 : vector<8x128xi1>, vector<8x128xf32>
      %select_n3A_189 = arith.select %gt3A_187, %get3A_161, %select_n3A_154 : vector<8x128xi1>, vector<8x128xf32>
      %select_n3A_190 = arith.select %gt3A_187, %get3A_166, %select_n3A_155 : vector<8x128xi1>, vector<8x128xf32>
      %select_n3A_191 = arith.select %gt3A_187, %get3A_171, %select_n3A_156 : vector<8x128xi1>, vector<8x128xf32>
      %get3A_192 = arith.constant 0 : index
      %get3A_193 = arith.constant 24 : index
      %get3A_194 = arith.constant 0 : index
      %get3A_195 = vector.load %arg0[%get3A_192, %get3A_193, %get3A_194] : memref<3x512x128xf32, #tpu.memory_space<vmem>>, vector<1x8x128xf32>
      %get3A_196 = vector.shape_cast %get3A_195 : vector<1x8x128xf32> to vector<8x128xf32>
      %get3A_197 = arith.constant 1 : index
      %get3A_198 = arith.constant 24 : index
      %get3A_199 = arith.constant 0 : index
      %get3A_200 = vector.load %arg0[%get3A_197, %get3A_198, %get3A_199] : memref<3x512x128xf32, #tpu.memory_space<vmem>>, vector<1x8x128xf32>
      %get3A_201 = vector.shape_cast %get3A_200 : vector<1x8x128xf32> to vector<8x128xf32>
      %get3A_202 = arith.constant 2 : index
      %get3A_203 = arith.constant 24 : index
      %get3A_204 = arith.constant 0 : index
      %get3A_205 = vector.load %arg0[%get3A_202, %get3A_203, %get3A_204] : memref<3x512x128xf32, #tpu.memory_space<vmem>>, vector<1x8x128xf32>
      %get3A_206 = vector.shape_cast %get3A_205 : vector<1x8x128xf32> to vector<8x128xf32>
      %sub3A_207 = arith.subf %get3A_196, %broadcast_in_dim3A_71 : vector<8x128xf32>
      %sub3A_208 = arith.subf %get3A_201, %broadcast_in_dim3A_73 : vector<8x128xf32>
      %sub3A_209 = arith.subf %get3A_206, %broadcast_in_dim3A_75 : vector<8x128xf32>
      %mul3A_210 = arith.mulf %sub3A_207, %sub3A_207 : vector<8x128xf32>
      %mul3A_211 = arith.mulf %sub3A_208, %sub3A_208 : vector<8x128xf32>
      %add3A_212 = arith.addf %mul3A_210, %mul3A_211 : vector<8x128xf32>
      %mul3A_213 = arith.mulf %sub3A_209, %sub3A_209 : vector<8x128xf32>
      %add3A_214 = arith.addf %add3A_212, %mul3A_213 : vector<8x128xf32>
      %get3A_215 = arith.constant 24 : index
      %get3A_216 = arith.constant 0 : index
      %get3A_217 = vector.load %arg2[%get3A_215, %get3A_216] : memref<512x128xf32, #tpu.memory_space<vmem>>, vector<8x128xf32>
      %min3A_218 = arith.minimumf %get3A_217, %add3A_214 : vector<8x128xf32>
      %swap3A_219 = arith.constant 24 : index
      %swap3A_220 = arith.constant 0 : index
      %swap3A_221 = vector.load %arg2[%swap3A_219, %swap3A_220] : memref<512x128xf32, #tpu.memory_space<vmem>>, vector<8x128xf32>
      tpu.vector_store %arg2[%swap3A_219, %swap3A_220], %min3A_218 {strides = array<i32>} : memref<512x128xf32, #tpu.memory_space<vmem>>, vector<8x128xf32>,
      %gt3A_222 = arith.cmpf ogt, %min3A_218, %select_n3A_188 : vector<8x128xf32>
      %select_n3A_223 = arith.select %gt3A_222, %min3A_218, %select_n3A_188 : vector<8x128xi1>, vector<8x128xf32>
      %select_n3A_224 = arith.select %gt3A_222, %get3A_196, %select_n3A_189 : vector<8x128xi1>, vector<8x128xf32>
      %select_n3A_225 = arith.select %gt3A_222, %get3A_201, %select_n3A_190 : vector<8x128xi1>, vector<8x128xf32>
      %select_n3A_226 = arith.select %gt3A_222, %get3A_206, %select_n3A_191 : vector<8x128xi1>, vector<8x128xf32>
      %get3A_227 = arith.constant 0 : index
      %get3A_228 = arith.constant 32 : index
      %get3A_229 = arith.constant 0 : index
      %get3A_230 = vector.load %arg0[%get3A_227, %get3A_228, %get3A_229] : memref<3x512x128xf32, #tpu.memory_space<vmem>>, vector<1x8x128xf32>
      %get3A_231 = vector.shape_cast %get3A_230 : vector<1x8x128xf32> to vector<8x128xf32>
      %get3A_232 = arith.constant 1 : index
      %get3A_233 = arith.constant 32 : index
      %get3A_234 = arith.constant 0 : index
      %get3A_235 = vector.load %arg0[%get3A_232, %get3A_233, %get3A_234] : memref<3x512x128xf32, #tpu.memory_space<vmem>>, vector<1x8x128xf32>
      %get3A_236 = vector.shape_cast %get3A_235 : vector<1x8x128xf32> to vector<8x128xf32>
      %get3A_237 = arith.constant 2 : index
      %get3A_238 = arith.constant 32 : index
      %get3A_239 = arith.constant 0 : index
      %get3A_240 = vector.load %arg0[%get3A_237, %get3A_238, %get3A_239] : memref<3x512x128xf32, #tpu.memory_space<vmem>>, vector<1x8x128xf32>
      %get3A_241 = vector.shape_cast %get3A_240 : vector<1x8x128xf32> to vector<8x128xf32>
      %sub3A_242 = arith.subf %get3A_231, %broadcast_in_dim3A_71 : vector<8x128xf32>
      %sub3A_243 = arith.subf %get3A_236, %broadcast_in_dim3A_73 : vector<8x128xf32>
      %sub3A_244 = arith.subf %get3A_241, %broadcast_in_dim3A_75 : vector<8x128xf32>
      %mul3A_245 = arith.mulf %sub3A_242, %sub3A_242 : vector<8x128xf32>
      %mul3A_246 = arith.mulf %sub3A_243, %sub3A_243 : vector<8x128xf32>
      %add3A_247 = arith.addf %mul3A_245, %mul3A_246 : vector<8x128xf32>
      %mul3A_248 = arith.mulf %sub3A_244, %sub3A_244 : vector<8x128xf32>
      %add3A_249 = arith.addf %add3A_247, %mul3A_248 : vector<8x128xf32>
      %get3A_250 = arith.constant 32 : index
      %get3A_251 = arith.constant 0 : index
      %get3A_252 = vector.load %arg2[%get3A_250, %get3A_251] : memref<512x128xf32, #tpu.memory_space<vmem>>, vector<8x128xf32>
      %min3A_253 = arith.minimumf %get3A_252, %add3A_249 : vector<8x128xf32>
      %swap3A_254 = arith.constant 32 : index
      %swap3A_255 = arith.constant 0 : index
      %swap3A_256 = vector.load %arg2[%swap3A_254, %swap3A_255] : memref<512x128xf32, #tpu.memory_space<vmem>>, vector<8x128xf32>
      tpu.vector_store %arg2[%swap3A_254, %swap3A_255], %min3A_253 {strides = array<i32>} : memref<512x128xf32, #tpu.memory_space<vmem>>, vector<8x128xf32>,
      %gt3A_257 = arith.cmpf ogt, %min3A_253, %select_n3A_223 : vector<8x128xf32>
      %select_n3A_258 = arith.select %gt3A_257, %min3A_253, %select_n3A_223 : vector<8x128xi1>, vector<8x128xf32>
      %select_n3A_259 = arith.select %gt3A_257, %get3A_231, %select_n3A_224 : vector<8x128xi1>, vector<8x128xf32>
      %select_n3A_260 = arith.select %gt3A_257, %get3A_236, %select_n3A_225 : vector<8x128xi1>, vector<8x128xf32>
      %select_n3A_261 = arith.select %gt3A_257, %get3A_241, %select_n3A_226 : vector<8x128xi1>, vector<8x128xf32>
      %get3A_262 = arith.constant 0 : index
      %get3A_263 = arith.constant 40 : index
      %get3A_264 = arith.constant 0 : index
      %get3A_265 = vector.load %arg0[%get3A_262, %get3A_263, %get3A_264] : memref<3x512x128xf32, #tpu.memory_space<vmem>>, vector<1x8x128xf32>
      %get3A_266 = vector.shape_cast %get3A_265 : vector<1x8x128xf32> to vector<8x128xf32>
      %get3A_267 = arith.constant 1 : index
      %get3A_268 = arith.constant 40 : index
      %get3A_269 = arith.constant 0 : index
      %get3A_270 = vector.load %arg0[%get3A_267, %get3A_268, %get3A_269] : memref<3x512x128xf32, #tpu.memory_space<vmem>>, vector<1x8x128xf32>
      %get3A_271 = vector.shape_cast %get3A_270 : vector<1x8x128xf32> to vector<8x128xf32>
      %get3A_272 = arith.constant 2 : index
      %get3A_273 = arith.constant 40 : index
      %get3A_274 = arith.constant 0 : index
      %get3A_275 = vector.load %arg0[%get3A_272, %get3A_273, %get3A_274] : memref<3x512x128xf32, #tpu.memory_space<vmem>>, vector<1x8x128xf32>
      %get3A_276 = vector.shape_cast %get3A_275 : vector<1x8x128xf32> to vector<8x128xf32>
      %sub3A_277 = arith.subf %get3A_266, %broadcast_in_dim3A_71 : vector<8x128xf32>
      %sub3A_278 = arith.subf %get3A_271, %broadcast_in_dim3A_73 : vector<8x128xf32>
      %sub3A_279 = arith.subf %get3A_276, %broadcast_in_dim3A_75 : vector<8x128xf32>
      %mul3A_280 = arith.mulf %sub3A_277, %sub3A_277 : vector<8x128xf32>
      %mul3A_281 = arith.mulf %sub3A_278, %sub3A_278 : vector<8x128xf32>
      %add3A_282 = arith.addf %mul3A_280, %mul3A_281 : vector<8x128xf32>
      %mul3A_283 = arith.mulf %sub3A_279, %sub3A_279 : vector<8x128xf32>
      %add3A_284 = arith.addf %add3A_282, %mul3A_283 : vector<8x128xf32>
      %get3A_285 = arith.constant 40 : index
      %get3A_286 = arith.constant 0 : index
      %get3A_287 = vector.load %arg2[%get3A_285, %get3A_286] : memref<512x128xf32, #tpu.memory_space<vmem>>, vector<8x128xf32>
      %min3A_288 = arith.minimumf %get3A_287, %add3A_284 : vector<8x128xf32>
      %swap3A_289 = arith.constant 40 : index
      %swap3A_290 = arith.constant 0 : index
      %swap3A_291 = vector.load %arg2[%swap3A_289, %swap3A_290] : memref<512x128xf32, #tpu.memory_space<vmem>>, vector<8x128xf32>
      tpu.vector_store %arg2[%swap3A_289, %swap3A_290], %min3A_288 {strides = array<i32>} : memref<512x128xf32, #tpu.memory_space<vmem>>, vector<8x128xf32>,
      %gt3A_292 = arith.cmpf ogt, %min3A_288, %select_n3A_258 : vector<8x128xf32>
      %select_n3A_293 = arith.select %gt3A_292, %min3A_288, %select_n3A_258 : vector<8x128xi1>, vector<8x128xf32>
      %select_n3A_294 = arith.select %gt3A_292, %get3A_266, %select_n3A_259 : vector<8x128xi1>, vector<8x128xf32>
      %select_n3A_295 = arith.select %gt3A_292, %get3A_271, %select_n3A_260 : vector<8x128xi1>, vector<8x128xf32>
      %select_n3A_296 = arith.select %gt3A_292, %get3A_276, %select_n3A_261 : vector<8x128xi1>, vector<8x128xf32>
      %get3A_297 = arith.constant 0 : index
      %get3A_298 = arith.constant 48 : index
      %get3A_299 = arith.constant 0 : index
      %get3A_300 = vector.load %arg0[%get3A_297, %get3A_298, %get3A_299] : memref<3x512x128xf32, #tpu.memory_space<vmem>>, vector<1x8x128xf32>
      %get3A_301 = vector.shape_cast %get3A_300 : vector<1x8x128xf32> to vector<8x128xf32>
      %get3A_302 = arith.constant 1 : index
      %get3A_303 = arith.constant 48 : index
      %get3A_304 = arith.constant 0 : index
      %get3A_305 = vector.load %arg0[%get3A_302, %get3A_303, %get3A_304] : memref<3x512x128xf32, #tpu.memory_space<vmem>>, vector<1x8x128xf32>
      %get3A_306 = vector.shape_cast %get3A_305 : vector<1x8x128xf32> to vector<8x128xf32>
      %get3A_307 = arith.constant 2 : index
      %get3A_308 = arith.constant 48 : index
      %get3A_309 = arith.constant 0 : index
      %get3A_310 = vector.load %arg0[%get3A_307, %get3A_308, %get3A_309] : memref<3x512x128xf32, #tpu.memory_space<vmem>>, vector<1x8x128xf32>
      %get3A_311 = vector.shape_cast %get3A_310 : vector<1x8x128xf32> to vector<8x128xf32>
      %sub3A_312 = arith.subf %get3A_301, %broadcast_in_dim3A_71 : vector<8x128xf32>
      %sub3A_313 = arith.subf %get3A_306, %broadcast_in_dim3A_73 : vector<8x128xf32>
      %sub3A_314 = arith.subf %get3A_311, %broadcast_in_dim3A_75 : vector<8x128xf32>
      %mul3A_315 = arith.mulf %sub3A_312, %sub3A_312 : vector<8x128xf32>
      %mul3A_316 = arith.mulf %sub3A_313, %sub3A_313 : vector<8x128xf32>
      %add3A_317 = arith.addf %mul3A_315, %mul3A_316 : vector<8x128xf32>
      %mul3A_318 = arith.mulf %sub3A_314, %sub3A_314 : vector<8x128xf32>
      %add3A_319 = arith.addf %add3A_317, %mul3A_318 : vector<8x128xf32>
      %get3A_320 = arith.constant 48 : index
      %get3A_321 = arith.constant 0 : index
      %get3A_322 = vector.load %arg2[%get3A_320, %get3A_321] : memref<512x128xf32, #tpu.memory_space<vmem>>, vector<8x128xf32>
      %min3A_323 = arith.minimumf %get3A_322, %add3A_319 : vector<8x128xf32>
      %swap3A_324 = arith.constant 48 : index
      %swap3A_325 = arith.constant 0 : index
      %swap3A_326 = vector.load %arg2[%swap3A_324, %swap3A_325] : memref<512x128xf32, #tpu.memory_space<vmem>>, vector<8x128xf32>
      tpu.vector_store %arg2[%swap3A_324, %swap3A_325], %min3A_323 {strides = array<i32>} : memref<512x128xf32, #tpu.memory_space<vmem>>, vector<8x128xf32>,
      %gt3A_327 = arith.cmpf ogt, %min3A_323, %select_n3A_293 : vector<8x128xf32>
      %select_n3A_328 = arith.select %gt3A_327, %min3A_323, %select_n3A_293 : vector<8x128xi1>, vector<8x128xf32>
      %select_n3A_329 = arith.select %gt3A_327, %get3A_301, %select_n3A_294 : vector<8x128xi1>, vector<8x128xf32>
      %select_n3A_330 = arith.select %gt3A_327, %get3A_306, %select_n3A_295 : vector<8x128xi1>, vector<8x128xf32>
      %select_n3A_331 = arith.select %gt3A_327, %get3A_311, %select_n3A_296 : vector<8x128xi1>, vector<8x128xf32>
      %get3A_332 = arith.constant 0 : index
      %get3A_333 = arith.constant 56 : index
      %get3A_334 = arith.constant 0 : index
      %get3A_335 = vector.load %arg0[%get3A_332, %get3A_333, %get3A_334] : memref<3x512x128xf32, #tpu.memory_space<vmem>>, vector<1x8x128xf32>
      %get3A_336 = vector.shape_cast %get3A_335 : vector<1x8x128xf32> to vector<8x128xf32>
      %get3A_337 = arith.constant 1 : index
      %get3A_338 = arith.constant 56 : index
      %get3A_339 = arith.constant 0 : index
      %get3A_340 = vector.load %arg0[%get3A_337, %get3A_338, %get3A_339] : memref<3x512x128xf32, #tpu.memory_space<vmem>>, vector<1x8x128xf32>
      %get3A_341 = vector.shape_cast %get3A_340 : vector<1x8x128xf32> to vector<8x128xf32>
      %get3A_342 = arith.constant 2 : index
      %get3A_343 = arith.constant 56 : index
      %get3A_344 = arith.constant 0 : index
      %get3A_345 = vector.load %arg0[%get3A_342, %get3A_343, %get3A_344] : memref<3x512x128xf32, #tpu.memory_space<vmem>>, vector<1x8x128xf32>
      %get3A_346 = vector.shape_cast %get3A_345 : vector<1x8x128xf32> to vector<8x128xf32>
      %sub3A_347 = arith.subf %get3A_336, %broadcast_in_dim3A_71 : vector<8x128xf32>
      %sub3A_348 = arith.subf %get3A_341, %broadcast_in_dim3A_73 : vector<8x128xf32>
      %sub3A_349 = arith.subf %get3A_346, %broadcast_in_dim3A_75 : vector<8x128xf32>
      %mul3A_350 = arith.mulf %sub3A_347, %sub3A_347 : vector<8x128xf32>
      %mul3A_351 = arith.mulf %sub3A_348, %sub3A_348 : vector<8x128xf32>
      %add3A_352 = arith.addf %mul3A_350, %mul3A_351 : vector<8x128xf32>
      %mul3A_353 = arith.mulf %sub3A_349, %sub3A_349 : vector<8x128xf32>
      %add3A_354 = arith.addf %add3A_352, %mul3A_353 : vector<8x128xf32>
      %get3A_355 = arith.constant 56 : index
      %get3A_356 = arith.constant 0 : index
      %get3A_357 = vector.load %arg2[%get3A_355, %get3A_356] : memref<512x128xf32, #tpu.memory_space<vmem>>, vector<8x128xf32>
      %min3A_358 = arith.minimumf %get3A_357, %add3A_354 : vector<8x128xf32>
      %swap3A_359 = arith.constant 56 : index
      %swap3A_360 = arith.constant 0 : index
      %swap3A_361 = vector.load %arg2[%swap3A_359, %swap3A_360] : memref<512x128xf32, #tpu.memory_space<vmem>>, vector<8x128xf32>
      tpu.vector_store %arg2[%swap3A_359, %swap3A_360], %min3A_358 {strides = array<i32>} : memref<512x128xf32, #tpu.memory_space<vmem>>, vector<8x128xf32>,
      %gt3A_362 = arith.cmpf ogt, %min3A_358, %select_n3A_328 : vector<8x128xf32>
      %select_n3A_363 = arith.select %gt3A_362, %min3A_358, %select_n3A_328 : vector<8x128xi1>, vector<8x128xf32>
      %select_n3A_364 = arith.select %gt3A_362, %get3A_336, %select_n3A_329 : vector<8x128xi1>, vector<8x128xf32>
      %select_n3A_365 = arith.select %gt3A_362, %get3A_341, %select_n3A_330 : vector<8x128xi1>, vector<8x128xf32>
      %select_n3A_366 = arith.select %gt3A_362, %get3A_346, %select_n3A_331 : vector<8x128xi1>, vector<8x128xf32>
      %get3A_367 = arith.constant 0 : index
      %get3A_368 = arith.constant 64 : index
      %get3A_369 = arith.constant 0 : index
      %get3A_370 = vector.load %arg0[%get3A_367, %get3A_368, %get3A_369] : memref<3x512x128xf32, #tpu.memory_space<vmem>>, vector<1x8x128xf32>
      %get3A_371 = vector.shape_cast %get3A_370 : vector<1x8x128xf32> to vector<8x128xf32>
      %get3A_372 = arith.constant 1 : index
      %get3A_373 = arith.constant 64 : index
      %get3A_374 = arith.constant 0 : index
      %get3A_375 = vector.load %arg0[%get3A_372, %get3A_373, %get3A_374] : memref<3x512x128xf32, #tpu.memory_space<vmem>>, vector<1x8x128xf32>
      %get3A_376 = vector.shape_cast %get3A_375 : vector<1x8x128xf32> to vector<8x128xf32>
      %get3A_377 = arith.constant 2 : index
      %get3A_378 = arith.constant 64 : index
      %get3A_379 = arith.constant 0 : index
      %get3A_380 = vector.load %arg0[%get3A_377, %get3A_378, %get3A_379] : memref<3x512x128xf32, #tpu.memory_space<vmem>>, vector<1x8x128xf32>
      %get3A_381 = vector.shape_cast %get3A_380 : vector<1x8x128xf32> to vector<8x128xf32>
      %sub3A_382 = arith.subf %get3A_371, %broadcast_in_dim3A_71 : vector<8x128xf32>
      %sub3A_383 = arith.subf %get3A_376, %broadcast_in_dim3A_73 : vector<8x128xf32>
      %sub3A_384 = arith.subf %get3A_381, %broadcast_in_dim3A_75 : vector<8x128xf32>
      %mul3A_385 = arith.mulf %sub3A_382, %sub3A_382 : vector<8x128xf32>
      %mul3A_386 = arith.mulf %sub3A_383, %sub3A_383 : vector<8x128xf32>
      %add3A_387 = arith.addf %mul3A_385, %mul3A_386 : vector<8x128xf32>
      %mul3A_388 = arith.mulf %sub3A_384, %sub3A_384 : vector<8x128xf32>
      %add3A_389 = arith.addf %add3A_387, %mul3A_388 : vector<8x128xf32>
      %get3A_390 = arith.constant 64 : index
      %get3A_391 = arith.constant 0 : index
      %get3A_392 = vector.load %arg2[%get3A_390, %get3A_391] : memref<512x128xf32, #tpu.memory_space<vmem>>, vector<8x128xf32>
      %min3A_393 = arith.minimumf %get3A_392, %add3A_389 : vector<8x128xf32>
      %swap3A_394 = arith.constant 64 : index
      %swap3A_395 = arith.constant 0 : index
      %swap3A_396 = vector.load %arg2[%swap3A_394, %swap3A_395] : memref<512x128xf32, #tpu.memory_space<vmem>>, vector<8x128xf32>
      tpu.vector_store %arg2[%swap3A_394, %swap3A_395], %min3A_393 {strides = array<i32>} : memref<512x128xf32, #tpu.memory_space<vmem>>, vector<8x128xf32>,
      %gt3A_397 = arith.cmpf ogt, %min3A_393, %select_n3A_363 : vector<8x128xf32>
      %select_n3A_398 = arith.select %gt3A_397, %min3A_393, %select_n3A_363 : vector<8x128xi1>, vector<8x128xf32>
      %select_n3A_399 = arith.select %gt3A_397, %get3A_371, %select_n3A_364 : vector<8x128xi1>, vector<8x128xf32>
      %select_n3A_400 = arith.select %gt3A_397, %get3A_376, %select_n3A_365 : vector<8x128xi1>, vector<8x128xf32>
      %select_n3A_401 = arith.select %gt3A_397, %get3A_381, %select_n3A_366 : vector<8x128xi1>, vector<8x128xf32>
      %get3A_402 = arith.constant 0 : index
      %get3A_403 = arith.constant 72 : index
      %get3A_404 = arith.constant 0 : index
      %get3A_405 = vector.load %arg0[%get3A_402, %get3A_403, %get3A_404] : memref<3x512x128xf32, #tpu.memory_space<vmem>>, vector<1x8x128xf32>
      %get3A_406 = vector.shape_cast %get3A_405 : vector<1x8x128xf32> to vector<8x128xf32>
      %get3A_407 = arith.constant 1 : index
      %get3A_408 = arith.constant 72 : index
      %get3A_409 = arith.constant 0 : index
      %get3A_410 = vector.load %arg0[%get3A_407, %get3A_408, %get3A_409] : memref<3x512x128xf32, #tpu.memory_space<vmem>>, vector<1x8x128xf32>
      %get3A_411 = vector.shape_cast %get3A_410 : vector<1x8x128xf32> to vector<8x128xf32>
      %get3A_412 = arith.constant 2 : index
      %get3A_413 = arith.constant 72 : index
      %get3A_414 = arith.constant 0 : index
      %get3A_415 = vector.load %arg0[%get3A_412, %get3A_413, %get3A_414] : memref<3x512x128xf32, #tpu.memory_space<vmem>>, vector<1x8x128xf32>
      %get3A_416 = vector.shape_cast %get3A_415 : vector<1x8x128xf32> to vector<8x128xf32>
      %sub3A_417 = arith.subf %get3A_406, %broadcast_in_dim3A_71 : vector<8x128xf32>
      %sub3A_418 = arith.subf %get3A_411, %broadcast_in_dim3A_73 : vector<8x128xf32>
      %sub3A_419 = arith.subf %get3A_416, %broadcast_in_dim3A_75 : vector<8x128xf32>
      %mul3A_420 = arith.mulf %sub3A_417, %sub3A_417 : vector<8x128xf32>
      %mul3A_421 = arith.mulf %sub3A_418, %sub3A_418 : vector<8x128xf32>
      %add3A_422 = arith.addf %mul3A_420, %mul3A_421 : vector<8x128xf32>
      %mul3A_423 = arith.mulf %sub3A_419, %sub3A_419 : vector<8x128xf32>
      %add3A_424 = arith.addf %add3A_422, %mul3A_423 : vector<8x128xf32>
      %get3A_425 = arith.constant 72 : index
      %get3A_426 = arith.constant 0 : index
      %get3A_427 = vector.load %arg2[%get3A_425, %get3A_426] : memref<512x128xf32, #tpu.memory_space<vmem>>, vector<8x128xf32>
      %min3A_428 = arith.minimumf %get3A_427, %add3A_424 : vector<8x128xf32>
      %swap3A_429 = arith.constant 72 : index
      %swap3A_430 = arith.constant 0 : index
      %swap3A_431 = vector.load %arg2[%swap3A_429, %swap3A_430] : memref<512x128xf32, #tpu.memory_space<vmem>>, vector<8x128xf32>
      tpu.vector_store %arg2[%swap3A_429, %swap3A_430], %min3A_428 {strides = array<i32>} : memref<512x128xf32, #tpu.memory_space<vmem>>, vector<8x128xf32>,
      %gt3A_432 = arith.cmpf ogt, %min3A_428, %select_n3A_398 : vector<8x128xf32>
      %select_n3A_433 = arith.select %gt3A_432, %min3A_428, %select_n3A_398 : vector<8x128xi1>, vector<8x128xf32>
      %select_n3A_434 = arith.select %gt3A_432, %get3A_406, %select_n3A_399 : vector<8x128xi1>, vector<8x128xf32>
      %select_n3A_435 = arith.select %gt3A_432, %get3A_411, %select_n3A_400 : vector<8x128xi1>, vector<8x128xf32>
      %select_n3A_436 = arith.select %gt3A_432, %get3A_416, %select_n3A_401 : vector<8x128xi1>, vector<8x128xf32>
      %get3A_437 = arith.constant 0 : index
      %get3A_438 = arith.constant 80 : index
      %get3A_439 = arith.constant 0 : index
      %get3A_440 = vector.load %arg0[%get3A_437, %get3A_438, %get3A_439] : memref<3x512x128xf32, #tpu.memory_space<vmem>>, vector<1x8x128xf32>
      %get3A_441 = vector.shape_cast %get3A_440 : vector<1x8x128xf32> to vector<8x128xf32>
      %get3A_442 = arith.constant 1 : index
      %get3A_443 = arith.constant 80 : index
      %get3A_444 = arith.constant 0 : index
      %get3A_445 = vector.load %arg0[%get3A_442, %get3A_443, %get3A_444] : memref<3x512x128xf32, #tpu.memory_space<vmem>>, vector<1x8x128xf32>
      %get3A_446 = vector.shape_cast %get3A_445 : vector<1x8x128xf32> to vector<8x128xf32>
      %get3A_447 = arith.constant 2 : index
      %get3A_448 = arith.constant 80 : index
      %get3A_449 = arith.constant 0 : index
      %get3A_450 = vector.load %arg0[%get3A_447, %get3A_448, %get3A_449] : memref<3x512x128xf32, #tpu.memory_space<vmem>>, vector<1x8x128xf32>
      %get3A_451 = vector.shape_cast %get3A_450 : vector<1x8x128xf32> to vector<8x128xf32>
      %sub3A_452 = arith.subf %get3A_441, %broadcast_in_dim3A_71 : vector<8x128xf32>
      %sub3A_453 = arith.subf %get3A_446, %broadcast_in_dim3A_73 : vector<8x128xf32>
      %sub3A_454 = arith.subf %get3A_451, %broadcast_in_dim3A_75 : vector<8x128xf32>
      %mul3A_455 = arith.mulf %sub3A_452, %sub3A_452 : vector<8x128xf32>
      %mul3A_456 = arith.mulf %sub3A_453, %sub3A_453 : vector<8x128xf32>
      %add3A_457 = arith.addf %mul3A_455, %mul3A_456 : vector<8x128xf32>
      %mul3A_458 = arith.mulf %sub3A_454, %sub3A_454 : vector<8x128xf32>
      %add3A_459 = arith.addf %add3A_457, %mul3A_458 : vector<8x128xf32>
      %get3A_460 = arith.constant 80 : index
      %get3A_461 = arith.constant 0 : index
      %get3A_462 = vector.load %arg2[%get3A_460, %get3A_461] : memref<512x128xf32, #tpu.memory_space<vmem>>, vector<8x128xf32>
      %min3A_463 = arith.minimumf %get3A_462, %add3A_459 : vector<8x128xf32>
      %swap3A_464 = arith.constant 80 : index
      %swap3A_465 = arith.constant 0 : index
      %swap3A_466 = vector.load %arg2[%swap3A_464, %swap3A_465] : memref<512x128xf32, #tpu.memory_space<vmem>>, vector<8x128xf32>
      tpu.vector_store %arg2[%swap3A_464, %swap3A_465], %min3A_463 {strides = array<i32>} : memref<512x128xf32, #tpu.memory_space<vmem>>, vector<8x128xf32>,
      %gt3A_467 = arith.cmpf ogt, %min3A_463, %select_n3A_433 : vector<8x128xf32>
      %select_n3A_468 = arith.select %gt3A_467, %min3A_463, %select_n3A_433 : vector<8x128xi1>, vector<8x128xf32>
      %select_n3A_469 = arith.select %gt3A_467, %get3A_441, %select_n3A_434 : vector<8x128xi1>, vector<8x128xf32>
      %select_n3A_470 = arith.select %gt3A_467, %get3A_446, %select_n3A_435 : vector<8x128xi1>, vector<8x128xf32>
      %select_n3A_471 = arith.select %gt3A_467, %get3A_451, %select_n3A_436 : vector<8x128xi1>, vector<8x128xf32>
      %get3A_472 = arith.constant 0 : index
      %get3A_473 = arith.constant 88 : index
      %get3A_474 = arith.constant 0 : index
      %get3A_475 = vector.load %arg0[%get3A_472, %get3A_473, %get3A_474] : memref<3x512x128xf32, #tpu.memory_space<vmem>>, vector<1x8x128xf32>
      %get3A_476 = vector.shape_cast %get3A_475 : vector<1x8x128xf32> to vector<8x128xf32>
      %get3A_477 = arith.constant 1 : index
      %get3A_478 = arith.constant 88 : index
      %get3A_479 = arith.constant 0 : index
      %get3A_480 = vector.load %arg0[%get3A_477, %get3A_478, %get3A_479] : memref<3x512x128xf32, #tpu.memory_space<vmem>>, vector<1x8x128xf32>
      %get3A_481 = vector.shape_cast %get3A_480 : vector<1x8x128xf32> to vector<8x128xf32>
      %get3A_482 = arith.constant 2 : index
      %get3A_483 = arith.constant 88 : index
      %get3A_484 = arith.constant 0 : index
      %get3A_485 = vector.load %arg0[%get3A_482, %get3A_483, %get3A_484] : memref<3x512x128xf32, #tpu.memory_space<vmem>>, vector<1x8x128xf32>
      %get3A_486 = vector.shape_cast %get3A_485 : vector<1x8x128xf32> to vector<8x128xf32>
      %sub3A_487 = arith.subf %get3A_476, %broadcast_in_dim3A_71 : vector<8x128xf32>
      %sub3A_488 = arith.subf %get3A_481, %broadcast_in_dim3A_73 : vector<8x128xf32>
      %sub3A_489 = arith.subf %get3A_486, %broadcast_in_dim3A_75 : vector<8x128xf32>
      %mul3A_490 = arith.mulf %sub3A_487, %sub3A_487 : vector<8x128xf32>
      %mul3A_491 = arith.mulf %sub3A_488, %sub3A_488 : vector<8x128xf32>
      %add3A_492 = arith.addf %mul3A_490, %mul3A_491 : vector<8x128xf32>
      %mul3A_493 = arith.mulf %sub3A_489, %sub3A_489 : vector<8x128xf32>
      %add3A_494 = arith.addf %add3A_492, %mul3A_493 : vector<8x128xf32>
      %get3A_495 = arith.constant 88 : index
      %get3A_496 = arith.constant 0 : index
      %get3A_497 = vector.load %arg2[%get3A_495, %get3A_496] : memref<512x128xf32, #tpu.memory_space<vmem>>, vector<8x128xf32>
      %min3A_498 = arith.minimumf %get3A_497, %add3A_494 : vector<8x128xf32>
      %swap3A_499 = arith.constant 88 : index
      %swap3A_500 = arith.constant 0 : index
      %swap3A_501 = vector.load %arg2[%swap3A_499, %swap3A_500] : memref<512x128xf32, #tpu.memory_space<vmem>>, vector<8x128xf32>
      tpu.vector_store %arg2[%swap3A_499, %swap3A_500], %min3A_498 {strides = array<i32>} : memref<512x128xf32, #tpu.memory_space<vmem>>, vector<8x128xf32>,
      %gt3A_502 = arith.cmpf ogt, %min3A_498, %select_n3A_468 : vector<8x128xf32>
      %select_n3A_503 = arith.select %gt3A_502, %min3A_498, %select_n3A_468 : vector<8x128xi1>, vector<8x128xf32>
      %select_n3A_504 = arith.select %gt3A_502, %get3A_476, %select_n3A_469 : vector<8x128xi1>, vector<8x128xf32>
      %select_n3A_505 = arith.select %gt3A_502, %get3A_481, %select_n3A_470 : vector<8x128xi1>, vector<8x128xf32>
      %select_n3A_506 = arith.select %gt3A_502, %get3A_486, %select_n3A_471 : vector<8x128xi1>, vector<8x128xf32>
      %get3A_507 = arith.constant 0 : index
      %get3A_508 = arith.constant 96 : index
      %get3A_509 = arith.constant 0 : index
      %get3A_510 = vector.load %arg0[%get3A_507, %get3A_508, %get3A_509] : memref<3x512x128xf32, #tpu.memory_space<vmem>>, vector<1x8x128xf32>
      %get3A_511 = vector.shape_cast %get3A_510 : vector<1x8x128xf32> to vector<8x128xf32>
      %get3A_512 = arith.constant 1 : index
      %get3A_513 = arith.constant 96 : index
      %get3A_514 = arith.constant 0 : index
      %get3A_515 = vector.load %arg0[%get3A_512, %get3A_513, %get3A_514] : memref<3x512x128xf32, #tpu.memory_space<vmem>>, vector<1x8x128xf32>
      %get3A_516 = vector.shape_cast %get3A_515 : vector<1x8x128xf32> to vector<8x128xf32>
      %get3A_517 = arith.constant 2 : index
      %get3A_518 = arith.constant 96 : index
      %get3A_519 = arith.constant 0 : index
      %get3A_520 = vector.load %arg0[%get3A_517, %get3A_518, %get3A_519] : memref<3x512x128xf32, #tpu.memory_space<vmem>>, vector<1x8x128xf32>
      %get3A_521 = vector.shape_cast %get3A_520 : vector<1x8x128xf32> to vector<8x128xf32>
      %sub3A_522 = arith.subf %get3A_511, %broadcast_in_dim3A_71 : vector<8x128xf32>
      %sub3A_523 = arith.subf %get3A_516, %broadcast_in_dim3A_73 : vector<8x128xf32>
      %sub3A_524 = arith.subf %get3A_521, %broadcast_in_dim3A_75 : vector<8x128xf32>
      %mul3A_525 = arith.mulf %sub3A_522, %sub3A_522 : vector<8x128xf32>
      %mul3A_526 = arith.mulf %sub3A_523, %sub3A_523 : vector<8x128xf32>
      %add3A_527 = arith.addf %mul3A_525, %mul3A_526 : vector<8x128xf32>
      %mul3A_528 = arith.mulf %sub3A_524, %sub3A_524 : vector<8x128xf32>
      %add3A_529 = arith.addf %add3A_527, %mul3A_528 : vector<8x128xf32>
      %get3A_530 = arith.constant 96 : index
      %get3A_531 = arith.constant 0 : index
      %get3A_532 = vector.load %arg2[%get3A_530, %get3A_531] : memref<512x128xf32, #tpu.memory_space<vmem>>, vector<8x128xf32>
      %min3A_533 = arith.minimumf %get3A_532, %add3A_529 : vector<8x128xf32>
      %swap3A_534 = arith.constant 96 : index
      %swap3A_535 = arith.constant 0 : index
      %swap3A_536 = vector.load %arg2[%swap3A_534, %swap3A_535] : memref<512x128xf32, #tpu.memory_space<vmem>>, vector<8x128xf32>
      tpu.vector_store %arg2[%swap3A_534, %swap3A_535], %min3A_533 {strides = array<i32>} : memref<512x128xf32, #tpu.memory_space<vmem>>, vector<8x128xf32>,
      %gt3A_537 = arith.cmpf ogt, %min3A_533, %select_n3A_503 : vector<8x128xf32>
      %select_n3A_538 = arith.select %gt3A_537, %min3A_533, %select_n3A_503 : vector<8x128xi1>, vector<8x128xf32>
      %select_n3A_539 = arith.select %gt3A_537, %get3A_511, %select_n3A_504 : vector<8x128xi1>, vector<8x128xf32>
      %select_n3A_540 = arith.select %gt3A_537, %get3A_516, %select_n3A_505 : vector<8x128xi1>, vector<8x128xf32>
      %select_n3A_541 = arith.select %gt3A_537, %get3A_521, %select_n3A_506 : vector<8x128xi1>, vector<8x128xf32>
      %get3A_542 = arith.constant 0 : index
      %get3A_543 = arith.constant 104 : index
      %get3A_544 = arith.constant 0 : index
      %get3A_545 = vector.load %arg0[%get3A_542, %get3A_543, %get3A_544] : memref<3x512x128xf32, #tpu.memory_space<vmem>>, vector<1x8x128xf32>
      %get3A_546 = vector.shape_cast %get3A_545 : vector<1x8x128xf32> to vector<8x128xf32>
      %get3A_547 = arith.constant 1 : index
      %get3A_548 = arith.constant 104 : index
      %get3A_549 = arith.constant 0 : index
      %get3A_550 = vector.load %arg0[%get3A_547, %get3A_548, %get3A_549] : memref<3x512x128xf32, #tpu.memory_space<vmem>>, vector<1x8x128xf32>
      %get3A_551 = vector.shape_cast %get3A_550 : vector<1x8x128xf32> to vector<8x128xf32>
      %get3A_552 = arith.constant 2 : index
      %get3A_553 = arith.constant 104 : index
      %get3A_554 = arith.constant 0 : index
      %get3A_555 = vector.load %arg0[%get3A_552, %get3A_553, %get3A_554] : memref<3x512x128xf32, #tpu.memory_space<vmem>>, vector<1x8x128xf32>
      %get3A_556 = vector.shape_cast %get3A_555 : vector<1x8x128xf32> to vector<8x128xf32>
      %sub3A_557 = arith.subf %get3A_546, %broadcast_in_dim3A_71 : vector<8x128xf32>
      %sub3A_558 = arith.subf %get3A_551, %broadcast_in_dim3A_73 : vector<8x128xf32>
      %sub3A_559 = arith.subf %get3A_556, %broadcast_in_dim3A_75 : vector<8x128xf32>
      %mul3A_560 = arith.mulf %sub3A_557, %sub3A_557 : vector<8x128xf32>
      %mul3A_561 = arith.mulf %sub3A_558, %sub3A_558 : vector<8x128xf32>
      %add3A_562 = arith.addf %mul3A_560, %mul3A_561 : vector<8x128xf32>
      %mul3A_563 = arith.mulf %sub3A_559, %sub3A_559 : vector<8x128xf32>
      %add3A_564 = arith.addf %add3A_562, %mul3A_563 : vector<8x128xf32>
      %get3A_565 = arith.constant 104 : index
      %get3A_566 = arith.constant 0 : index
      %get3A_567 = vector.load %arg2[%get3A_565, %get3A_566] : memref<512x128xf32, #tpu.memory_space<vmem>>, vector<8x128xf32>
      %min3A_568 = arith.minimumf %get3A_567, %add3A_564 : vector<8x128xf32>
      %swap3A_569 = arith.constant 104 : index
      %swap3A_570 = arith.constant 0 : index
      %swap3A_571 = vector.load %arg2[%swap3A_569, %swap3A_570] : memref<512x128xf32, #tpu.memory_space<vmem>>, vector<8x128xf32>
      tpu.vector_store %arg2[%swap3A_569, %swap3A_570], %min3A_568 {strides = array<i32>} : memref<512x128xf32, #tpu.memory_space<vmem>>, vector<8x128xf32>,
      %gt3A_572 = arith.cmpf ogt, %min3A_568, %select_n3A_538 : vector<8x128xf32>
      %select_n3A_573 = arith.select %gt3A_572, %min3A_568, %select_n3A_538 : vector<8x128xi1>, vector<8x128xf32>
      %select_n3A_574 = arith.select %gt3A_572, %get3A_546, %select_n3A_539 : vector<8x128xi1>, vector<8x128xf32>
      %select_n3A_575 = arith.select %gt3A_572, %get3A_551, %select_n3A_540 : vector<8x128xi1>, vector<8x128xf32>
      %select_n3A_576 = arith.select %gt3A_572, %get3A_556, %select_n3A_541 : vector<8x128xi1>, vector<8x128xf32>
      %get3A_577 = arith.constant 0 : index
      %get3A_578 = arith.constant 112 : index
      %get3A_579 = arith.constant 0 : index
      %get3A_580 = vector.load %arg0[%get3A_577, %get3A_578, %get3A_579] : memref<3x512x128xf32, #tpu.memory_space<vmem>>, vector<1x8x128xf32>
      %get3A_581 = vector.shape_cast %get3A_580 : vector<1x8x128xf32> to vector<8x128xf32>
      %get3A_582 = arith.constant 1 : index
      %get3A_583 = arith.constant 112 : index
      %get3A_584 = arith.constant 0 : index
      %get3A_585 = vector.load %arg0[%get3A_582, %get3A_583, %get3A_584] : memref<3x512x128xf32, #tpu.memory_space<vmem>>, vector<1x8x128xf32>
      %get3A_586 = vector.shape_cast %get3A_585 : vector<1x8x128xf32> to vector<8x128xf32>
      %get3A_587 = arith.constant 2 : index
      %get3A_588 = arith.constant 112 : index
      %get3A_589 = arith.constant 0 : index
      %get3A_590 = vector.load %arg0[%get3A_587, %get3A_588, %get3A_589] : memref<3x512x128xf32, #tpu.memory_space<vmem>>, vector<1x8x128xf32>
      %get3A_591 = vector.shape_cast %get3A_590 : vector<1x8x128xf32> to vector<8x128xf32>
      %sub3A_592 = arith.subf %get3A_581, %broadcast_in_dim3A_71 : vector<8x128xf32>
      %sub3A_593 = arith.subf %get3A_586, %broadcast_in_dim3A_73 : vector<8x128xf32>
      %sub3A_594 = arith.subf %get3A_591, %broadcast_in_dim3A_75 : vector<8x128xf32>
      %mul3A_595 = arith.mulf %sub3A_592, %sub3A_592 : vector<8x128xf32>
      %mul3A_596 = arith.mulf %sub3A_593, %sub3A_593 : vector<8x128xf32>
      %add3A_597 = arith.addf %mul3A_595, %mul3A_596 : vector<8x128xf32>
      %mul3A_598 = arith.mulf %sub3A_594, %sub3A_594 : vector<8x128xf32>
      %add3A_599 = arith.addf %add3A_597, %mul3A_598 : vector<8x128xf32>
      %get3A_600 = arith.constant 112 : index
      %get3A_601 = arith.constant 0 : index
      %get3A_602 = vector.load %arg2[%get3A_600, %get3A_601] : memref<512x128xf32, #tpu.memory_space<vmem>>, vector<8x128xf32>
      %min3A_603 = arith.minimumf %get3A_602, %add3A_599 : vector<8x128xf32>
      %swap3A_604 = arith.constant 112 : index
      %swap3A_605 = arith.constant 0 : index
      %swap3A_606 = vector.load %arg2[%swap3A_604, %swap3A_605] : memref<512x128xf32, #tpu.memory_space<vmem>>, vector<8x128xf32>
      tpu.vector_store %arg2[%swap3A_604, %swap3A_605], %min3A_603 {strides = array<i32>} : memref<512x128xf32, #tpu.memory_space<vmem>>, vector<8x128xf32>,
      %gt3A_607 = arith.cmpf ogt, %min3A_603, %select_n3A_573 : vector<8x128xf32>
      %select_n3A_608 = arith.select %gt3A_607, %min3A_603, %select_n3A_573 : vector<8x128xi1>, vector<8x128xf32>
      %select_n3A_609 = arith.select %gt3A_607, %get3A_581, %select_n3A_574 : vector<8x128xi1>, vector<8x128xf32>
      %select_n3A_610 = arith.select %gt3A_607, %get3A_586, %select_n3A_575 : vector<8x128xi1>, vector<8x128xf32>
      %select_n3A_611 = arith.select %gt3A_607, %get3A_591, %select_n3A_576 : vector<8x128xi1>, vector<8x128xf32>
      %get3A_612 = arith.constant 0 : index
      %get3A_613 = arith.constant 120 : index
      %get3A_614 = arith.constant 0 : index
      %get3A_615 = vector.load %arg0[%get3A_612, %get3A_613, %get3A_614] : memref<3x512x128xf32, #tpu.memory_space<vmem>>, vector<1x8x128xf32>
      %get3A_616 = vector.shape_cast %get3A_615 : vector<1x8x128xf32> to vector<8x128xf32>
      %get3A_617 = arith.constant 1 : index
      %get3A_618 = arith.constant 120 : index
      %get3A_619 = arith.constant 0 : index
      %get3A_620 = vector.load %arg0[%get3A_617, %get3A_618, %get3A_619] : memref<3x512x128xf32, #tpu.memory_space<vmem>>, vector<1x8x128xf32>
      %get3A_621 = vector.shape_cast %get3A_620 : vector<1x8x128xf32> to vector<8x128xf32>
      %get3A_622 = arith.constant 2 : index
      %get3A_623 = arith.constant 120 : index
      %get3A_624 = arith.constant 0 : index
      %get3A_625 = vector.load %arg0[%get3A_622, %get3A_623, %get3A_624] : memref<3x512x128xf32, #tpu.memory_space<vmem>>, vector<1x8x128xf32>
      %get3A_626 = vector.shape_cast %get3A_625 : vector<1x8x128xf32> to vector<8x128xf32>
      %sub3A_627 = arith.subf %get3A_616, %broadcast_in_dim3A_71 : vector<8x128xf32>
      %sub3A_628 = arith.subf %get3A_621, %broadcast_in_dim3A_73 : vector<8x128xf32>
      %sub3A_629 = arith.subf %get3A_626, %broadcast_in_dim3A_75 : vector<8x128xf32>
      %mul3A_630 = arith.mulf %sub3A_627, %sub3A_627 : vector<8x128xf32>
      %mul3A_631 = arith.mulf %sub3A_628, %sub3A_628 : vector<8x128xf32>
      %add3A_632 = arith.addf %mul3A_630, %mul3A_631 : vector<8x128xf32>
      %mul3A_633 = arith.mulf %sub3A_629, %sub3A_629 : vector<8x128xf32>
      %add3A_634 = arith.addf %add3A_632, %mul3A_633 : vector<8x128xf32>
      %get3A_635 = arith.constant 120 : index
      %get3A_636 = arith.constant 0 : index
      %get3A_637 = vector.load %arg2[%get3A_635, %get3A_636] : memref<512x128xf32, #tpu.memory_space<vmem>>, vector<8x128xf32>
      %min3A_638 = arith.minimumf %get3A_637, %add3A_634 : vector<8x128xf32>
      %swap3A_639 = arith.constant 120 : index
      %swap3A_640 = arith.constant 0 : index
      %swap3A_641 = vector.load %arg2[%swap3A_639, %swap3A_640] : memref<512x128xf32, #tpu.memory_space<vmem>>, vector<8x128xf32>
      tpu.vector_store %arg2[%swap3A_639, %swap3A_640], %min3A_638 {strides = array<i32>} : memref<512x128xf32, #tpu.memory_space<vmem>>, vector<8x128xf32>,
      %gt3A_642 = arith.cmpf ogt, %min3A_638, %select_n3A_608 : vector<8x128xf32>
      %select_n3A_643 = arith.select %gt3A_642, %min3A_638, %select_n3A_608 : vector<8x128xi1>, vector<8x128xf32>
      %select_n3A_644 = arith.select %gt3A_642, %get3A_616, %select_n3A_609 : vector<8x128xi1>, vector<8x128xf32>
      %select_n3A_645 = arith.select %gt3A_642, %get3A_621, %select_n3A_610 : vector<8x128xi1>, vector<8x128xf32>
      %select_n3A_646 = arith.select %gt3A_642, %get3A_626, %select_n3A_611 : vector<8x128xi1>, vector<8x128xf32>
      %get3A_647 = arith.constant 0 : index
      %get3A_648 = arith.constant 128 : index
      %get3A_649 = arith.constant 0 : index
      %get3A_650 = vector.load %arg0[%get3A_647, %get3A_648, %get3A_649] : memref<3x512x128xf32, #tpu.memory_space<vmem>>, vector<1x8x128xf32>
      %get3A_651 = vector.shape_cast %get3A_650 : vector<1x8x128xf32> to vector<8x128xf32>
      %get3A_652 = arith.constant 1 : index
      %get3A_653 = arith.constant 128 : index
      %get3A_654 = arith.constant 0 : index
      %get3A_655 = vector.load %arg0[%get3A_652, %get3A_653, %get3A_654] : memref<3x512x128xf32, #tpu.memory_space<vmem>>, vector<1x8x128xf32>
      %get3A_656 = vector.shape_cast %get3A_655 : vector<1x8x128xf32> to vector<8x128xf32>
      %get3A_657 = arith.constant 2 : index
      %get3A_658 = arith.constant 128 : index
      %get3A_659 = arith.constant 0 : index
      %get3A_660 = vector.load %arg0[%get3A_657, %get3A_658, %get3A_659] : memref<3x512x128xf32, #tpu.memory_space<vmem>>, vector<1x8x128xf32>
      %get3A_661 = vector.shape_cast %get3A_660 : vector<1x8x128xf32> to vector<8x128xf32>
      %sub3A_662 = arith.subf %get3A_651, %broadcast_in_dim3A_71 : vector<8x128xf32>
      %sub3A_663 = arith.subf %get3A_656, %broadcast_in_dim3A_73 : vector<8x128xf32>
      %sub3A_664 = arith.subf %get3A_661, %broadcast_in_dim3A_75 : vector<8x128xf32>
      %mul3A_665 = arith.mulf %sub3A_662, %sub3A_662 : vector<8x128xf32>
      %mul3A_666 = arith.mulf %sub3A_663, %sub3A_663 : vector<8x128xf32>
      %add3A_667 = arith.addf %mul3A_665, %mul3A_666 : vector<8x128xf32>
      %mul3A_668 = arith.mulf %sub3A_664, %sub3A_664 : vector<8x128xf32>
      %add3A_669 = arith.addf %add3A_667, %mul3A_668 : vector<8x128xf32>
      %get3A_670 = arith.constant 128 : index
      %get3A_671 = arith.constant 0 : index
      %get3A_672 = vector.load %arg2[%get3A_670, %get3A_671] : memref<512x128xf32, #tpu.memory_space<vmem>>, vector<8x128xf32>
      %min3A_673 = arith.minimumf %get3A_672, %add3A_669 : vector<8x128xf32>
      %swap3A_674 = arith.constant 128 : index
      %swap3A_675 = arith.constant 0 : index
      %swap3A_676 = vector.load %arg2[%swap3A_674, %swap3A_675] : memref<512x128xf32, #tpu.memory_space<vmem>>, vector<8x128xf32>
      tpu.vector_store %arg2[%swap3A_674, %swap3A_675], %min3A_673 {strides = array<i32>} : memref<512x128xf32, #tpu.memory_space<vmem>>, vector<8x128xf32>,
      %gt3A_677 = arith.cmpf ogt, %min3A_673, %select_n3A_643 : vector<8x128xf32>
      %select_n3A_678 = arith.select %gt3A_677, %min3A_673, %select_n3A_643 : vector<8x128xi1>, vector<8x128xf32>
      %select_n3A_679 = arith.select %gt3A_677, %get3A_651, %select_n3A_644 : vector<8x128xi1>, vector<8x128xf32>
      %select_n3A_680 = arith.select %gt3A_677, %get3A_656, %select_n3A_645 : vector<8x128xi1>, vector<8x128xf32>
      %select_n3A_681 = arith.select %gt3A_677, %get3A_661, %select_n3A_646 : vector<8x128xi1>, vector<8x128xf32>
      %get3A_682 = arith.constant 0 : index
      %get3A_683 = arith.constant 136 : index
      %get3A_684 = arith.constant 0 : index
      %get3A_685 = vector.load %arg0[%get3A_682, %get3A_683, %get3A_684] : memref<3x512x128xf32, #tpu.memory_space<vmem>>, vector<1x8x128xf32>
      %get3A_686 = vector.shape_cast %get3A_685 : vector<1x8x128xf32> to vector<8x128xf32>
      %get3A_687 = arith.constant 1 : index
      %get3A_688 = arith.constant 136 : index
      %get3A_689 = arith.constant 0 : index
      %get3A_690 = vector.load %arg0[%get3A_687, %get3A_688, %get3A_689] : memref<3x512x128xf32, #tpu.memory_space<vmem>>, vector<1x8x128xf32>
      %get3A_691 = vector.shape_cast %get3A_690 : vector<1x8x128xf32> to vector<8x128xf32>
      %get3A_692 = arith.constant 2 : index
      %get3A_693 = arith.constant 136 : index
      %get3A_694 = arith.constant 0 : index
      %get3A_695 = vector.load %arg0[%get3A_692, %get3A_693, %get3A_694] : memref<3x512x128xf32, #tpu.memory_space<vmem>>, vector<1x8x128xf32>
      %get3A_696 = vector.shape_cast %get3A_695 : vector<1x8x128xf32> to vector<8x128xf32>
      %sub3A_697 = arith.subf %get3A_686, %broadcast_in_dim3A_71 : vector<8x128xf32>
      %sub3A_698 = arith.subf %get3A_691, %broadcast_in_dim3A_73 : vector<8x128xf32>
      %sub3A_699 = arith.subf %get3A_696, %broadcast_in_dim3A_75 : vector<8x128xf32>
      %mul3A_700 = arith.mulf %sub3A_697, %sub3A_697 : vector<8x128xf32>
      %mul3A_701 = arith.mulf %sub3A_698, %sub3A_698 : vector<8x128xf32>
      %add3A_702 = arith.addf %mul3A_700, %mul3A_701 : vector<8x128xf32>
      %mul3A_703 = arith.mulf %sub3A_699, %sub3A_699 : vector<8x128xf32>
      %add3A_704 = arith.addf %add3A_702, %mul3A_703 : vector<8x128xf32>
      %get3A_705 = arith.constant 136 : index
      %get3A_706 = arith.constant 0 : index
      %get3A_707 = vector.load %arg2[%get3A_705, %get3A_706] : memref<512x128xf32, #tpu.memory_space<vmem>>, vector<8x128xf32>
      %min3A_708 = arith.minimumf %get3A_707, %add3A_704 : vector<8x128xf32>
      %swap3A_709 = arith.constant 136 : index
      %swap3A_710 = arith.constant 0 : index
      %swap3A_711 = vector.load %arg2[%swap3A_709, %swap3A_710] : memref<512x128xf32, #tpu.memory_space<vmem>>, vector<8x128xf32>
      tpu.vector_store %arg2[%swap3A_709, %swap3A_710], %min3A_708 {strides = array<i32>} : memref<512x128xf32, #tpu.memory_space<vmem>>, vector<8x128xf32>,
      %gt3A_712 = arith.cmpf ogt, %min3A_708, %select_n3A_678 : vector<8x128xf32>
      %select_n3A_713 = arith.select %gt3A_712, %min3A_708, %select_n3A_678 : vector<8x128xi1>, vector<8x128xf32>
      %select_n3A_714 = arith.select %gt3A_712, %get3A_686, %select_n3A_679 : vector<8x128xi1>, vector<8x128xf32>
      %select_n3A_715 = arith.select %gt3A_712, %get3A_691, %select_n3A_680 : vector<8x128xi1>, vector<8x128xf32>
      %select_n3A_716 = arith.select %gt3A_712, %get3A_696, %select_n3A_681 : vector<8x128xi1>, vector<8x128xf32>
      %get3A_717 = arith.constant 0 : index
      %get3A_718 = arith.constant 144 : index
      %get3A_719 = arith.constant 0 : index
      %get3A_720 = vector.load %arg0[%get3A_717, %get3A_718, %get3A_719] : memref<3x512x128xf32, #tpu.memory_space<vmem>>, vector<1x8x128xf32>
      %get3A_721 = vector.shape_cast %get3A_720 : vector<1x8x128xf32> to vector<8x128xf32>
      %get3A_722 = arith.constant 1 : index
      %get3A_723 = arith.constant 144 : index
      %get3A_724 = arith.constant 0 : index
      %get3A_725 = vector.load %arg0[%get3A_722, %get3A_723, %get3A_724] : memref<3x512x128xf32, #tpu.memory_space<vmem>>, vector<1x8x128xf32>
      %get3A_726 = vector.shape_cast %get3A_725 : vector<1x8x128xf32> to vector<8x128xf32>
      %get3A_727 = arith.constant 2 : index
      %get3A_728 = arith.constant 144 : index
      %get3A_729 = arith.constant 0 : index
      %get3A_730 = vector.load %arg0[%get3A_727, %get3A_728, %get3A_729] : memref<3x512x128xf32, #tpu.memory_space<vmem>>, vector<1x8x128xf32>
      %get3A_731 = vector.shape_cast %get3A_730 : vector<1x8x128xf32> to vector<8x128xf32>
      %sub3A_732 = arith.subf %get3A_721, %broadcast_in_dim3A_71 : vector<8x128xf32>
      %sub3A_733 = arith.subf %get3A_726, %broadcast_in_dim3A_73 : vector<8x128xf32>
      %sub3A_734 = arith.subf %get3A_731, %broadcast_in_dim3A_75 : vector<8x128xf32>
      %mul3A_735 = arith.mulf %sub3A_732, %sub3A_732 : vector<8x128xf32>
      %mul3A_736 = arith.mulf %sub3A_733, %sub3A_733 : vector<8x128xf32>
      %add3A_737 = arith.addf %mul3A_735, %mul3A_736 : vector<8x128xf32>
      %mul3A_738 = arith.mulf %sub3A_734, %sub3A_734 : vector<8x128xf32>
      %add3A_739 = arith.addf %add3A_737, %mul3A_738 : vector<8x128xf32>
      %get3A_740 = arith.constant 144 : index
      %get3A_741 = arith.constant 0 : index
      %get3A_742 = vector.load %arg2[%get3A_740, %get3A_741] : memref<512x128xf32, #tpu.memory_space<vmem>>, vector<8x128xf32>
      %min3A_743 = arith.minimumf %get3A_742, %add3A_739 : vector<8x128xf32>
      %swap3A_744 = arith.constant 144 : index
      %swap3A_745 = arith.constant 0 : index
      %swap3A_746 = vector.load %arg2[%swap3A_744, %swap3A_745] : memref<512x128xf32, #tpu.memory_space<vmem>>, vector<8x128xf32>
      tpu.vector_store %arg2[%swap3A_744, %swap3A_745], %min3A_743 {strides = array<i32>} : memref<512x128xf32, #tpu.memory_space<vmem>>, vector<8x128xf32>,
      %gt3A_747 = arith.cmpf ogt, %min3A_743, %select_n3A_713 : vector<8x128xf32>
      %select_n3A_748 = arith.select %gt3A_747, %min3A_743, %select_n3A_713 : vector<8x128xi1>, vector<8x128xf32>
      %select_n3A_749 = arith.select %gt3A_747, %get3A_721, %select_n3A_714 : vector<8x128xi1>, vector<8x128xf32>
      %select_n3A_750 = arith.select %gt3A_747, %get3A_726, %select_n3A_715 : vector<8x128xi1>, vector<8x128xf32>
      %select_n3A_751 = arith.select %gt3A_747, %get3A_731, %select_n3A_716 : vector<8x128xi1>, vector<8x128xf32>
      %get3A_752 = arith.constant 0 : index
      %get3A_753 = arith.constant 152 : index
      %get3A_754 = arith.constant 0 : index
      %get3A_755 = vector.load %arg0[%get3A_752, %get3A_753, %get3A_754] : memref<3x512x128xf32, #tpu.memory_space<vmem>>, vector<1x8x128xf32>
      %get3A_756 = vector.shape_cast %get3A_755 : vector<1x8x128xf32> to vector<8x128xf32>
      %get3A_757 = arith.constant 1 : index
      %get3A_758 = arith.constant 152 : index
      %get3A_759 = arith.constant 0 : index
      %get3A_760 = vector.load %arg0[%get3A_757, %get3A_758, %get3A_759] : memref<3x512x128xf32, #tpu.memory_space<vmem>>, vector<1x8x128xf32>
      %get3A_761 = vector.shape_cast %get3A_760 : vector<1x8x128xf32> to vector<8x128xf32>
      %get3A_762 = arith.constant 2 : index
      %get3A_763 = arith.constant 152 : index
      %get3A_764 = arith.constant 0 : index
      %get3A_765 = vector.load %arg0[%get3A_762, %get3A_763, %get3A_764] : memref<3x512x128xf32, #tpu.memory_space<vmem>>, vector<1x8x128xf32>
      %get3A_766 = vector.shape_cast %get3A_765 : vector<1x8x128xf32> to vector<8x128xf32>
      %sub3A_767 = arith.subf %get3A_756, %broadcast_in_dim3A_71 : vector<8x128xf32>
      %sub3A_768 = arith.subf %get3A_761, %broadcast_in_dim3A_73 : vector<8x128xf32>
      %sub3A_769 = arith.subf %get3A_766, %broadcast_in_dim3A_75 : vector<8x128xf32>
      %mul3A_770 = arith.mulf %sub3A_767, %sub3A_767 : vector<8x128xf32>
      %mul3A_771 = arith.mulf %sub3A_768, %sub3A_768 : vector<8x128xf32>
      %add3A_772 = arith.addf %mul3A_770, %mul3A_771 : vector<8x128xf32>
      %mul3A_773 = arith.mulf %sub3A_769, %sub3A_769 : vector<8x128xf32>
      %add3A_774 = arith.addf %add3A_772, %mul3A_773 : vector<8x128xf32>
      %get3A_775 = arith.constant 152 : index
      %get3A_776 = arith.constant 0 : index
      %get3A_777 = vector.load %arg2[%get3A_775, %get3A_776] : memref<512x128xf32, #tpu.memory_space<vmem>>, vector<8x128xf32>
      %min3A_778 = arith.minimumf %get3A_777, %add3A_774 : vector<8x128xf32>
      %swap3A_779 = arith.constant 152 : index
      %swap3A_780 = arith.constant 0 : index
      %swap3A_781 = vector.load %arg2[%swap3A_779, %swap3A_780] : memref<512x128xf32, #tpu.memory_space<vmem>>, vector<8x128xf32>
      tpu.vector_store %arg2[%swap3A_779, %swap3A_780], %min3A_778 {strides = array<i32>} : memref<512x128xf32, #tpu.memory_space<vmem>>, vector<8x128xf32>,
      %gt3A_782 = arith.cmpf ogt, %min3A_778, %select_n3A_748 : vector<8x128xf32>
      %select_n3A_783 = arith.select %gt3A_782, %min3A_778, %select_n3A_748 : vector<8x128xi1>, vector<8x128xf32>
      %select_n3A_784 = arith.select %gt3A_782, %get3A_756, %select_n3A_749 : vector<8x128xi1>, vector<8x128xf32>
      %select_n3A_785 = arith.select %gt3A_782, %get3A_761, %select_n3A_750 : vector<8x128xi1>, vector<8x128xf32>
      %select_n3A_786 = arith.select %gt3A_782, %get3A_766, %select_n3A_751 : vector<8x128xi1>, vector<8x128xf32>
      %get3A_787 = arith.constant 0 : index
      %get3A_788 = arith.constant 160 : index
      %get3A_789 = arith.constant 0 : index
      %get3A_790 = vector.load %arg0[%get3A_787, %get3A_788, %get3A_789] : memref<3x512x128xf32, #tpu.memory_space<vmem>>, vector<1x8x128xf32>
      %get3A_791 = vector.shape_cast %get3A_790 : vector<1x8x128xf32> to vector<8x128xf32>
      %get3A_792 = arith.constant 1 : index
      %get3A_793 = arith.constant 160 : index
      %get3A_794 = arith.constant 0 : index
      %get3A_795 = vector.load %arg0[%get3A_792, %get3A_793, %get3A_794] : memref<3x512x128xf32, #tpu.memory_space<vmem>>, vector<1x8x128xf32>
      %get3A_796 = vector.shape_cast %get3A_795 : vector<1x8x128xf32> to vector<8x128xf32>
      %get3A_797 = arith.constant 2 : index
      %get3A_798 = arith.constant 160 : index
      %get3A_799 = arith.constant 0 : index
      %get3A_800 = vector.load %arg0[%get3A_797, %get3A_798, %get3A_799] : memref<3x512x128xf32, #tpu.memory_space<vmem>>, vector<1x8x128xf32>
      %get3A_801 = vector.shape_cast %get3A_800 : vector<1x8x128xf32> to vector<8x128xf32>
      %sub3A_802 = arith.subf %get3A_791, %broadcast_in_dim3A_71 : vector<8x128xf32>
      %sub3A_803 = arith.subf %get3A_796, %broadcast_in_dim3A_73 : vector<8x128xf32>
      %sub3A_804 = arith.subf %get3A_801, %broadcast_in_dim3A_75 : vector<8x128xf32>
      %mul3A_805 = arith.mulf %sub3A_802, %sub3A_802 : vector<8x128xf32>
      %mul3A_806 = arith.mulf %sub3A_803, %sub3A_803 : vector<8x128xf32>
      %add3A_807 = arith.addf %mul3A_805, %mul3A_806 : vector<8x128xf32>
      %mul3A_808 = arith.mulf %sub3A_804, %sub3A_804 : vector<8x128xf32>
      %add3A_809 = arith.addf %add3A_807, %mul3A_808 : vector<8x128xf32>
      %get3A_810 = arith.constant 160 : index
      %get3A_811 = arith.constant 0 : index
      %get3A_812 = vector.load %arg2[%get3A_810, %get3A_811] : memref<512x128xf32, #tpu.memory_space<vmem>>, vector<8x128xf32>
      %min3A_813 = arith.minimumf %get3A_812, %add3A_809 : vector<8x128xf32>
      %swap3A_814 = arith.constant 160 : index
      %swap3A_815 = arith.constant 0 : index
      %swap3A_816 = vector.load %arg2[%swap3A_814, %swap3A_815] : memref<512x128xf32, #tpu.memory_space<vmem>>, vector<8x128xf32>
      tpu.vector_store %arg2[%swap3A_814, %swap3A_815], %min3A_813 {strides = array<i32>} : memref<512x128xf32, #tpu.memory_space<vmem>>, vector<8x128xf32>,
      %gt3A_817 = arith.cmpf ogt, %min3A_813, %select_n3A_783 : vector<8x128xf32>
      %select_n3A_818 = arith.select %gt3A_817, %min3A_813, %select_n3A_783 : vector<8x128xi1>, vector<8x128xf32>
      %select_n3A_819 = arith.select %gt3A_817, %get3A_791, %select_n3A_784 : vector<8x128xi1>, vector<8x128xf32>
      %select_n3A_820 = arith.select %gt3A_817, %get3A_796, %select_n3A_785 : vector<8x128xi1>, vector<8x128xf32>
      %select_n3A_821 = arith.select %gt3A_817, %get3A_801, %select_n3A_786 : vector<8x128xi1>, vector<8x128xf32>
      %get3A_822 = arith.constant 0 : index
      %get3A_823 = arith.constant 168 : index
      %get3A_824 = arith.constant 0 : index
      %get3A_825 = vector.load %arg0[%get3A_822, %get3A_823, %get3A_824] : memref<3x512x128xf32, #tpu.memory_space<vmem>>, vector<1x8x128xf32>
      %get3A_826 = vector.shape_cast %get3A_825 : vector<1x8x128xf32> to vector<8x128xf32>
      %get3A_827 = arith.constant 1 : index
      %get3A_828 = arith.constant 168 : index
      %get3A_829 = arith.constant 0 : index
      %get3A_830 = vector.load %arg0[%get3A_827, %get3A_828, %get3A_829] : memref<3x512x128xf32, #tpu.memory_space<vmem>>, vector<1x8x128xf32>
      %get3A_831 = vector.shape_cast %get3A_830 : vector<1x8x128xf32> to vector<8x128xf32>
      %get3A_832 = arith.constant 2 : index
      %get3A_833 = arith.constant 168 : index
      %get3A_834 = arith.constant 0 : index
      %get3A_835 = vector.load %arg0[%get3A_832, %get3A_833, %get3A_834] : memref<3x512x128xf32, #tpu.memory_space<vmem>>, vector<1x8x128xf32>
      %get3A_836 = vector.shape_cast %get3A_835 : vector<1x8x128xf32> to vector<8x128xf32>
      %sub3A_837 = arith.subf %get3A_826, %broadcast_in_dim3A_71 : vector<8x128xf32>
      %sub3A_838 = arith.subf %get3A_831, %broadcast_in_dim3A_73 : vector<8x128xf32>
      %sub3A_839 = arith.subf %get3A_836, %broadcast_in_dim3A_75 : vector<8x128xf32>
      %mul3A_840 = arith.mulf %sub3A_837, %sub3A_837 : vector<8x128xf32>
      %mul3A_841 = arith.mulf %sub3A_838, %sub3A_838 : vector<8x128xf32>
      %add3A_842 = arith.addf %mul3A_840, %mul3A_841 : vector<8x128xf32>
      %mul3A_843 = arith.mulf %sub3A_839, %sub3A_839 : vector<8x128xf32>
      %add3A_844 = arith.addf %add3A_842, %mul3A_843 : vector<8x128xf32>
      %get3A_845 = arith.constant 168 : index
      %get3A_846 = arith.constant 0 : index
      %get3A_847 = vector.load %arg2[%get3A_845, %get3A_846] : memref<512x128xf32, #tpu.memory_space<vmem>>, vector<8x128xf32>
      %min3A_848 = arith.minimumf %get3A_847, %add3A_844 : vector<8x128xf32>
      %swap3A_849 = arith.constant 168 : index
      %swap3A_850 = arith.constant 0 : index
      %swap3A_851 = vector.load %arg2[%swap3A_849, %swap3A_850] : memref<512x128xf32, #tpu.memory_space<vmem>>, vector<8x128xf32>
      tpu.vector_store %arg2[%swap3A_849, %swap3A_850], %min3A_848 {strides = array<i32>} : memref<512x128xf32, #tpu.memory_space<vmem>>, vector<8x128xf32>,
      %gt3A_852 = arith.cmpf ogt, %min3A_848, %select_n3A_818 : vector<8x128xf32>
      %select_n3A_853 = arith.select %gt3A_852, %min3A_848, %select_n3A_818 : vector<8x128xi1>, vector<8x128xf32>
      %select_n3A_854 = arith.select %gt3A_852, %get3A_826, %select_n3A_819 : vector<8x128xi1>, vector<8x128xf32>
      %select_n3A_855 = arith.select %gt3A_852, %get3A_831, %select_n3A_820 : vector<8x128xi1>, vector<8x128xf32>
      %select_n3A_856 = arith.select %gt3A_852, %get3A_836, %select_n3A_821 : vector<8x128xi1>, vector<8x128xf32>
      %get3A_857 = arith.constant 0 : index
      %get3A_858 = arith.constant 176 : index
      %get3A_859 = arith.constant 0 : index
      %get3A_860 = vector.load %arg0[%get3A_857, %get3A_858, %get3A_859] : memref<3x512x128xf32, #tpu.memory_space<vmem>>, vector<1x8x128xf32>
      %get3A_861 = vector.shape_cast %get3A_860 : vector<1x8x128xf32> to vector<8x128xf32>
      %get3A_862 = arith.constant 1 : index
      %get3A_863 = arith.constant 176 : index
      %get3A_864 = arith.constant 0 : index
      %get3A_865 = vector.load %arg0[%get3A_862, %get3A_863, %get3A_864] : memref<3x512x128xf32, #tpu.memory_space<vmem>>, vector<1x8x128xf32>
      %get3A_866 = vector.shape_cast %get3A_865 : vector<1x8x128xf32> to vector<8x128xf32>
      %get3A_867 = arith.constant 2 : index
      %get3A_868 = arith.constant 176 : index
      %get3A_869 = arith.constant 0 : index
      %get3A_870 = vector.load %arg0[%get3A_867, %get3A_868, %get3A_869] : memref<3x512x128xf32, #tpu.memory_space<vmem>>, vector<1x8x128xf32>
      %get3A_871 = vector.shape_cast %get3A_870 : vector<1x8x128xf32> to vector<8x128xf32>
      %sub3A_872 = arith.subf %get3A_861, %broadcast_in_dim3A_71 : vector<8x128xf32>
      %sub3A_873 = arith.subf %get3A_866, %broadcast_in_dim3A_73 : vector<8x128xf32>
      %sub3A_874 = arith.subf %get3A_871, %broadcast_in_dim3A_75 : vector<8x128xf32>
      %mul3A_875 = arith.mulf %sub3A_872, %sub3A_872 : vector<8x128xf32>
      %mul3A_876 = arith.mulf %sub3A_873, %sub3A_873 : vector<8x128xf32>
      %add3A_877 = arith.addf %mul3A_875, %mul3A_876 : vector<8x128xf32>
      %mul3A_878 = arith.mulf %sub3A_874, %sub3A_874 : vector<8x128xf32>
      %add3A_879 = arith.addf %add3A_877, %mul3A_878 : vector<8x128xf32>
      %get3A_880 = arith.constant 176 : index
      %get3A_881 = arith.constant 0 : index
      %get3A_882 = vector.load %arg2[%get3A_880, %get3A_881] : memref<512x128xf32, #tpu.memory_space<vmem>>, vector<8x128xf32>
      %min3A_883 = arith.minimumf %get3A_882, %add3A_879 : vector<8x128xf32>
      %swap3A_884 = arith.constant 176 : index
      %swap3A_885 = arith.constant 0 : index
      %swap3A_886 = vector.load %arg2[%swap3A_884, %swap3A_885] : memref<512x128xf32, #tpu.memory_space<vmem>>, vector<8x128xf32>
      tpu.vector_store %arg2[%swap3A_884, %swap3A_885], %min3A_883 {strides = array<i32>} : memref<512x128xf32, #tpu.memory_space<vmem>>, vector<8x128xf32>,
      %gt3A_887 = arith.cmpf ogt, %min3A_883, %select_n3A_853 : vector<8x128xf32>
      %select_n3A_888 = arith.select %gt3A_887, %min3A_883, %select_n3A_853 : vector<8x128xi1>, vector<8x128xf32>
      %select_n3A_889 = arith.select %gt3A_887, %get3A_861, %select_n3A_854 : vector<8x128xi1>, vector<8x128xf32>
      %select_n3A_890 = arith.select %gt3A_887, %get3A_866, %select_n3A_855 : vector<8x128xi1>, vector<8x128xf32>
      %select_n3A_891 = arith.select %gt3A_887, %get3A_871, %select_n3A_856 : vector<8x128xi1>, vector<8x128xf32>
      %get3A_892 = arith.constant 0 : index
      %get3A_893 = arith.constant 184 : index
      %get3A_894 = arith.constant 0 : index
      %get3A_895 = vector.load %arg0[%get3A_892, %get3A_893, %get3A_894] : memref<3x512x128xf32, #tpu.memory_space<vmem>>, vector<1x8x128xf32>
      %get3A_896 = vector.shape_cast %get3A_895 : vector<1x8x128xf32> to vector<8x128xf32>
      %get3A_897 = arith.constant 1 : index
      %get3A_898 = arith.constant 184 : index
      %get3A_899 = arith.constant 0 : index
      %get3A_900 = vector.load %arg0[%get3A_897, %get3A_898, %get3A_899] : memref<3x512x128xf32, #tpu.memory_space<vmem>>, vector<1x8x128xf32>
      %get3A_901 = vector.shape_cast %get3A_900 : vector<1x8x128xf32> to vector<8x128xf32>
      %get3A_902 = arith.constant 2 : index
      %get3A_903 = arith.constant 184 : index
      %get3A_904 = arith.constant 0 : index
      %get3A_905 = vector.load %arg0[%get3A_902, %get3A_903, %get3A_904] : memref<3x512x128xf32, #tpu.memory_space<vmem>>, vector<1x8x128xf32>
      %get3A_906 = vector.shape_cast %get3A_905 : vector<1x8x128xf32> to vector<8x128xf32>
      %sub3A_907 = arith.subf %get3A_896, %broadcast_in_dim3A_71 : vector<8x128xf32>
      %sub3A_908 = arith.subf %get3A_901, %broadcast_in_dim3A_73 : vector<8x128xf32>
      %sub3A_909 = arith.subf %get3A_906, %broadcast_in_dim3A_75 : vector<8x128xf32>
      %mul3A_910 = arith.mulf %sub3A_907, %sub3A_907 : vector<8x128xf32>
      %mul3A_911 = arith.mulf %sub3A_908, %sub3A_908 : vector<8x128xf32>
      %add3A_912 = arith.addf %mul3A_910, %mul3A_911 : vector<8x128xf32>
      %mul3A_913 = arith.mulf %sub3A_909, %sub3A_909 : vector<8x128xf32>
      %add3A_914 = arith.addf %add3A_912, %mul3A_913 : vector<8x128xf32>
      %get3A_915 = arith.constant 184 : index
      %get3A_916 = arith.constant 0 : index
      %get3A_917 = vector.load %arg2[%get3A_915, %get3A_916] : memref<512x128xf32, #tpu.memory_space<vmem>>, vector<8x128xf32>
      %min3A_918 = arith.minimumf %get3A_917, %add3A_914 : vector<8x128xf32>
      %swap3A_919 = arith.constant 184 : index
      %swap3A_920 = arith.constant 0 : index
      %swap3A_921 = vector.load %arg2[%swap3A_919, %swap3A_920] : memref<512x128xf32, #tpu.memory_space<vmem>>, vector<8x128xf32>
      tpu.vector_store %arg2[%swap3A_919, %swap3A_920], %min3A_918 {strides = array<i32>} : memref<512x128xf32, #tpu.memory_space<vmem>>, vector<8x128xf32>,
      %gt3A_922 = arith.cmpf ogt, %min3A_918, %select_n3A_888 : vector<8x128xf32>
      %select_n3A_923 = arith.select %gt3A_922, %min3A_918, %select_n3A_888 : vector<8x128xi1>, vector<8x128xf32>
      %select_n3A_924 = arith.select %gt3A_922, %get3A_896, %select_n3A_889 : vector<8x128xi1>, vector<8x128xf32>
      %select_n3A_925 = arith.select %gt3A_922, %get3A_901, %select_n3A_890 : vector<8x128xi1>, vector<8x128xf32>
      %select_n3A_926 = arith.select %gt3A_922, %get3A_906, %select_n3A_891 : vector<8x128xi1>, vector<8x128xf32>
      %get3A_927 = arith.constant 0 : index
      %get3A_928 = arith.constant 192 : index
      %get3A_929 = arith.constant 0 : index
      %get3A_930 = vector.load %arg0[%get3A_927, %get3A_928, %get3A_929] : memref<3x512x128xf32, #tpu.memory_space<vmem>>, vector<1x8x128xf32>
      %get3A_931 = vector.shape_cast %get3A_930 : vector<1x8x128xf32> to vector<8x128xf32>
      %get3A_932 = arith.constant 1 : index
      %get3A_933 = arith.constant 192 : index
      %get3A_934 = arith.constant 0 : index
      %get3A_935 = vector.load %arg0[%get3A_932, %get3A_933, %get3A_934] : memref<3x512x128xf32, #tpu.memory_space<vmem>>, vector<1x8x128xf32>
      %get3A_936 = vector.shape_cast %get3A_935 : vector<1x8x128xf32> to vector<8x128xf32>
      %get3A_937 = arith.constant 2 : index
      %get3A_938 = arith.constant 192 : index
      %get3A_939 = arith.constant 0 : index
      %get3A_940 = vector.load %arg0[%get3A_937, %get3A_938, %get3A_939] : memref<3x512x128xf32, #tpu.memory_space<vmem>>, vector<1x8x128xf32>
      %get3A_941 = vector.shape_cast %get3A_940 : vector<1x8x128xf32> to vector<8x128xf32>
      %sub3A_942 = arith.subf %get3A_931, %broadcast_in_dim3A_71 : vector<8x128xf32>
      %sub3A_943 = arith.subf %get3A_936, %broadcast_in_dim3A_73 : vector<8x128xf32>
      %sub3A_944 = arith.subf %get3A_941, %broadcast_in_dim3A_75 : vector<8x128xf32>
      %mul3A_945 = arith.mulf %sub3A_942, %sub3A_942 : vector<8x128xf32>
      %mul3A_946 = arith.mulf %sub3A_943, %sub3A_943 : vector<8x128xf32>
      %add3A_947 = arith.addf %mul3A_945, %mul3A_946 : vector<8x128xf32>
      %mul3A_948 = arith.mulf %sub3A_944, %sub3A_944 : vector<8x128xf32>
      %add3A_949 = arith.addf %add3A_947, %mul3A_948 : vector<8x128xf32>
      %get3A_950 = arith.constant 192 : index
      %get3A_951 = arith.constant 0 : index
      %get3A_952 = vector.load %arg2[%get3A_950, %get3A_951] : memref<512x128xf32, #tpu.memory_space<vmem>>, vector<8x128xf32>
      %min3A_953 = arith.minimumf %get3A_952, %add3A_949 : vector<8x128xf32>
      %swap3A_954 = arith.constant 192 : index
      %swap3A_955 = arith.constant 0 : index
      %swap3A_956 = vector.load %arg2[%swap3A_954, %swap3A_955] : memref<512x128xf32, #tpu.memory_space<vmem>>, vector<8x128xf32>
      tpu.vector_store %arg2[%swap3A_954, %swap3A_955], %min3A_953 {strides = array<i32>} : memref<512x128xf32, #tpu.memory_space<vmem>>, vector<8x128xf32>,
      %gt3A_957 = arith.cmpf ogt, %min3A_953, %select_n3A_923 : vector<8x128xf32>
      %select_n3A_958 = arith.select %gt3A_957, %min3A_953, %select_n3A_923 : vector<8x128xi1>, vector<8x128xf32>
      %select_n3A_959 = arith.select %gt3A_957, %get3A_931, %select_n3A_924 : vector<8x128xi1>, vector<8x128xf32>
      %select_n3A_960 = arith.select %gt3A_957, %get3A_936, %select_n3A_925 : vector<8x128xi1>, vector<8x128xf32>
      %select_n3A_961 = arith.select %gt3A_957, %get3A_941, %select_n3A_926 : vector<8x128xi1>, vector<8x128xf32>
      %get3A_962 = arith.constant 0 : index
      %get3A_963 = arith.constant 200 : index
      %get3A_964 = arith.constant 0 : index
      %get3A_965 = vector.load %arg0[%get3A_962, %get3A_963, %get3A_964] : memref<3x512x128xf32, #tpu.memory_space<vmem>>, vector<1x8x128xf32>
      %get3A_966 = vector.shape_cast %get3A_965 : vector<1x8x128xf32> to vector<8x128xf32>
      %get3A_967 = arith.constant 1 : index
      %get3A_968 = arith.constant 200 : index
      %get3A_969 = arith.constant 0 : index
      %get3A_970 = vector.load %arg0[%get3A_967, %get3A_968, %get3A_969] : memref<3x512x128xf32, #tpu.memory_space<vmem>>, vector<1x8x128xf32>
      %get3A_971 = vector.shape_cast %get3A_970 : vector<1x8x128xf32> to vector<8x128xf32>
      %get3A_972 = arith.constant 2 : index
      %get3A_973 = arith.constant 200 : index
      %get3A_974 = arith.constant 0 : index
      %get3A_975 = vector.load %arg0[%get3A_972, %get3A_973, %get3A_974] : memref<3x512x128xf32, #tpu.memory_space<vmem>>, vector<1x8x128xf32>
      %get3A_976 = vector.shape_cast %get3A_975 : vector<1x8x128xf32> to vector<8x128xf32>
      %sub3A_977 = arith.subf %get3A_966, %broadcast_in_dim3A_71 : vector<8x128xf32>
      %sub3A_978 = arith.subf %get3A_971, %broadcast_in_dim3A_73 : vector<8x128xf32>
      %sub3A_979 = arith.subf %get3A_976, %broadcast_in_dim3A_75 : vector<8x128xf32>
      %mul3A_980 = arith.mulf %sub3A_977, %sub3A_977 : vector<8x128xf32>
      %mul3A_981 = arith.mulf %sub3A_978, %sub3A_978 : vector<8x128xf32>
      %add3A_982 = arith.addf %mul3A_980, %mul3A_981 : vector<8x128xf32>
      %mul3A_983 = arith.mulf %sub3A_979, %sub3A_979 : vector<8x128xf32>
      %add3A_984 = arith.addf %add3A_982, %mul3A_983 : vector<8x128xf32>
      %get3A_985 = arith.constant 200 : index
      %get3A_986 = arith.constant 0 : index
      %get3A_987 = vector.load %arg2[%get3A_985, %get3A_986] : memref<512x128xf32, #tpu.memory_space<vmem>>, vector<8x128xf32>
      %min3A_988 = arith.minimumf %get3A_987, %add3A_984 : vector<8x128xf32>
      %swap3A_989 = arith.constant 200 : index
      %swap3A_990 = arith.constant 0 : index
      %swap3A_991 = vector.load %arg2[%swap3A_989, %swap3A_990] : memref<512x128xf32, #tpu.memory_space<vmem>>, vector<8x128xf32>
      tpu.vector_store %arg2[%swap3A_989, %swap3A_990], %min3A_988 {strides = array<i32>} : memref<512x128xf32, #tpu.memory_space<vmem>>, vector<8x128xf32>,
      %gt3A_992 = arith.cmpf ogt, %min3A_988, %select_n3A_958 : vector<8x128xf32>
      %select_n3A_993 = arith.select %gt3A_992, %min3A_988, %select_n3A_958 : vector<8x128xi1>, vector<8x128xf32>
      %select_n3A_994 = arith.select %gt3A_992, %get3A_966, %select_n3A_959 : vector<8x128xi1>, vector<8x128xf32>
      %select_n3A_995 = arith.select %gt3A_992, %get3A_971, %select_n3A_960 : vector<8x128xi1>, vector<8x128xf32>
      %select_n3A_996 = arith.select %gt3A_992, %get3A_976, %select_n3A_961 : vector<8x128xi1>, vector<8x128xf32>
      %get3A_997 = arith.constant 0 : index
      %get3A_998 = arith.constant 208 : index
      %get3A_999 = arith.constant 0 : index
      %get3A_1000 = vector.load %arg0[%get3A_997, %get3A_998, %get3A_999] : memref<3x512x128xf32, #tpu.memory_space<vmem>>, vector<1x8x128xf32>
      %get3A_1001 = vector.shape_cast %get3A_1000 : vector<1x8x128xf32> to vector<8x128xf32>
      %get3A_1002 = arith.constant 1 : index
      %get3A_1003 = arith.constant 208 : index
      %get3A_1004 = arith.constant 0 : index
      %get3A_1005 = vector.load %arg0[%get3A_1002, %get3A_1003, %get3A_1004] : memref<3x512x128xf32, #tpu.memory_space<vmem>>, vector<1x8x128xf32>
      %get3A_1006 = vector.shape_cast %get3A_1005 : vector<1x8x128xf32> to vector<8x128xf32>
      %get3A_1007 = arith.constant 2 : index
      %get3A_1008 = arith.constant 208 : index
      %get3A_1009 = arith.constant 0 : index
      %get3A_1010 = vector.load %arg0[%get3A_1007, %get3A_1008, %get3A_1009] : memref<3x512x128xf32, #tpu.memory_space<vmem>>, vector<1x8x128xf32>
      %get3A_1011 = vector.shape_cast %get3A_1010 : vector<1x8x128xf32> to vector<8x128xf32>
      %sub3A_1012 = arith.subf %get3A_1001, %broadcast_in_dim3A_71 : vector<8x128xf32>
      %sub3A_1013 = arith.subf %get3A_1006, %broadcast_in_dim3A_73 : vector<8x128xf32>
      %sub3A_1014 = arith.subf %get3A_1011, %broadcast_in_dim3A_75 : vector<8x128xf32>
      %mul3A_1015 = arith.mulf %sub3A_1012, %sub3A_1012 : vector<8x128xf32>
      %mul3A_1016 = arith.mulf %sub3A_1013, %sub3A_1013 : vector<8x128xf32>
      %add3A_1017 = arith.addf %mul3A_1015, %mul3A_1016 : vector<8x128xf32>
      %mul3A_1018 = arith.mulf %sub3A_1014, %sub3A_1014 : vector<8x128xf32>
      %add3A_1019 = arith.addf %add3A_1017, %mul3A_1018 : vector<8x128xf32>
      %get3A_1020 = arith.constant 208 : index
      %get3A_1021 = arith.constant 0 : index
      %get3A_1022 = vector.load %arg2[%get3A_1020, %get3A_1021] : memref<512x128xf32, #tpu.memory_space<vmem>>, vector<8x128xf32>
      %min3A_1023 = arith.minimumf %get3A_1022, %add3A_1019 : vector<8x128xf32>
      %swap3A_1024 = arith.constant 208 : index
      %swap3A_1025 = arith.constant 0 : index
      %swap3A_1026 = vector.load %arg2[%swap3A_1024, %swap3A_1025] : memref<512x128xf32, #tpu.memory_space<vmem>>, vector<8x128xf32>
      tpu.vector_store %arg2[%swap3A_1024, %swap3A_1025], %min3A_1023 {strides = array<i32>} : memref<512x128xf32, #tpu.memory_space<vmem>>, vector<8x128xf32>,
      %gt3A_1027 = arith.cmpf ogt, %min3A_1023, %select_n3A_993 : vector<8x128xf32>
      %select_n3A_1028 = arith.select %gt3A_1027, %min3A_1023, %select_n3A_993 : vector<8x128xi1>, vector<8x128xf32>
      %select_n3A_1029 = arith.select %gt3A_1027, %get3A_1001, %select_n3A_994 : vector<8x128xi1>, vector<8x128xf32>
      %select_n3A_1030 = arith.select %gt3A_1027, %get3A_1006, %select_n3A_995 : vector<8x128xi1>, vector<8x128xf32>
      %select_n3A_1031 = arith.select %gt3A_1027, %get3A_1011, %select_n3A_996 : vector<8x128xi1>, vector<8x128xf32>
      %get3A_1032 = arith.constant 0 : index
      %get3A_1033 = arith.constant 216 : index
      %get3A_1034 = arith.constant 0 : index
      %get3A_1035 = vector.load %arg0[%get3A_1032, %get3A_1033, %get3A_1034] : memref<3x512x128xf32, #tpu.memory_space<vmem>>, vector<1x8x128xf32>
      %get3A_1036 = vector.shape_cast %get3A_1035 : vector<1x8x128xf32> to vector<8x128xf32>
      %get3A_1037 = arith.constant 1 : index
      %get3A_1038 = arith.constant 216 : index
      %get3A_1039 = arith.constant 0 : index
      %get3A_1040 = vector.load %arg0[%get3A_1037, %get3A_1038, %get3A_1039] : memref<3x512x128xf32, #tpu.memory_space<vmem>>, vector<1x8x128xf32>
      %get3A_1041 = vector.shape_cast %get3A_1040 : vector<1x8x128xf32> to vector<8x128xf32>
      %get3A_1042 = arith.constant 2 : index
      %get3A_1043 = arith.constant 216 : index
      %get3A_1044 = arith.constant 0 : index
      %get3A_1045 = vector.load %arg0[%get3A_1042, %get3A_1043, %get3A_1044] : memref<3x512x128xf32, #tpu.memory_space<vmem>>, vector<1x8x128xf32>
      %get3A_1046 = vector.shape_cast %get3A_1045 : vector<1x8x128xf32> to vector<8x128xf32>
      %sub3A_1047 = arith.subf %get3A_1036, %broadcast_in_dim3A_71 : vector<8x128xf32>
      %sub3A_1048 = arith.subf %get3A_1041, %broadcast_in_dim3A_73 : vector<8x128xf32>
      %sub3A_1049 = arith.subf %get3A_1046, %broadcast_in_dim3A_75 : vector<8x128xf32>
      %mul3A_1050 = arith.mulf %sub3A_1047, %sub3A_1047 : vector<8x128xf32>
      %mul3A_1051 = arith.mulf %sub3A_1048, %sub3A_1048 : vector<8x128xf32>
      %add3A_1052 = arith.addf %mul3A_1050, %mul3A_1051 : vector<8x128xf32>
      %mul3A_1053 = arith.mulf %sub3A_1049, %sub3A_1049 : vector<8x128xf32>
      %add3A_1054 = arith.addf %add3A_1052, %mul3A_1053 : vector<8x128xf32>
      %get3A_1055 = arith.constant 216 : index
      %get3A_1056 = arith.constant 0 : index
      %get3A_1057 = vector.load %arg2[%get3A_1055, %get3A_1056] : memref<512x128xf32, #tpu.memory_space<vmem>>, vector<8x128xf32>
      %min3A_1058 = arith.minimumf %get3A_1057, %add3A_1054 : vector<8x128xf32>
      %swap3A_1059 = arith.constant 216 : index
      %swap3A_1060 = arith.constant 0 : index
      %swap3A_1061 = vector.load %arg2[%swap3A_1059, %swap3A_1060] : memref<512x128xf32, #tpu.memory_space<vmem>>, vector<8x128xf32>
      tpu.vector_store %arg2[%swap3A_1059, %swap3A_1060], %min3A_1058 {strides = array<i32>} : memref<512x128xf32, #tpu.memory_space<vmem>>, vector<8x128xf32>,
      %gt3A_1062 = arith.cmpf ogt, %min3A_1058, %select_n3A_1028 : vector<8x128xf32>
      %select_n3A_1063 = arith.select %gt3A_1062, %min3A_1058, %select_n3A_1028 : vector<8x128xi1>, vector<8x128xf32>
      %select_n3A_1064 = arith.select %gt3A_1062, %get3A_1036, %select_n3A_1029 : vector<8x128xi1>, vector<8x128xf32>
      %select_n3A_1065 = arith.select %gt3A_1062, %get3A_1041, %select_n3A_1030 : vector<8x128xi1>, vector<8x128xf32>
      %select_n3A_1066 = arith.select %gt3A_1062, %get3A_1046, %select_n3A_1031 : vector<8x128xi1>, vector<8x128xf32>
      %get3A_1067 = arith.constant 0 : index
      %get3A_1068 = arith.constant 224 : index
      %get3A_1069 = arith.constant 0 : index
      %get3A_1070 = vector.load %arg0[%get3A_1067, %get3A_1068, %get3A_1069] : memref<3x512x128xf32, #tpu.memory_space<vmem>>, vector<1x8x128xf32>
      %get3A_1071 = vector.shape_cast %get3A_1070 : vector<1x8x128xf32> to vector<8x128xf32>
      %get3A_1072 = arith.constant 1 : index
      %get3A_1073 = arith.constant 224 : index
      %get3A_1074 = arith.constant 0 : index
      %get3A_1075 = vector.load %arg0[%get3A_1072, %get3A_1073, %get3A_1074] : memref<3x512x128xf32, #tpu.memory_space<vmem>>, vector<1x8x128xf32>
      %get3A_1076 = vector.shape_cast %get3A_1075 : vector<1x8x128xf32> to vector<8x128xf32>
      %get3A_1077 = arith.constant 2 : index
      %get3A_1078 = arith.constant 224 : index
      %get3A_1079 = arith.constant 0 : index
      %get3A_1080 = vector.load %arg0[%get3A_1077, %get3A_1078, %get3A_1079] : memref<3x512x128xf32, #tpu.memory_space<vmem>>, vector<1x8x128xf32>
      %get3A_1081 = vector.shape_cast %get3A_1080 : vector<1x8x128xf32> to vector<8x128xf32>
      %sub3A_1082 = arith.subf %get3A_1071, %broadcast_in_dim3A_71 : vector<8x128xf32>
      %sub3A_1083 = arith.subf %get3A_1076, %broadcast_in_dim3A_73 : vector<8x128xf32>
      %sub3A_1084 = arith.subf %get3A_1081, %broadcast_in_dim3A_75 : vector<8x128xf32>
      %mul3A_1085 = arith.mulf %sub3A_1082, %sub3A_1082 : vector<8x128xf32>
      %mul3A_1086 = arith.mulf %sub3A_1083, %sub3A_1083 : vector<8x128xf32>
      %add3A_1087 = arith.addf %mul3A_1085, %mul3A_1086 : vector<8x128xf32>
      %mul3A_1088 = arith.mulf %sub3A_1084, %sub3A_1084 : vector<8x128xf32>
      %add3A_1089 = arith.addf %add3A_1087, %mul3A_1088 : vector<8x128xf32>
      %get3A_1090 = arith.constant 224 : index
      %get3A_1091 = arith.constant 0 : index
      %get3A_1092 = vector.load %arg2[%get3A_1090, %get3A_1091] : memref<512x128xf32, #tpu.memory_space<vmem>>, vector<8x128xf32>
      %min3A_1093 = arith.minimumf %get3A_1092, %add3A_1089 : vector<8x128xf32>
      %swap3A_1094 = arith.constant 224 : index
      %swap3A_1095 = arith.constant 0 : index
      %swap3A_1096 = vector.load %arg2[%swap3A_1094, %swap3A_1095] : memref<512x128xf32, #tpu.memory_space<vmem>>, vector<8x128xf32>
      tpu.vector_store %arg2[%swap3A_1094, %swap3A_1095], %min3A_1093 {strides = array<i32>} : memref<512x128xf32, #tpu.memory_space<vmem>>, vector<8x128xf32>,
      %gt3A_1097 = arith.cmpf ogt, %min3A_1093, %select_n3A_1063 : vector<8x128xf32>
      %select_n3A_1098 = arith.select %gt3A_1097, %min3A_1093, %select_n3A_1063 : vector<8x128xi1>, vector<8x128xf32>
      %select_n3A_1099 = arith.select %gt3A_1097, %get3A_1071, %select_n3A_1064 : vector<8x128xi1>, vector<8x128xf32>
      %select_n3A_1100 = arith.select %gt3A_1097, %get3A_1076, %select_n3A_1065 : vector<8x128xi1>, vector<8x128xf32>
      %select_n3A_1101 = arith.select %gt3A_1097, %get3A_1081, %select_n3A_1066 : vector<8x128xi1>, vector<8x128xf32>
      %get3A_1102 = arith.constant 0 : index
      %get3A_1103 = arith.constant 232 : index
      %get3A_1104 = arith.constant 0 : index
      %get3A_1105 = vector.load %arg0[%get3A_1102, %get3A_1103, %get3A_1104] : memref<3x512x128xf32, #tpu.memory_space<vmem>>, vector<1x8x128xf32>
      %get3A_1106 = vector.shape_cast %get3A_1105 : vector<1x8x128xf32> to vector<8x128xf32>
      %get3A_1107 = arith.constant 1 : index
      %get3A_1108 = arith.constant 232 : index
      %get3A_1109 = arith.constant 0 : index
      %get3A_1110 = vector.load %arg0[%get3A_1107, %get3A_1108, %get3A_1109] : memref<3x512x128xf32, #tpu.memory_space<vmem>>, vector<1x8x128xf32>
      %get3A_1111 = vector.shape_cast %get3A_1110 : vector<1x8x128xf32> to vector<8x128xf32>
      %get3A_1112 = arith.constant 2 : index
      %get3A_1113 = arith.constant 232 : index
      %get3A_1114 = arith.constant 0 : index
      %get3A_1115 = vector.load %arg0[%get3A_1112, %get3A_1113, %get3A_1114] : memref<3x512x128xf32, #tpu.memory_space<vmem>>, vector<1x8x128xf32>
      %get3A_1116 = vector.shape_cast %get3A_1115 : vector<1x8x128xf32> to vector<8x128xf32>
      %sub3A_1117 = arith.subf %get3A_1106, %broadcast_in_dim3A_71 : vector<8x128xf32>
      %sub3A_1118 = arith.subf %get3A_1111, %broadcast_in_dim3A_73 : vector<8x128xf32>
      %sub3A_1119 = arith.subf %get3A_1116, %broadcast_in_dim3A_75 : vector<8x128xf32>
      %mul3A_1120 = arith.mulf %sub3A_1117, %sub3A_1117 : vector<8x128xf32>
      %mul3A_1121 = arith.mulf %sub3A_1118, %sub3A_1118 : vector<8x128xf32>
      %add3A_1122 = arith.addf %mul3A_1120, %mul3A_1121 : vector<8x128xf32>
      %mul3A_1123 = arith.mulf %sub3A_1119, %sub3A_1119 : vector<8x128xf32>
      %add3A_1124 = arith.addf %add3A_1122, %mul3A_1123 : vector<8x128xf32>
      %get3A_1125 = arith.constant 232 : index
      %get3A_1126 = arith.constant 0 : index
      %get3A_1127 = vector.load %arg2[%get3A_1125, %get3A_1126] : memref<512x128xf32, #tpu.memory_space<vmem>>, vector<8x128xf32>
      %min3A_1128 = arith.minimumf %get3A_1127, %add3A_1124 : vector<8x128xf32>
      %swap3A_1129 = arith.constant 232 : index
      %swap3A_1130 = arith.constant 0 : index
      %swap3A_1131 = vector.load %arg2[%swap3A_1129, %swap3A_1130] : memref<512x128xf32, #tpu.memory_space<vmem>>, vector<8x128xf32>
      tpu.vector_store %arg2[%swap3A_1129, %swap3A_1130], %min3A_1128 {strides = array<i32>} : memref<512x128xf32, #tpu.memory_space<vmem>>, vector<8x128xf32>,
      %gt3A_1132 = arith.cmpf ogt, %min3A_1128, %select_n3A_1098 : vector<8x128xf32>
      %select_n3A_1133 = arith.select %gt3A_1132, %min3A_1128, %select_n3A_1098 : vector<8x128xi1>, vector<8x128xf32>
      %select_n3A_1134 = arith.select %gt3A_1132, %get3A_1106, %select_n3A_1099 : vector<8x128xi1>, vector<8x128xf32>
      %select_n3A_1135 = arith.select %gt3A_1132, %get3A_1111, %select_n3A_1100 : vector<8x128xi1>, vector<8x128xf32>
      %select_n3A_1136 = arith.select %gt3A_1132, %get3A_1116, %select_n3A_1101 : vector<8x128xi1>, vector<8x128xf32>
      %get3A_1137 = arith.constant 0 : index
      %get3A_1138 = arith.constant 240 : index
      %get3A_1139 = arith.constant 0 : index
      %get3A_1140 = vector.load %arg0[%get3A_1137, %get3A_1138, %get3A_1139] : memref<3x512x128xf32, #tpu.memory_space<vmem>>, vector<1x8x128xf32>
      %get3A_1141 = vector.shape_cast %get3A_1140 : vector<1x8x128xf32> to vector<8x128xf32>
      %get3A_1142 = arith.constant 1 : index
      %get3A_1143 = arith.constant 240 : index
      %get3A_1144 = arith.constant 0 : index
      %get3A_1145 = vector.load %arg0[%get3A_1142, %get3A_1143, %get3A_1144] : memref<3x512x128xf32, #tpu.memory_space<vmem>>, vector<1x8x128xf32>
      %get3A_1146 = vector.shape_cast %get3A_1145 : vector<1x8x128xf32> to vector<8x128xf32>
      %get3A_1147 = arith.constant 2 : index
      %get3A_1148 = arith.constant 240 : index
      %get3A_1149 = arith.constant 0 : index
      %get3A_1150 = vector.load %arg0[%get3A_1147, %get3A_1148, %get3A_1149] : memref<3x512x128xf32, #tpu.memory_space<vmem>>, vector<1x8x128xf32>
      %get3A_1151 = vector.shape_cast %get3A_1150 : vector<1x8x128xf32> to vector<8x128xf32>
      %sub3A_1152 = arith.subf %get3A_1141, %broadcast_in_dim3A_71 : vector<8x128xf32>
      %sub3A_1153 = arith.subf %get3A_1146, %broadcast_in_dim3A_73 : vector<8x128xf32>
      %sub3A_1154 = arith.subf %get3A_1151, %broadcast_in_dim3A_75 : vector<8x128xf32>
      %mul3A_1155 = arith.mulf %sub3A_1152, %sub3A_1152 : vector<8x128xf32>
      %mul3A_1156 = arith.mulf %sub3A_1153, %sub3A_1153 : vector<8x128xf32>
      %add3A_1157 = arith.addf %mul3A_1155, %mul3A_1156 : vector<8x128xf32>
      %mul3A_1158 = arith.mulf %sub3A_1154, %sub3A_1154 : vector<8x128xf32>
      %add3A_1159 = arith.addf %add3A_1157, %mul3A_1158 : vector<8x128xf32>
      %get3A_1160 = arith.constant 240 : index
      %get3A_1161 = arith.constant 0 : index
      %get3A_1162 = vector.load %arg2[%get3A_1160, %get3A_1161] : memref<512x128xf32, #tpu.memory_space<vmem>>, vector<8x128xf32>
      %min3A_1163 = arith.minimumf %get3A_1162, %add3A_1159 : vector<8x128xf32>
      %swap3A_1164 = arith.constant 240 : index
      %swap3A_1165 = arith.constant 0 : index
      %swap3A_1166 = vector.load %arg2[%swap3A_1164, %swap3A_1165] : memref<512x128xf32, #tpu.memory_space<vmem>>, vector<8x128xf32>
      tpu.vector_store %arg2[%swap3A_1164, %swap3A_1165], %min3A_1163 {strides = array<i32>} : memref<512x128xf32, #tpu.memory_space<vmem>>, vector<8x128xf32>,
      %gt3A_1167 = arith.cmpf ogt, %min3A_1163, %select_n3A_1133 : vector<8x128xf32>
      %select_n3A_1168 = arith.select %gt3A_1167, %min3A_1163, %select_n3A_1133 : vector<8x128xi1>, vector<8x128xf32>
      %select_n3A_1169 = arith.select %gt3A_1167, %get3A_1141, %select_n3A_1134 : vector<8x128xi1>, vector<8x128xf32>
      %select_n3A_1170 = arith.select %gt3A_1167, %get3A_1146, %select_n3A_1135 : vector<8x128xi1>, vector<8x128xf32>
      %select_n3A_1171 = arith.select %gt3A_1167, %get3A_1151, %select_n3A_1136 : vector<8x128xi1>, vector<8x128xf32>
      %get3A_1172 = arith.constant 0 : index
      %get3A_1173 = arith.constant 248 : index
      %get3A_1174 = arith.constant 0 : index
      %get3A_1175 = vector.load %arg0[%get3A_1172, %get3A_1173, %get3A_1174] : memref<3x512x128xf32, #tpu.memory_space<vmem>>, vector<1x8x128xf32>
      %get3A_1176 = vector.shape_cast %get3A_1175 : vector<1x8x128xf32> to vector<8x128xf32>
      %get3A_1177 = arith.constant 1 : index
      %get3A_1178 = arith.constant 248 : index
      %get3A_1179 = arith.constant 0 : index
      %get3A_1180 = vector.load %arg0[%get3A_1177, %get3A_1178, %get3A_1179] : memref<3x512x128xf32, #tpu.memory_space<vmem>>, vector<1x8x128xf32>
      %get3A_1181 = vector.shape_cast %get3A_1180 : vector<1x8x128xf32> to vector<8x128xf32>
      %get3A_1182 = arith.constant 2 : index
      %get3A_1183 = arith.constant 248 : index
      %get3A_1184 = arith.constant 0 : index
      %get3A_1185 = vector.load %arg0[%get3A_1182, %get3A_1183, %get3A_1184] : memref<3x512x128xf32, #tpu.memory_space<vmem>>, vector<1x8x128xf32>
      %get3A_1186 = vector.shape_cast %get3A_1185 : vector<1x8x128xf32> to vector<8x128xf32>
      %sub3A_1187 = arith.subf %get3A_1176, %broadcast_in_dim3A_71 : vector<8x128xf32>
      %sub3A_1188 = arith.subf %get3A_1181, %broadcast_in_dim3A_73 : vector<8x128xf32>
      %sub3A_1189 = arith.subf %get3A_1186, %broadcast_in_dim3A_75 : vector<8x128xf32>
      %mul3A_1190 = arith.mulf %sub3A_1187, %sub3A_1187 : vector<8x128xf32>
      %mul3A_1191 = arith.mulf %sub3A_1188, %sub3A_1188 : vector<8x128xf32>
      %add3A_1192 = arith.addf %mul3A_1190, %mul3A_1191 : vector<8x128xf32>
      %mul3A_1193 = arith.mulf %sub3A_1189, %sub3A_1189 : vector<8x128xf32>
      %add3A_1194 = arith.addf %add3A_1192, %mul3A_1193 : vector<8x128xf32>
      %get3A_1195 = arith.constant 248 : index
      %get3A_1196 = arith.constant 0 : index
      %get3A_1197 = vector.load %arg2[%get3A_1195, %get3A_1196] : memref<512x128xf32, #tpu.memory_space<vmem>>, vector<8x128xf32>
      %min3A_1198 = arith.minimumf %get3A_1197, %add3A_1194 : vector<8x128xf32>
      %swap3A_1199 = arith.constant 248 : index
      %swap3A_1200 = arith.constant 0 : index
      %swap3A_1201 = vector.load %arg2[%swap3A_1199, %swap3A_1200] : memref<512x128xf32, #tpu.memory_space<vmem>>, vector<8x128xf32>
      tpu.vector_store %arg2[%swap3A_1199, %swap3A_1200], %min3A_1198 {strides = array<i32>} : memref<512x128xf32, #tpu.memory_space<vmem>>, vector<8x128xf32>,
      %gt3A_1202 = arith.cmpf ogt, %min3A_1198, %select_n3A_1168 : vector<8x128xf32>
      %select_n3A_1203 = arith.select %gt3A_1202, %min3A_1198, %select_n3A_1168 : vector<8x128xi1>, vector<8x128xf32>
      %select_n3A_1204 = arith.select %gt3A_1202, %get3A_1176, %select_n3A_1169 : vector<8x128xi1>, vector<8x128xf32>
      %select_n3A_1205 = arith.select %gt3A_1202, %get3A_1181, %select_n3A_1170 : vector<8x128xi1>, vector<8x128xf32>
      %select_n3A_1206 = arith.select %gt3A_1202, %get3A_1186, %select_n3A_1171 : vector<8x128xi1>, vector<8x128xf32>
      %get3A_1207 = arith.constant 0 : index
      %get3A_1208 = arith.constant 256 : index
      %get3A_1209 = arith.constant 0 : index
      %get3A_1210 = vector.load %arg0[%get3A_1207, %get3A_1208, %get3A_1209] : memref<3x512x128xf32, #tpu.memory_space<vmem>>, vector<1x8x128xf32>
      %get3A_1211 = vector.shape_cast %get3A_1210 : vector<1x8x128xf32> to vector<8x128xf32>
      %get3A_1212 = arith.constant 1 : index
      %get3A_1213 = arith.constant 256 : index
      %get3A_1214 = arith.constant 0 : index
      %get3A_1215 = vector.load %arg0[%get3A_1212, %get3A_1213, %get3A_1214] : memref<3x512x128xf32, #tpu.memory_space<vmem>>, vector<1x8x128xf32>
      %get3A_1216 = vector.shape_cast %get3A_1215 : vector<1x8x128xf32> to vector<8x128xf32>
      %get3A_1217 = arith.constant 2 : index
      %get3A_1218 = arith.constant 256 : index
      %get3A_1219 = arith.constant 0 : index
      %get3A_1220 = vector.load %arg0[%get3A_1217, %get3A_1218, %get3A_1219] : memref<3x512x128xf32, #tpu.memory_space<vmem>>, vector<1x8x128xf32>
      %get3A_1221 = vector.shape_cast %get3A_1220 : vector<1x8x128xf32> to vector<8x128xf32>
      %sub3A_1222 = arith.subf %get3A_1211, %broadcast_in_dim3A_71 : vector<8x128xf32>
      %sub3A_1223 = arith.subf %get3A_1216, %broadcast_in_dim3A_73 : vector<8x128xf32>
      %sub3A_1224 = arith.subf %get3A_1221, %broadcast_in_dim3A_75 : vector<8x128xf32>
      %mul3A_1225 = arith.mulf %sub3A_1222, %sub3A_1222 : vector<8x128xf32>
      %mul3A_1226 = arith.mulf %sub3A_1223, %sub3A_1223 : vector<8x128xf32>
      %add3A_1227 = arith.addf %mul3A_1225, %mul3A_1226 : vector<8x128xf32>
      %mul3A_1228 = arith.mulf %sub3A_1224, %sub3A_1224 : vector<8x128xf32>
      %add3A_1229 = arith.addf %add3A_1227, %mul3A_1228 : vector<8x128xf32>
      %get3A_1230 = arith.constant 256 : index
      %get3A_1231 = arith.constant 0 : index
      %get3A_1232 = vector.load %arg2[%get3A_1230, %get3A_1231] : memref<512x128xf32, #tpu.memory_space<vmem>>, vector<8x128xf32>
      %min3A_1233 = arith.minimumf %get3A_1232, %add3A_1229 : vector<8x128xf32>
      %swap3A_1234 = arith.constant 256 : index
      %swap3A_1235 = arith.constant 0 : index
      %swap3A_1236 = vector.load %arg2[%swap3A_1234, %swap3A_1235] : memref<512x128xf32, #tpu.memory_space<vmem>>, vector<8x128xf32>
      tpu.vector_store %arg2[%swap3A_1234, %swap3A_1235], %min3A_1233 {strides = array<i32>} : memref<512x128xf32, #tpu.memory_space<vmem>>, vector<8x128xf32>,
      %gt3A_1237 = arith.cmpf ogt, %min3A_1233, %broadcast_in_dim3A_79 : vector<8x128xf32>
      %select_n3A_1238 = arith.select %gt3A_1237, %min3A_1233, %broadcast_in_dim3A_79 : vector<8x128xi1>, vector<8x128xf32>
      %select_n3A_1239 = arith.select %gt3A_1237, %get3A_1211, %broadcast_in_dim3A_83 : vector<8x128xi1>, vector<8x128xf32>
      %select_n3A_1240 = arith.select %gt3A_1237, %get3A_1216, %broadcast_in_dim3A_87 : vector<8x128xi1>, vector<8x128xf32>
      %select_n3A_1241 = arith.select %gt3A_1237, %get3A_1221, %broadcast_in_dim3A_91 : vector<8x128xi1>, vector<8x128xf32>
      %get3A_1242 = arith.constant 0 : index
      %get3A_1243 = arith.constant 264 : index
      %get3A_1244 = arith.constant 0 : index
      %get3A_1245 = vector.load %arg0[%get3A_1242, %get3A_1243, %get3A_1244] : memref<3x512x128xf32, #tpu.memory_space<vmem>>, vector<1x8x128xf32>
      %get3A_1246 = vector.shape_cast %get3A_1245 : vector<1x8x128xf32> to vector<8x128xf32>
      %get3A_1247 = arith.constant 1 : index
      %get3A_1248 = arith.constant 264 : index
      %get3A_1249 = arith.constant 0 : index
      %get3A_1250 = vector.load %arg0[%get3A_1247, %get3A_1248, %get3A_1249] : memref<3x512x128xf32, #tpu.memory_space<vmem>>, vector<1x8x128xf32>
      %get3A_1251 = vector.shape_cast %get3A_1250 : vector<1x8x128xf32> to vector<8x128xf32>
      %get3A_1252 = arith.constant 2 : index
      %get3A_1253 = arith.constant 264 : index
      %get3A_1254 = arith.constant 0 : index
      %get3A_1255 = vector.load %arg0[%get3A_1252, %get3A_1253, %get3A_1254] : memref<3x512x128xf32, #tpu.memory_space<vmem>>, vector<1x8x128xf32>
      %get3A_1256 = vector.shape_cast %get3A_1255 : vector<1x8x128xf32> to vector<8x128xf32>
      %sub3A_1257 = arith.subf %get3A_1246, %broadcast_in_dim3A_71 : vector<8x128xf32>
      %sub3A_1258 = arith.subf %get3A_1251, %broadcast_in_dim3A_73 : vector<8x128xf32>
      %sub3A_1259 = arith.subf %get3A_1256, %broadcast_in_dim3A_75 : vector<8x128xf32>
      %mul3A_1260 = arith.mulf %sub3A_1257, %sub3A_1257 : vector<8x128xf32>
      %mul3A_1261 = arith.mulf %sub3A_1258, %sub3A_1258 : vector<8x128xf32>
      %add3A_1262 = arith.addf %mul3A_1260, %mul3A_1261 : vector<8x128xf32>
      %mul3A_1263 = arith.mulf %sub3A_1259, %sub3A_1259 : vector<8x128xf32>
      %add3A_1264 = arith.addf %add3A_1262, %mul3A_1263 : vector<8x128xf32>
      %get3A_1265 = arith.constant 264 : index
      %get3A_1266 = arith.constant 0 : index
      %get3A_1267 = vector.load %arg2[%get3A_1265, %get3A_1266] : memref<512x128xf32, #tpu.memory_space<vmem>>, vector<8x128xf32>
      %min3A_1268 = arith.minimumf %get3A_1267, %add3A_1264 : vector<8x128xf32>
      %swap3A_1269 = arith.constant 264 : index
      %swap3A_1270 = arith.constant 0 : index
      %swap3A_1271 = vector.load %arg2[%swap3A_1269, %swap3A_1270] : memref<512x128xf32, #tpu.memory_space<vmem>>, vector<8x128xf32>
      tpu.vector_store %arg2[%swap3A_1269, %swap3A_1270], %min3A_1268 {strides = array<i32>} : memref<512x128xf32, #tpu.memory_space<vmem>>, vector<8x128xf32>,
      %gt3A_1272 = arith.cmpf ogt, %min3A_1268, %select_n3A_1238 : vector<8x128xf32>
      %select_n3A_1273 = arith.select %gt3A_1272, %min3A_1268, %select_n3A_1238 : vector<8x128xi1>, vector<8x128xf32>
      %select_n3A_1274 = arith.select %gt3A_1272, %get3A_1246, %select_n3A_1239 : vector<8x128xi1>, vector<8x128xf32>
      %select_n3A_1275 = arith.select %gt3A_1272, %get3A_1251, %select_n3A_1240 : vector<8x128xi1>, vector<8x128xf32>
      %select_n3A_1276 = arith.select %gt3A_1272, %get3A_1256, %select_n3A_1241 : vector<8x128xi1>, vector<8x128xf32>
      %get3A_1277 = arith.constant 0 : index
      %get3A_1278 = arith.constant 272 : index
      %get3A_1279 = arith.constant 0 : index
      %get3A_1280 = vector.load %arg0[%get3A_1277, %get3A_1278, %get3A_1279] : memref<3x512x128xf32, #tpu.memory_space<vmem>>, vector<1x8x128xf32>
      %get3A_1281 = vector.shape_cast %get3A_1280 : vector<1x8x128xf32> to vector<8x128xf32>
      %get3A_1282 = arith.constant 1 : index
      %get3A_1283 = arith.constant 272 : index
      %get3A_1284 = arith.constant 0 : index
      %get3A_1285 = vector.load %arg0[%get3A_1282, %get3A_1283, %get3A_1284] : memref<3x512x128xf32, #tpu.memory_space<vmem>>, vector<1x8x128xf32>
      %get3A_1286 = vector.shape_cast %get3A_1285 : vector<1x8x128xf32> to vector<8x128xf32>
      %get3A_1287 = arith.constant 2 : index
      %get3A_1288 = arith.constant 272 : index
      %get3A_1289 = arith.constant 0 : index
      %get3A_1290 = vector.load %arg0[%get3A_1287, %get3A_1288, %get3A_1289] : memref<3x512x128xf32, #tpu.memory_space<vmem>>, vector<1x8x128xf32>
      %get3A_1291 = vector.shape_cast %get3A_1290 : vector<1x8x128xf32> to vector<8x128xf32>
      %sub3A_1292 = arith.subf %get3A_1281, %broadcast_in_dim3A_71 : vector<8x128xf32>
      %sub3A_1293 = arith.subf %get3A_1286, %broadcast_in_dim3A_73 : vector<8x128xf32>
      %sub3A_1294 = arith.subf %get3A_1291, %broadcast_in_dim3A_75 : vector<8x128xf32>
      %mul3A_1295 = arith.mulf %sub3A_1292, %sub3A_1292 : vector<8x128xf32>
      %mul3A_1296 = arith.mulf %sub3A_1293, %sub3A_1293 : vector<8x128xf32>
      %add3A_1297 = arith.addf %mul3A_1295, %mul3A_1296 : vector<8x128xf32>
      %mul3A_1298 = arith.mulf %sub3A_1294, %sub3A_1294 : vector<8x128xf32>
      %add3A_1299 = arith.addf %add3A_1297, %mul3A_1298 : vector<8x128xf32>
      %get3A_1300 = arith.constant 272 : index
      %get3A_1301 = arith.constant 0 : index
      %get3A_1302 = vector.load %arg2[%get3A_1300, %get3A_1301] : memref<512x128xf32, #tpu.memory_space<vmem>>, vector<8x128xf32>
      %min3A_1303 = arith.minimumf %get3A_1302, %add3A_1299 : vector<8x128xf32>
      %swap3A_1304 = arith.constant 272 : index
      %swap3A_1305 = arith.constant 0 : index
      %swap3A_1306 = vector.load %arg2[%swap3A_1304, %swap3A_1305] : memref<512x128xf32, #tpu.memory_space<vmem>>, vector<8x128xf32>
      tpu.vector_store %arg2[%swap3A_1304, %swap3A_1305], %min3A_1303 {strides = array<i32>} : memref<512x128xf32, #tpu.memory_space<vmem>>, vector<8x128xf32>,
      %gt3A_1307 = arith.cmpf ogt, %min3A_1303, %select_n3A_1273 : vector<8x128xf32>
      %select_n3A_1308 = arith.select %gt3A_1307, %min3A_1303, %select_n3A_1273 : vector<8x128xi1>, vector<8x128xf32>
      %select_n3A_1309 = arith.select %gt3A_1307, %get3A_1281, %select_n3A_1274 : vector<8x128xi1>, vector<8x128xf32>
      %select_n3A_1310 = arith.select %gt3A_1307, %get3A_1286, %select_n3A_1275 : vector<8x128xi1>, vector<8x128xf32>
      %select_n3A_1311 = arith.select %gt3A_1307, %get3A_1291, %select_n3A_1276 : vector<8x128xi1>, vector<8x128xf32>
      %get3A_1312 = arith.constant 0 : index
      %get3A_1313 = arith.constant 280 : index
      %get3A_1314 = arith.constant 0 : index
      %get3A_1315 = vector.load %arg0[%get3A_1312, %get3A_1313, %get3A_1314] : memref<3x512x128xf32, #tpu.memory_space<vmem>>, vector<1x8x128xf32>
      %get3A_1316 = vector.shape_cast %get3A_1315 : vector<1x8x128xf32> to vector<8x128xf32>
      %get3A_1317 = arith.constant 1 : index
      %get3A_1318 = arith.constant 280 : index
      %get3A_1319 = arith.constant 0 : index
      %get3A_1320 = vector.load %arg0[%get3A_1317, %get3A_1318, %get3A_1319] : memref<3x512x128xf32, #tpu.memory_space<vmem>>, vector<1x8x128xf32>
      %get3A_1321 = vector.shape_cast %get3A_1320 : vector<1x8x128xf32> to vector<8x128xf32>
      %get3A_1322 = arith.constant 2 : index
      %get3A_1323 = arith.constant 280 : index
      %get3A_1324 = arith.constant 0 : index
      %get3A_1325 = vector.load %arg0[%get3A_1322, %get3A_1323, %get3A_1324] : memref<3x512x128xf32, #tpu.memory_space<vmem>>, vector<1x8x128xf32>
      %get3A_1326 = vector.shape_cast %get3A_1325 : vector<1x8x128xf32> to vector<8x128xf32>
      %sub3A_1327 = arith.subf %get3A_1316, %broadcast_in_dim3A_71 : vector<8x128xf32>
      %sub3A_1328 = arith.subf %get3A_1321, %broadcast_in_dim3A_73 : vector<8x128xf32>
      %sub3A_1329 = arith.subf %get3A_1326, %broadcast_in_dim3A_75 : vector<8x128xf32>
      %mul3A_1330 = arith.mulf %sub3A_1327, %sub3A_1327 : vector<8x128xf32>
      %mul3A_1331 = arith.mulf %sub3A_1328, %sub3A_1328 : vector<8x128xf32>
      %add3A_1332 = arith.addf %mul3A_1330, %mul3A_1331 : vector<8x128xf32>
      %mul3A_1333 = arith.mulf %sub3A_1329, %sub3A_1329 : vector<8x128xf32>
      %add3A_1334 = arith.addf %add3A_1332, %mul3A_1333 : vector<8x128xf32>
      %get3A_1335 = arith.constant 280 : index
      %get3A_1336 = arith.constant 0 : index
      %get3A_1337 = vector.load %arg2[%get3A_1335, %get3A_1336] : memref<512x128xf32, #tpu.memory_space<vmem>>, vector<8x128xf32>
      %min3A_1338 = arith.minimumf %get3A_1337, %add3A_1334 : vector<8x128xf32>
      %swap3A_1339 = arith.constant 280 : index
      %swap3A_1340 = arith.constant 0 : index
      %swap3A_1341 = vector.load %arg2[%swap3A_1339, %swap3A_1340] : memref<512x128xf32, #tpu.memory_space<vmem>>, vector<8x128xf32>
      tpu.vector_store %arg2[%swap3A_1339, %swap3A_1340], %min3A_1338 {strides = array<i32>} : memref<512x128xf32, #tpu.memory_space<vmem>>, vector<8x128xf32>,
      %gt3A_1342 = arith.cmpf ogt, %min3A_1338, %select_n3A_1308 : vector<8x128xf32>
      %select_n3A_1343 = arith.select %gt3A_1342, %min3A_1338, %select_n3A_1308 : vector<8x128xi1>, vector<8x128xf32>
      %select_n3A_1344 = arith.select %gt3A_1342, %get3A_1316, %select_n3A_1309 : vector<8x128xi1>, vector<8x128xf32>
      %select_n3A_1345 = arith.select %gt3A_1342, %get3A_1321, %select_n3A_1310 : vector<8x128xi1>, vector<8x128xf32>
      %select_n3A_1346 = arith.select %gt3A_1342, %get3A_1326, %select_n3A_1311 : vector<8x128xi1>, vector<8x128xf32>
      %get3A_1347 = arith.constant 0 : index
      %get3A_1348 = arith.constant 288 : index
      %get3A_1349 = arith.constant 0 : index
      %get3A_1350 = vector.load %arg0[%get3A_1347, %get3A_1348, %get3A_1349] : memref<3x512x128xf32, #tpu.memory_space<vmem>>, vector<1x8x128xf32>
      %get3A_1351 = vector.shape_cast %get3A_1350 : vector<1x8x128xf32> to vector<8x128xf32>
      %get3A_1352 = arith.constant 1 : index
      %get3A_1353 = arith.constant 288 : index
      %get3A_1354 = arith.constant 0 : index
      %get3A_1355 = vector.load %arg0[%get3A_1352, %get3A_1353, %get3A_1354] : memref<3x512x128xf32, #tpu.memory_space<vmem>>, vector<1x8x128xf32>
      %get3A_1356 = vector.shape_cast %get3A_1355 : vector<1x8x128xf32> to vector<8x128xf32>
      %get3A_1357 = arith.constant 2 : index
      %get3A_1358 = arith.constant 288 : index
      %get3A_1359 = arith.constant 0 : index
      %get3A_1360 = vector.load %arg0[%get3A_1357, %get3A_1358, %get3A_1359] : memref<3x512x128xf32, #tpu.memory_space<vmem>>, vector<1x8x128xf32>
      %get3A_1361 = vector.shape_cast %get3A_1360 : vector<1x8x128xf32> to vector<8x128xf32>
      %sub3A_1362 = arith.subf %get3A_1351, %broadcast_in_dim3A_71 : vector<8x128xf32>
      %sub3A_1363 = arith.subf %get3A_1356, %broadcast_in_dim3A_73 : vector<8x128xf32>
      %sub3A_1364 = arith.subf %get3A_1361, %broadcast_in_dim3A_75 : vector<8x128xf32>
      %mul3A_1365 = arith.mulf %sub3A_1362, %sub3A_1362 : vector<8x128xf32>
      %mul3A_1366 = arith.mulf %sub3A_1363, %sub3A_1363 : vector<8x128xf32>
      %add3A_1367 = arith.addf %mul3A_1365, %mul3A_1366 : vector<8x128xf32>
      %mul3A_1368 = arith.mulf %sub3A_1364, %sub3A_1364 : vector<8x128xf32>
      %add3A_1369 = arith.addf %add3A_1367, %mul3A_1368 : vector<8x128xf32>
      %get3A_1370 = arith.constant 288 : index
      %get3A_1371 = arith.constant 0 : index
      %get3A_1372 = vector.load %arg2[%get3A_1370, %get3A_1371] : memref<512x128xf32, #tpu.memory_space<vmem>>, vector<8x128xf32>
      %min3A_1373 = arith.minimumf %get3A_1372, %add3A_1369 : vector<8x128xf32>
      %swap3A_1374 = arith.constant 288 : index
      %swap3A_1375 = arith.constant 0 : index
      %swap3A_1376 = vector.load %arg2[%swap3A_1374, %swap3A_1375] : memref<512x128xf32, #tpu.memory_space<vmem>>, vector<8x128xf32>
      tpu.vector_store %arg2[%swap3A_1374, %swap3A_1375], %min3A_1373 {strides = array<i32>} : memref<512x128xf32, #tpu.memory_space<vmem>>, vector<8x128xf32>,
      %gt3A_1377 = arith.cmpf ogt, %min3A_1373, %select_n3A_1343 : vector<8x128xf32>
      %select_n3A_1378 = arith.select %gt3A_1377, %min3A_1373, %select_n3A_1343 : vector<8x128xi1>, vector<8x128xf32>
      %select_n3A_1379 = arith.select %gt3A_1377, %get3A_1351, %select_n3A_1344 : vector<8x128xi1>, vector<8x128xf32>
      %select_n3A_1380 = arith.select %gt3A_1377, %get3A_1356, %select_n3A_1345 : vector<8x128xi1>, vector<8x128xf32>
      %select_n3A_1381 = arith.select %gt3A_1377, %get3A_1361, %select_n3A_1346 : vector<8x128xi1>, vector<8x128xf32>
      %get3A_1382 = arith.constant 0 : index
      %get3A_1383 = arith.constant 296 : index
      %get3A_1384 = arith.constant 0 : index
      %get3A_1385 = vector.load %arg0[%get3A_1382, %get3A_1383, %get3A_1384] : memref<3x512x128xf32, #tpu.memory_space<vmem>>, vector<1x8x128xf32>
      %get3A_1386 = vector.shape_cast %get3A_1385 : vector<1x8x128xf32> to vector<8x128xf32>
      %get3A_1387 = arith.constant 1 : index
      %get3A_1388 = arith.constant 296 : index
      %get3A_1389 = arith.constant 0 : index
      %get3A_1390 = vector.load %arg0[%get3A_1387, %get3A_1388, %get3A_1389] : memref<3x512x128xf32, #tpu.memory_space<vmem>>, vector<1x8x128xf32>
      %get3A_1391 = vector.shape_cast %get3A_1390 : vector<1x8x128xf32> to vector<8x128xf32>
      %get3A_1392 = arith.constant 2 : index
      %get3A_1393 = arith.constant 296 : index
      %get3A_1394 = arith.constant 0 : index
      %get3A_1395 = vector.load %arg0[%get3A_1392, %get3A_1393, %get3A_1394] : memref<3x512x128xf32, #tpu.memory_space<vmem>>, vector<1x8x128xf32>
      %get3A_1396 = vector.shape_cast %get3A_1395 : vector<1x8x128xf32> to vector<8x128xf32>
      %sub3A_1397 = arith.subf %get3A_1386, %broadcast_in_dim3A_71 : vector<8x128xf32>
      %sub3A_1398 = arith.subf %get3A_1391, %broadcast_in_dim3A_73 : vector<8x128xf32>
      %sub3A_1399 = arith.subf %get3A_1396, %broadcast_in_dim3A_75 : vector<8x128xf32>
      %mul3A_1400 = arith.mulf %sub3A_1397, %sub3A_1397 : vector<8x128xf32>
      %mul3A_1401 = arith.mulf %sub3A_1398, %sub3A_1398 : vector<8x128xf32>
      %add3A_1402 = arith.addf %mul3A_1400, %mul3A_1401 : vector<8x128xf32>
      %mul3A_1403 = arith.mulf %sub3A_1399, %sub3A_1399 : vector<8x128xf32>
      %add3A_1404 = arith.addf %add3A_1402, %mul3A_1403 : vector<8x128xf32>
      %get3A_1405 = arith.constant 296 : index
      %get3A_1406 = arith.constant 0 : index
      %get3A_1407 = vector.load %arg2[%get3A_1405, %get3A_1406] : memref<512x128xf32, #tpu.memory_space<vmem>>, vector<8x128xf32>
      %min3A_1408 = arith.minimumf %get3A_1407, %add3A_1404 : vector<8x128xf32>
      %swap3A_1409 = arith.constant 296 : index
      %swap3A_1410 = arith.constant 0 : index
      %swap3A_1411 = vector.load %arg2[%swap3A_1409, %swap3A_1410] : memref<512x128xf32, #tpu.memory_space<vmem>>, vector<8x128xf32>
      tpu.vector_store %arg2[%swap3A_1409, %swap3A_1410], %min3A_1408 {strides = array<i32>} : memref<512x128xf32, #tpu.memory_space<vmem>>, vector<8x128xf32>,
      %gt3A_1412 = arith.cmpf ogt, %min3A_1408, %select_n3A_1378 : vector<8x128xf32>
      %select_n3A_1413 = arith.select %gt3A_1412, %min3A_1408, %select_n3A_1378 : vector<8x128xi1>, vector<8x128xf32>
      %select_n3A_1414 = arith.select %gt3A_1412, %get3A_1386, %select_n3A_1379 : vector<8x128xi1>, vector<8x128xf32>
      %select_n3A_1415 = arith.select %gt3A_1412, %get3A_1391, %select_n3A_1380 : vector<8x128xi1>, vector<8x128xf32>
      %select_n3A_1416 = arith.select %gt3A_1412, %get3A_1396, %select_n3A_1381 : vector<8x128xi1>, vector<8x128xf32>
      %get3A_1417 = arith.constant 0 : index
      %get3A_1418 = arith.constant 304 : index
      %get3A_1419 = arith.constant 0 : index
      %get3A_1420 = vector.load %arg0[%get3A_1417, %get3A_1418, %get3A_1419] : memref<3x512x128xf32, #tpu.memory_space<vmem>>, vector<1x8x128xf32>
      %get3A_1421 = vector.shape_cast %get3A_1420 : vector<1x8x128xf32> to vector<8x128xf32>
      %get3A_1422 = arith.constant 1 : index
      %get3A_1423 = arith.constant 304 : index
      %get3A_1424 = arith.constant 0 : index
      %get3A_1425 = vector.load %arg0[%get3A_1422, %get3A_1423, %get3A_1424] : memref<3x512x128xf32, #tpu.memory_space<vmem>>, vector<1x8x128xf32>
      %get3A_1426 = vector.shape_cast %get3A_1425 : vector<1x8x128xf32> to vector<8x128xf32>
      %get3A_1427 = arith.constant 2 : index
      %get3A_1428 = arith.constant 304 : index
      %get3A_1429 = arith.constant 0 : index
      %get3A_1430 = vector.load %arg0[%get3A_1427, %get3A_1428, %get3A_1429] : memref<3x512x128xf32, #tpu.memory_space<vmem>>, vector<1x8x128xf32>
      %get3A_1431 = vector.shape_cast %get3A_1430 : vector<1x8x128xf32> to vector<8x128xf32>
      %sub3A_1432 = arith.subf %get3A_1421, %broadcast_in_dim3A_71 : vector<8x128xf32>
      %sub3A_1433 = arith.subf %get3A_1426, %broadcast_in_dim3A_73 : vector<8x128xf32>
      %sub3A_1434 = arith.subf %get3A_1431, %broadcast_in_dim3A_75 : vector<8x128xf32>
      %mul3A_1435 = arith.mulf %sub3A_1432, %sub3A_1432 : vector<8x128xf32>
      %mul3A_1436 = arith.mulf %sub3A_1433, %sub3A_1433 : vector<8x128xf32>
      %add3A_1437 = arith.addf %mul3A_1435, %mul3A_1436 : vector<8x128xf32>
      %mul3A_1438 = arith.mulf %sub3A_1434, %sub3A_1434 : vector<8x128xf32>
      %add3A_1439 = arith.addf %add3A_1437, %mul3A_1438 : vector<8x128xf32>
      %get3A_1440 = arith.constant 304 : index
      %get3A_1441 = arith.constant 0 : index
      %get3A_1442 = vector.load %arg2[%get3A_1440, %get3A_1441] : memref<512x128xf32, #tpu.memory_space<vmem>>, vector<8x128xf32>
      %min3A_1443 = arith.minimumf %get3A_1442, %add3A_1439 : vector<8x128xf32>
      %swap3A_1444 = arith.constant 304 : index
      %swap3A_1445 = arith.constant 0 : index
      %swap3A_1446 = vector.load %arg2[%swap3A_1444, %swap3A_1445] : memref<512x128xf32, #tpu.memory_space<vmem>>, vector<8x128xf32>
      tpu.vector_store %arg2[%swap3A_1444, %swap3A_1445], %min3A_1443 {strides = array<i32>} : memref<512x128xf32, #tpu.memory_space<vmem>>, vector<8x128xf32>,
      %gt3A_1447 = arith.cmpf ogt, %min3A_1443, %select_n3A_1413 : vector<8x128xf32>
      %select_n3A_1448 = arith.select %gt3A_1447, %min3A_1443, %select_n3A_1413 : vector<8x128xi1>, vector<8x128xf32>
      %select_n3A_1449 = arith.select %gt3A_1447, %get3A_1421, %select_n3A_1414 : vector<8x128xi1>, vector<8x128xf32>
      %select_n3A_1450 = arith.select %gt3A_1447, %get3A_1426, %select_n3A_1415 : vector<8x128xi1>, vector<8x128xf32>
      %select_n3A_1451 = arith.select %gt3A_1447, %get3A_1431, %select_n3A_1416 : vector<8x128xi1>, vector<8x128xf32>
      %get3A_1452 = arith.constant 0 : index
      %get3A_1453 = arith.constant 312 : index
      %get3A_1454 = arith.constant 0 : index
      %get3A_1455 = vector.load %arg0[%get3A_1452, %get3A_1453, %get3A_1454] : memref<3x512x128xf32, #tpu.memory_space<vmem>>, vector<1x8x128xf32>
      %get3A_1456 = vector.shape_cast %get3A_1455 : vector<1x8x128xf32> to vector<8x128xf32>
      %get3A_1457 = arith.constant 1 : index
      %get3A_1458 = arith.constant 312 : index
      %get3A_1459 = arith.constant 0 : index
      %get3A_1460 = vector.load %arg0[%get3A_1457, %get3A_1458, %get3A_1459] : memref<3x512x128xf32, #tpu.memory_space<vmem>>, vector<1x8x128xf32>
      %get3A_1461 = vector.shape_cast %get3A_1460 : vector<1x8x128xf32> to vector<8x128xf32>
      %get3A_1462 = arith.constant 2 : index
      %get3A_1463 = arith.constant 312 : index
      %get3A_1464 = arith.constant 0 : index
      %get3A_1465 = vector.load %arg0[%get3A_1462, %get3A_1463, %get3A_1464] : memref<3x512x128xf32, #tpu.memory_space<vmem>>, vector<1x8x128xf32>
      %get3A_1466 = vector.shape_cast %get3A_1465 : vector<1x8x128xf32> to vector<8x128xf32>
      %sub3A_1467 = arith.subf %get3A_1456, %broadcast_in_dim3A_71 : vector<8x128xf32>
      %sub3A_1468 = arith.subf %get3A_1461, %broadcast_in_dim3A_73 : vector<8x128xf32>
      %sub3A_1469 = arith.subf %get3A_1466, %broadcast_in_dim3A_75 : vector<8x128xf32>
      %mul3A_1470 = arith.mulf %sub3A_1467, %sub3A_1467 : vector<8x128xf32>
      %mul3A_1471 = arith.mulf %sub3A_1468, %sub3A_1468 : vector<8x128xf32>
      %add3A_1472 = arith.addf %mul3A_1470, %mul3A_1471 : vector<8x128xf32>
      %mul3A_1473 = arith.mulf %sub3A_1469, %sub3A_1469 : vector<8x128xf32>
      %add3A_1474 = arith.addf %add3A_1472, %mul3A_1473 : vector<8x128xf32>
      %get3A_1475 = arith.constant 312 : index
      %get3A_1476 = arith.constant 0 : index
      %get3A_1477 = vector.load %arg2[%get3A_1475, %get3A_1476] : memref<512x128xf32, #tpu.memory_space<vmem>>, vector<8x128xf32>
      %min3A_1478 = arith.minimumf %get3A_1477, %add3A_1474 : vector<8x128xf32>
      %swap3A_1479 = arith.constant 312 : index
      %swap3A_1480 = arith.constant 0 : index
      %swap3A_1481 = vector.load %arg2[%swap3A_1479, %swap3A_1480] : memref<512x128xf32, #tpu.memory_space<vmem>>, vector<8x128xf32>
      tpu.vector_store %arg2[%swap3A_1479, %swap3A_1480], %min3A_1478 {strides = array<i32>} : memref<512x128xf32, #tpu.memory_space<vmem>>, vector<8x128xf32>,
      %gt3A_1482 = arith.cmpf ogt, %min3A_1478, %select_n3A_1448 : vector<8x128xf32>
      %select_n3A_1483 = arith.select %gt3A_1482, %min3A_1478, %select_n3A_1448 : vector<8x128xi1>, vector<8x128xf32>
      %select_n3A_1484 = arith.select %gt3A_1482, %get3A_1456, %select_n3A_1449 : vector<8x128xi1>, vector<8x128xf32>
      %select_n3A_1485 = arith.select %gt3A_1482, %get3A_1461, %select_n3A_1450 : vector<8x128xi1>, vector<8x128xf32>
      %select_n3A_1486 = arith.select %gt3A_1482, %get3A_1466, %select_n3A_1451 : vector<8x128xi1>, vector<8x128xf32>
      %get3A_1487 = arith.constant 0 : index
      %get3A_1488 = arith.constant 320 : index
      %get3A_1489 = arith.constant 0 : index
      %get3A_1490 = vector.load %arg0[%get3A_1487, %get3A_1488, %get3A_1489] : memref<3x512x128xf32, #tpu.memory_space<vmem>>, vector<1x8x128xf32>
      %get3A_1491 = vector.shape_cast %get3A_1490 : vector<1x8x128xf32> to vector<8x128xf32>
      %get3A_1492 = arith.constant 1 : index
      %get3A_1493 = arith.constant 320 : index
      %get3A_1494 = arith.constant 0 : index
      %get3A_1495 = vector.load %arg0[%get3A_1492, %get3A_1493, %get3A_1494] : memref<3x512x128xf32, #tpu.memory_space<vmem>>, vector<1x8x128xf32>
      %get3A_1496 = vector.shape_cast %get3A_1495 : vector<1x8x128xf32> to vector<8x128xf32>
      %get3A_1497 = arith.constant 2 : index
      %get3A_1498 = arith.constant 320 : index
      %get3A_1499 = arith.constant 0 : index
      %get3A_1500 = vector.load %arg0[%get3A_1497, %get3A_1498, %get3A_1499] : memref<3x512x128xf32, #tpu.memory_space<vmem>>, vector<1x8x128xf32>
      %get3A_1501 = vector.shape_cast %get3A_1500 : vector<1x8x128xf32> to vector<8x128xf32>
      %sub3A_1502 = arith.subf %get3A_1491, %broadcast_in_dim3A_71 : vector<8x128xf32>
      %sub3A_1503 = arith.subf %get3A_1496, %broadcast_in_dim3A_73 : vector<8x128xf32>
      %sub3A_1504 = arith.subf %get3A_1501, %broadcast_in_dim3A_75 : vector<8x128xf32>
      %mul3A_1505 = arith.mulf %sub3A_1502, %sub3A_1502 : vector<8x128xf32>
      %mul3A_1506 = arith.mulf %sub3A_1503, %sub3A_1503 : vector<8x128xf32>
      %add3A_1507 = arith.addf %mul3A_1505, %mul3A_1506 : vector<8x128xf32>
      %mul3A_1508 = arith.mulf %sub3A_1504, %sub3A_1504 : vector<8x128xf32>
      %add3A_1509 = arith.addf %add3A_1507, %mul3A_1508 : vector<8x128xf32>
      %get3A_1510 = arith.constant 320 : index
      %get3A_1511 = arith.constant 0 : index
      %get3A_1512 = vector.load %arg2[%get3A_1510, %get3A_1511] : memref<512x128xf32, #tpu.memory_space<vmem>>, vector<8x128xf32>
      %min3A_1513 = arith.minimumf %get3A_1512, %add3A_1509 : vector<8x128xf32>
      %swap3A_1514 = arith.constant 320 : index
      %swap3A_1515 = arith.constant 0 : index
      %swap3A_1516 = vector.load %arg2[%swap3A_1514, %swap3A_1515] : memref<512x128xf32, #tpu.memory_space<vmem>>, vector<8x128xf32>
      tpu.vector_store %arg2[%swap3A_1514, %swap3A_1515], %min3A_1513 {strides = array<i32>} : memref<512x128xf32, #tpu.memory_space<vmem>>, vector<8x128xf32>,
      %gt3A_1517 = arith.cmpf ogt, %min3A_1513, %select_n3A_1483 : vector<8x128xf32>
      %select_n3A_1518 = arith.select %gt3A_1517, %min3A_1513, %select_n3A_1483 : vector<8x128xi1>, vector<8x128xf32>
      %select_n3A_1519 = arith.select %gt3A_1517, %get3A_1491, %select_n3A_1484 : vector<8x128xi1>, vector<8x128xf32>
      %select_n3A_1520 = arith.select %gt3A_1517, %get3A_1496, %select_n3A_1485 : vector<8x128xi1>, vector<8x128xf32>
      %select_n3A_1521 = arith.select %gt3A_1517, %get3A_1501, %select_n3A_1486 : vector<8x128xi1>, vector<8x128xf32>
      %get3A_1522 = arith.constant 0 : index
      %get3A_1523 = arith.constant 328 : index
      %get3A_1524 = arith.constant 0 : index
      %get3A_1525 = vector.load %arg0[%get3A_1522, %get3A_1523, %get3A_1524] : memref<3x512x128xf32, #tpu.memory_space<vmem>>, vector<1x8x128xf32>
      %get3A_1526 = vector.shape_cast %get3A_1525 : vector<1x8x128xf32> to vector<8x128xf32>
      %get3A_1527 = arith.constant 1 : index
      %get3A_1528 = arith.constant 328 : index
      %get3A_1529 = arith.constant 0 : index
      %get3A_1530 = vector.load %arg0[%get3A_1527, %get3A_1528, %get3A_1529] : memref<3x512x128xf32, #tpu.memory_space<vmem>>, vector<1x8x128xf32>
      %get3A_1531 = vector.shape_cast %get3A_1530 : vector<1x8x128xf32> to vector<8x128xf32>
      %get3A_1532 = arith.constant 2 : index
      %get3A_1533 = arith.constant 328 : index
      %get3A_1534 = arith.constant 0 : index
      %get3A_1535 = vector.load %arg0[%get3A_1532, %get3A_1533, %get3A_1534] : memref<3x512x128xf32, #tpu.memory_space<vmem>>, vector<1x8x128xf32>
      %get3A_1536 = vector.shape_cast %get3A_1535 : vector<1x8x128xf32> to vector<8x128xf32>
      %sub3A_1537 = arith.subf %get3A_1526, %broadcast_in_dim3A_71 : vector<8x128xf32>
      %sub3A_1538 = arith.subf %get3A_1531, %broadcast_in_dim3A_73 : vector<8x128xf32>
      %sub3A_1539 = arith.subf %get3A_1536, %broadcast_in_dim3A_75 : vector<8x128xf32>
      %mul3A_1540 = arith.mulf %sub3A_1537, %sub3A_1537 : vector<8x128xf32>
      %mul3A_1541 = arith.mulf %sub3A_1538, %sub3A_1538 : vector<8x128xf32>
      %add3A_1542 = arith.addf %mul3A_1540, %mul3A_1541 : vector<8x128xf32>
      %mul3A_1543 = arith.mulf %sub3A_1539, %sub3A_1539 : vector<8x128xf32>
      %add3A_1544 = arith.addf %add3A_1542, %mul3A_1543 : vector<8x128xf32>
      %get3A_1545 = arith.constant 328 : index
      %get3A_1546 = arith.constant 0 : index
      %get3A_1547 = vector.load %arg2[%get3A_1545, %get3A_1546] : memref<512x128xf32, #tpu.memory_space<vmem>>, vector<8x128xf32>
      %min3A_1548 = arith.minimumf %get3A_1547, %add3A_1544 : vector<8x128xf32>
      %swap3A_1549 = arith.constant 328 : index
      %swap3A_1550 = arith.constant 0 : index
      %swap3A_1551 = vector.load %arg2[%swap3A_1549, %swap3A_1550] : memref<512x128xf32, #tpu.memory_space<vmem>>, vector<8x128xf32>
      tpu.vector_store %arg2[%swap3A_1549, %swap3A_1550], %min3A_1548 {strides = array<i32>} : memref<512x128xf32, #tpu.memory_space<vmem>>, vector<8x128xf32>,
      %gt3A_1552 = arith.cmpf ogt, %min3A_1548, %select_n3A_1518 : vector<8x128xf32>
      %select_n3A_1553 = arith.select %gt3A_1552, %min3A_1548, %select_n3A_1518 : vector<8x128xi1>, vector<8x128xf32>
      %select_n3A_1554 = arith.select %gt3A_1552, %get3A_1526, %select_n3A_1519 : vector<8x128xi1>, vector<8x128xf32>
      %select_n3A_1555 = arith.select %gt3A_1552, %get3A_1531, %select_n3A_1520 : vector<8x128xi1>, vector<8x128xf32>
      %select_n3A_1556 = arith.select %gt3A_1552, %get3A_1536, %select_n3A_1521 : vector<8x128xi1>, vector<8x128xf32>
      %get3A_1557 = arith.constant 0 : index
      %get3A_1558 = arith.constant 336 : index
      %get3A_1559 = arith.constant 0 : index
      %get3A_1560 = vector.load %arg0[%get3A_1557, %get3A_1558, %get3A_1559] : memref<3x512x128xf32, #tpu.memory_space<vmem>>, vector<1x8x128xf32>
      %get3A_1561 = vector.shape_cast %get3A_1560 : vector<1x8x128xf32> to vector<8x128xf32>
      %get3A_1562 = arith.constant 1 : index
      %get3A_1563 = arith.constant 336 : index
      %get3A_1564 = arith.constant 0 : index
      %get3A_1565 = vector.load %arg0[%get3A_1562, %get3A_1563, %get3A_1564] : memref<3x512x128xf32, #tpu.memory_space<vmem>>, vector<1x8x128xf32>
      %get3A_1566 = vector.shape_cast %get3A_1565 : vector<1x8x128xf32> to vector<8x128xf32>
      %get3A_1567 = arith.constant 2 : index
      %get3A_1568 = arith.constant 336 : index
      %get3A_1569 = arith.constant 0 : index
      %get3A_1570 = vector.load %arg0[%get3A_1567, %get3A_1568, %get3A_1569] : memref<3x512x128xf32, #tpu.memory_space<vmem>>, vector<1x8x128xf32>
      %get3A_1571 = vector.shape_cast %get3A_1570 : vector<1x8x128xf32> to vector<8x128xf32>
      %sub3A_1572 = arith.subf %get3A_1561, %broadcast_in_dim3A_71 : vector<8x128xf32>
      %sub3A_1573 = arith.subf %get3A_1566, %broadcast_in_dim3A_73 : vector<8x128xf32>
      %sub3A_1574 = arith.subf %get3A_1571, %broadcast_in_dim3A_75 : vector<8x128xf32>
      %mul3A_1575 = arith.mulf %sub3A_1572, %sub3A_1572 : vector<8x128xf32>
      %mul3A_1576 = arith.mulf %sub3A_1573, %sub3A_1573 : vector<8x128xf32>
      %add3A_1577 = arith.addf %mul3A_1575, %mul3A_1576 : vector<8x128xf32>
      %mul3A_1578 = arith.mulf %sub3A_1574, %sub3A_1574 : vector<8x128xf32>
      %add3A_1579 = arith.addf %add3A_1577, %mul3A_1578 : vector<8x128xf32>
      %get3A_1580 = arith.constant 336 : index
      %get3A_1581 = arith.constant 0 : index
      %get3A_1582 = vector.load %arg2[%get3A_1580, %get3A_1581] : memref<512x128xf32, #tpu.memory_space<vmem>>, vector<8x128xf32>
      %min3A_1583 = arith.minimumf %get3A_1582, %add3A_1579 : vector<8x128xf32>
      %swap3A_1584 = arith.constant 336 : index
      %swap3A_1585 = arith.constant 0 : index
      %swap3A_1586 = vector.load %arg2[%swap3A_1584, %swap3A_1585] : memref<512x128xf32, #tpu.memory_space<vmem>>, vector<8x128xf32>
      tpu.vector_store %arg2[%swap3A_1584, %swap3A_1585], %min3A_1583 {strides = array<i32>} : memref<512x128xf32, #tpu.memory_space<vmem>>, vector<8x128xf32>,
      %gt3A_1587 = arith.cmpf ogt, %min3A_1583, %select_n3A_1553 : vector<8x128xf32>
      %select_n3A_1588 = arith.select %gt3A_1587, %min3A_1583, %select_n3A_1553 : vector<8x128xi1>, vector<8x128xf32>
      %select_n3A_1589 = arith.select %gt3A_1587, %get3A_1561, %select_n3A_1554 : vector<8x128xi1>, vector<8x128xf32>
      %select_n3A_1590 = arith.select %gt3A_1587, %get3A_1566, %select_n3A_1555 : vector<8x128xi1>, vector<8x128xf32>
      %select_n3A_1591 = arith.select %gt3A_1587, %get3A_1571, %select_n3A_1556 : vector<8x128xi1>, vector<8x128xf32>
      %get3A_1592 = arith.constant 0 : index
      %get3A_1593 = arith.constant 344 : index
      %get3A_1594 = arith.constant 0 : index
      %get3A_1595 = vector.load %arg0[%get3A_1592, %get3A_1593, %get3A_1594] : memref<3x512x128xf32, #tpu.memory_space<vmem>>, vector<1x8x128xf32>
      %get3A_1596 = vector.shape_cast %get3A_1595 : vector<1x8x128xf32> to vector<8x128xf32>
      %get3A_1597 = arith.constant 1 : index
      %get3A_1598 = arith.constant 344 : index
      %get3A_1599 = arith.constant 0 : index
      %get3A_1600 = vector.load %arg0[%get3A_1597, %get3A_1598, %get3A_1599] : memref<3x512x128xf32, #tpu.memory_space<vmem>>, vector<1x8x128xf32>
      %get3A_1601 = vector.shape_cast %get3A_1600 : vector<1x8x128xf32> to vector<8x128xf32>
      %get3A_1602 = arith.constant 2 : index
      %get3A_1603 = arith.constant 344 : index
      %get3A_1604 = arith.constant 0 : index
      %get3A_1605 = vector.load %arg0[%get3A_1602, %get3A_1603, %get3A_1604] : memref<3x512x128xf32, #tpu.memory_space<vmem>>, vector<1x8x128xf32>
      %get3A_1606 = vector.shape_cast %get3A_1605 : vector<1x8x128xf32> to vector<8x128xf32>
      %sub3A_1607 = arith.subf %get3A_1596, %broadcast_in_dim3A_71 : vector<8x128xf32>
      %sub3A_1608 = arith.subf %get3A_1601, %broadcast_in_dim3A_73 : vector<8x128xf32>
      %sub3A_1609 = arith.subf %get3A_1606, %broadcast_in_dim3A_75 : vector<8x128xf32>
      %mul3A_1610 = arith.mulf %sub3A_1607, %sub3A_1607 : vector<8x128xf32>
      %mul3A_1611 = arith.mulf %sub3A_1608, %sub3A_1608 : vector<8x128xf32>
      %add3A_1612 = arith.addf %mul3A_1610, %mul3A_1611 : vector<8x128xf32>
      %mul3A_1613 = arith.mulf %sub3A_1609, %sub3A_1609 : vector<8x128xf32>
      %add3A_1614 = arith.addf %add3A_1612, %mul3A_1613 : vector<8x128xf32>
      %get3A_1615 = arith.constant 344 : index
      %get3A_1616 = arith.constant 0 : index
      %get3A_1617 = vector.load %arg2[%get3A_1615, %get3A_1616] : memref<512x128xf32, #tpu.memory_space<vmem>>, vector<8x128xf32>
      %min3A_1618 = arith.minimumf %get3A_1617, %add3A_1614 : vector<8x128xf32>
      %swap3A_1619 = arith.constant 344 : index
      %swap3A_1620 = arith.constant 0 : index
      %swap3A_1621 = vector.load %arg2[%swap3A_1619, %swap3A_1620] : memref<512x128xf32, #tpu.memory_space<vmem>>, vector<8x128xf32>
      tpu.vector_store %arg2[%swap3A_1619, %swap3A_1620], %min3A_1618 {strides = array<i32>} : memref<512x128xf32, #tpu.memory_space<vmem>>, vector<8x128xf32>,
      %gt3A_1622 = arith.cmpf ogt, %min3A_1618, %select_n3A_1588 : vector<8x128xf32>
      %select_n3A_1623 = arith.select %gt3A_1622, %min3A_1618, %select_n3A_1588 : vector<8x128xi1>, vector<8x128xf32>
      %select_n3A_1624 = arith.select %gt3A_1622, %get3A_1596, %select_n3A_1589 : vector<8x128xi1>, vector<8x128xf32>
      %select_n3A_1625 = arith.select %gt3A_1622, %get3A_1601, %select_n3A_1590 : vector<8x128xi1>, vector<8x128xf32>
      %select_n3A_1626 = arith.select %gt3A_1622, %get3A_1606, %select_n3A_1591 : vector<8x128xi1>, vector<8x128xf32>
      %get3A_1627 = arith.constant 0 : index
      %get3A_1628 = arith.constant 352 : index
      %get3A_1629 = arith.constant 0 : index
      %get3A_1630 = vector.load %arg0[%get3A_1627, %get3A_1628, %get3A_1629] : memref<3x512x128xf32, #tpu.memory_space<vmem>>, vector<1x8x128xf32>
      %get3A_1631 = vector.shape_cast %get3A_1630 : vector<1x8x128xf32> to vector<8x128xf32>
      %get3A_1632 = arith.constant 1 : index
      %get3A_1633 = arith.constant 352 : index
      %get3A_1634 = arith.constant 0 : index
      %get3A_1635 = vector.load %arg0[%get3A_1632, %get3A_1633, %get3A_1634] : memref<3x512x128xf32, #tpu.memory_space<vmem>>, vector<1x8x128xf32>
      %get3A_1636 = vector.shape_cast %get3A_1635 : vector<1x8x128xf32> to vector<8x128xf32>
      %get3A_1637 = arith.constant 2 : index
      %get3A_1638 = arith.constant 352 : index
      %get3A_1639 = arith.constant 0 : index
      %get3A_1640 = vector.load %arg0[%get3A_1637, %get3A_1638, %get3A_1639] : memref<3x512x128xf32, #tpu.memory_space<vmem>>, vector<1x8x128xf32>
      %get3A_1641 = vector.shape_cast %get3A_1640 : vector<1x8x128xf32> to vector<8x128xf32>
      %sub3A_1642 = arith.subf %get3A_1631, %broadcast_in_dim3A_71 : vector<8x128xf32>
      %sub3A_1643 = arith.subf %get3A_1636, %broadcast_in_dim3A_73 : vector<8x128xf32>
      %sub3A_1644 = arith.subf %get3A_1641, %broadcast_in_dim3A_75 : vector<8x128xf32>
      %mul3A_1645 = arith.mulf %sub3A_1642, %sub3A_1642 : vector<8x128xf32>
      %mul3A_1646 = arith.mulf %sub3A_1643, %sub3A_1643 : vector<8x128xf32>
      %add3A_1647 = arith.addf %mul3A_1645, %mul3A_1646 : vector<8x128xf32>
      %mul3A_1648 = arith.mulf %sub3A_1644, %sub3A_1644 : vector<8x128xf32>
      %add3A_1649 = arith.addf %add3A_1647, %mul3A_1648 : vector<8x128xf32>
      %get3A_1650 = arith.constant 352 : index
      %get3A_1651 = arith.constant 0 : index
      %get3A_1652 = vector.load %arg2[%get3A_1650, %get3A_1651] : memref<512x128xf32, #tpu.memory_space<vmem>>, vector<8x128xf32>
      %min3A_1653 = arith.minimumf %get3A_1652, %add3A_1649 : vector<8x128xf32>
      %swap3A_1654 = arith.constant 352 : index
      %swap3A_1655 = arith.constant 0 : index
      %swap3A_1656 = vector.load %arg2[%swap3A_1654, %swap3A_1655] : memref<512x128xf32, #tpu.memory_space<vmem>>, vector<8x128xf32>
      tpu.vector_store %arg2[%swap3A_1654, %swap3A_1655], %min3A_1653 {strides = array<i32>} : memref<512x128xf32, #tpu.memory_space<vmem>>, vector<8x128xf32>,
      %gt3A_1657 = arith.cmpf ogt, %min3A_1653, %select_n3A_1623 : vector<8x128xf32>
      %select_n3A_1658 = arith.select %gt3A_1657, %min3A_1653, %select_n3A_1623 : vector<8x128xi1>, vector<8x128xf32>
      %select_n3A_1659 = arith.select %gt3A_1657, %get3A_1631, %select_n3A_1624 : vector<8x128xi1>, vector<8x128xf32>
      %select_n3A_1660 = arith.select %gt3A_1657, %get3A_1636, %select_n3A_1625 : vector<8x128xi1>, vector<8x128xf32>
      %select_n3A_1661 = arith.select %gt3A_1657, %get3A_1641, %select_n3A_1626 : vector<8x128xi1>, vector<8x128xf32>
      %get3A_1662 = arith.constant 0 : index
      %get3A_1663 = arith.constant 360 : index
      %get3A_1664 = arith.constant 0 : index
      %get3A_1665 = vector.load %arg0[%get3A_1662, %get3A_1663, %get3A_1664] : memref<3x512x128xf32, #tpu.memory_space<vmem>>, vector<1x8x128xf32>
      %get3A_1666 = vector.shape_cast %get3A_1665 : vector<1x8x128xf32> to vector<8x128xf32>
      %get3A_1667 = arith.constant 1 : index
      %get3A_1668 = arith.constant 360 : index
      %get3A_1669 = arith.constant 0 : index
      %get3A_1670 = vector.load %arg0[%get3A_1667, %get3A_1668, %get3A_1669] : memref<3x512x128xf32, #tpu.memory_space<vmem>>, vector<1x8x128xf32>
      %get3A_1671 = vector.shape_cast %get3A_1670 : vector<1x8x128xf32> to vector<8x128xf32>
      %get3A_1672 = arith.constant 2 : index
      %get3A_1673 = arith.constant 360 : index
      %get3A_1674 = arith.constant 0 : index
      %get3A_1675 = vector.load %arg0[%get3A_1672, %get3A_1673, %get3A_1674] : memref<3x512x128xf32, #tpu.memory_space<vmem>>, vector<1x8x128xf32>
      %get3A_1676 = vector.shape_cast %get3A_1675 : vector<1x8x128xf32> to vector<8x128xf32>
      %sub3A_1677 = arith.subf %get3A_1666, %broadcast_in_dim3A_71 : vector<8x128xf32>
      %sub3A_1678 = arith.subf %get3A_1671, %broadcast_in_dim3A_73 : vector<8x128xf32>
      %sub3A_1679 = arith.subf %get3A_1676, %broadcast_in_dim3A_75 : vector<8x128xf32>
      %mul3A_1680 = arith.mulf %sub3A_1677, %sub3A_1677 : vector<8x128xf32>
      %mul3A_1681 = arith.mulf %sub3A_1678, %sub3A_1678 : vector<8x128xf32>
      %add3A_1682 = arith.addf %mul3A_1680, %mul3A_1681 : vector<8x128xf32>
      %mul3A_1683 = arith.mulf %sub3A_1679, %sub3A_1679 : vector<8x128xf32>
      %add3A_1684 = arith.addf %add3A_1682, %mul3A_1683 : vector<8x128xf32>
      %get3A_1685 = arith.constant 360 : index
      %get3A_1686 = arith.constant 0 : index
      %get3A_1687 = vector.load %arg2[%get3A_1685, %get3A_1686] : memref<512x128xf32, #tpu.memory_space<vmem>>, vector<8x128xf32>
      %min3A_1688 = arith.minimumf %get3A_1687, %add3A_1684 : vector<8x128xf32>
      %swap3A_1689 = arith.constant 360 : index
      %swap3A_1690 = arith.constant 0 : index
      %swap3A_1691 = vector.load %arg2[%swap3A_1689, %swap3A_1690] : memref<512x128xf32, #tpu.memory_space<vmem>>, vector<8x128xf32>
      tpu.vector_store %arg2[%swap3A_1689, %swap3A_1690], %min3A_1688 {strides = array<i32>} : memref<512x128xf32, #tpu.memory_space<vmem>>, vector<8x128xf32>,
      %gt3A_1692 = arith.cmpf ogt, %min3A_1688, %select_n3A_1658 : vector<8x128xf32>
      %select_n3A_1693 = arith.select %gt3A_1692, %min3A_1688, %select_n3A_1658 : vector<8x128xi1>, vector<8x128xf32>
      %select_n3A_1694 = arith.select %gt3A_1692, %get3A_1666, %select_n3A_1659 : vector<8x128xi1>, vector<8x128xf32>
      %select_n3A_1695 = arith.select %gt3A_1692, %get3A_1671, %select_n3A_1660 : vector<8x128xi1>, vector<8x128xf32>
      %select_n3A_1696 = arith.select %gt3A_1692, %get3A_1676, %select_n3A_1661 : vector<8x128xi1>, vector<8x128xf32>
      %get3A_1697 = arith.constant 0 : index
      %get3A_1698 = arith.constant 368 : index
      %get3A_1699 = arith.constant 0 : index
      %get3A_1700 = vector.load %arg0[%get3A_1697, %get3A_1698, %get3A_1699] : memref<3x512x128xf32, #tpu.memory_space<vmem>>, vector<1x8x128xf32>
      %get3A_1701 = vector.shape_cast %get3A_1700 : vector<1x8x128xf32> to vector<8x128xf32>
      %get3A_1702 = arith.constant 1 : index
      %get3A_1703 = arith.constant 368 : index
      %get3A_1704 = arith.constant 0 : index
      %get3A_1705 = vector.load %arg0[%get3A_1702, %get3A_1703, %get3A_1704] : memref<3x512x128xf32, #tpu.memory_space<vmem>>, vector<1x8x128xf32>
      %get3A_1706 = vector.shape_cast %get3A_1705 : vector<1x8x128xf32> to vector<8x128xf32>
      %get3A_1707 = arith.constant 2 : index
      %get3A_1708 = arith.constant 368 : index
      %get3A_1709 = arith.constant 0 : index
      %get3A_1710 = vector.load %arg0[%get3A_1707, %get3A_1708, %get3A_1709] : memref<3x512x128xf32, #tpu.memory_space<vmem>>, vector<1x8x128xf32>
      %get3A_1711 = vector.shape_cast %get3A_1710 : vector<1x8x128xf32> to vector<8x128xf32>
      %sub3A_1712 = arith.subf %get3A_1701, %broadcast_in_dim3A_71 : vector<8x128xf32>
      %sub3A_1713 = arith.subf %get3A_1706, %broadcast_in_dim3A_73 : vector<8x128xf32>
      %sub3A_1714 = arith.subf %get3A_1711, %broadcast_in_dim3A_75 : vector<8x128xf32>
      %mul3A_1715 = arith.mulf %sub3A_1712, %sub3A_1712 : vector<8x128xf32>
      %mul3A_1716 = arith.mulf %sub3A_1713, %sub3A_1713 : vector<8x128xf32>
      %add3A_1717 = arith.addf %mul3A_1715, %mul3A_1716 : vector<8x128xf32>
      %mul3A_1718 = arith.mulf %sub3A_1714, %sub3A_1714 : vector<8x128xf32>
      %add3A_1719 = arith.addf %add3A_1717, %mul3A_1718 : vector<8x128xf32>
      %get3A_1720 = arith.constant 368 : index
      %get3A_1721 = arith.constant 0 : index
      %get3A_1722 = vector.load %arg2[%get3A_1720, %get3A_1721] : memref<512x128xf32, #tpu.memory_space<vmem>>, vector<8x128xf32>
      %min3A_1723 = arith.minimumf %get3A_1722, %add3A_1719 : vector<8x128xf32>
      %swap3A_1724 = arith.constant 368 : index
      %swap3A_1725 = arith.constant 0 : index
      %swap3A_1726 = vector.load %arg2[%swap3A_1724, %swap3A_1725] : memref<512x128xf32, #tpu.memory_space<vmem>>, vector<8x128xf32>
      tpu.vector_store %arg2[%swap3A_1724, %swap3A_1725], %min3A_1723 {strides = array<i32>} : memref<512x128xf32, #tpu.memory_space<vmem>>, vector<8x128xf32>,
      %gt3A_1727 = arith.cmpf ogt, %min3A_1723, %select_n3A_1693 : vector<8x128xf32>
      %select_n3A_1728 = arith.select %gt3A_1727, %min3A_1723, %select_n3A_1693 : vector<8x128xi1>, vector<8x128xf32>
      %select_n3A_1729 = arith.select %gt3A_1727, %get3A_1701, %select_n3A_1694 : vector<8x128xi1>, vector<8x128xf32>
      %select_n3A_1730 = arith.select %gt3A_1727, %get3A_1706, %select_n3A_1695 : vector<8x128xi1>, vector<8x128xf32>
      %select_n3A_1731 = arith.select %gt3A_1727, %get3A_1711, %select_n3A_1696 : vector<8x128xi1>, vector<8x128xf32>
      %get3A_1732 = arith.constant 0 : index
      %get3A_1733 = arith.constant 376 : index
      %get3A_1734 = arith.constant 0 : index
      %get3A_1735 = vector.load %arg0[%get3A_1732, %get3A_1733, %get3A_1734] : memref<3x512x128xf32, #tpu.memory_space<vmem>>, vector<1x8x128xf32>
      %get3A_1736 = vector.shape_cast %get3A_1735 : vector<1x8x128xf32> to vector<8x128xf32>
      %get3A_1737 = arith.constant 1 : index
      %get3A_1738 = arith.constant 376 : index
      %get3A_1739 = arith.constant 0 : index
      %get3A_1740 = vector.load %arg0[%get3A_1737, %get3A_1738, %get3A_1739] : memref<3x512x128xf32, #tpu.memory_space<vmem>>, vector<1x8x128xf32>
      %get3A_1741 = vector.shape_cast %get3A_1740 : vector<1x8x128xf32> to vector<8x128xf32>
      %get3A_1742 = arith.constant 2 : index
      %get3A_1743 = arith.constant 376 : index
      %get3A_1744 = arith.constant 0 : index
      %get3A_1745 = vector.load %arg0[%get3A_1742, %get3A_1743, %get3A_1744] : memref<3x512x128xf32, #tpu.memory_space<vmem>>, vector<1x8x128xf32>
      %get3A_1746 = vector.shape_cast %get3A_1745 : vector<1x8x128xf32> to vector<8x128xf32>
      %sub3A_1747 = arith.subf %get3A_1736, %broadcast_in_dim3A_71 : vector<8x128xf32>
      %sub3A_1748 = arith.subf %get3A_1741, %broadcast_in_dim3A_73 : vector<8x128xf32>
      %sub3A_1749 = arith.subf %get3A_1746, %broadcast_in_dim3A_75 : vector<8x128xf32>
      %mul3A_1750 = arith.mulf %sub3A_1747, %sub3A_1747 : vector<8x128xf32>
      %mul3A_1751 = arith.mulf %sub3A_1748, %sub3A_1748 : vector<8x128xf32>
      %add3A_1752 = arith.addf %mul3A_1750, %mul3A_1751 : vector<8x128xf32>
      %mul3A_1753 = arith.mulf %sub3A_1749, %sub3A_1749 : vector<8x128xf32>
      %add3A_1754 = arith.addf %add3A_1752, %mul3A_1753 : vector<8x128xf32>
      %get3A_1755 = arith.constant 376 : index
      %get3A_1756 = arith.constant 0 : index
      %get3A_1757 = vector.load %arg2[%get3A_1755, %get3A_1756] : memref<512x128xf32, #tpu.memory_space<vmem>>, vector<8x128xf32>
      %min3A_1758 = arith.minimumf %get3A_1757, %add3A_1754 : vector<8x128xf32>
      %swap3A_1759 = arith.constant 376 : index
      %swap3A_1760 = arith.constant 0 : index
      %swap3A_1761 = vector.load %arg2[%swap3A_1759, %swap3A_1760] : memref<512x128xf32, #tpu.memory_space<vmem>>, vector<8x128xf32>
      tpu.vector_store %arg2[%swap3A_1759, %swap3A_1760], %min3A_1758 {strides = array<i32>} : memref<512x128xf32, #tpu.memory_space<vmem>>, vector<8x128xf32>,
      %gt3A_1762 = arith.cmpf ogt, %min3A_1758, %select_n3A_1728 : vector<8x128xf32>
      %select_n3A_1763 = arith.select %gt3A_1762, %min3A_1758, %select_n3A_1728 : vector<8x128xi1>, vector<8x128xf32>
      %select_n3A_1764 = arith.select %gt3A_1762, %get3A_1736, %select_n3A_1729 : vector<8x128xi1>, vector<8x128xf32>
      %select_n3A_1765 = arith.select %gt3A_1762, %get3A_1741, %select_n3A_1730 : vector<8x128xi1>, vector<8x128xf32>
      %select_n3A_1766 = arith.select %gt3A_1762, %get3A_1746, %select_n3A_1731 : vector<8x128xi1>, vector<8x128xf32>
      %get3A_1767 = arith.constant 0 : index
      %get3A_1768 = arith.constant 384 : index
      %get3A_1769 = arith.constant 0 : index
      %get3A_1770 = vector.load %arg0[%get3A_1767, %get3A_1768, %get3A_1769] : memref<3x512x128xf32, #tpu.memory_space<vmem>>, vector<1x8x128xf32>
      %get3A_1771 = vector.shape_cast %get3A_1770 : vector<1x8x128xf32> to vector<8x128xf32>
      %get3A_1772 = arith.constant 1 : index
      %get3A_1773 = arith.constant 384 : index
      %get3A_1774 = arith.constant 0 : index
      %get3A_1775 = vector.load %arg0[%get3A_1772, %get3A_1773, %get3A_1774] : memref<3x512x128xf32, #tpu.memory_space<vmem>>, vector<1x8x128xf32>
      %get3A_1776 = vector.shape_cast %get3A_1775 : vector<1x8x128xf32> to vector<8x128xf32>
      %get3A_1777 = arith.constant 2 : index
      %get3A_1778 = arith.constant 384 : index
      %get3A_1779 = arith.constant 0 : index
      %get3A_1780 = vector.load %arg0[%get3A_1777, %get3A_1778, %get3A_1779] : memref<3x512x128xf32, #tpu.memory_space<vmem>>, vector<1x8x128xf32>
      %get3A_1781 = vector.shape_cast %get3A_1780 : vector<1x8x128xf32> to vector<8x128xf32>
      %sub3A_1782 = arith.subf %get3A_1771, %broadcast_in_dim3A_71 : vector<8x128xf32>
      %sub3A_1783 = arith.subf %get3A_1776, %broadcast_in_dim3A_73 : vector<8x128xf32>
      %sub3A_1784 = arith.subf %get3A_1781, %broadcast_in_dim3A_75 : vector<8x128xf32>
      %mul3A_1785 = arith.mulf %sub3A_1782, %sub3A_1782 : vector<8x128xf32>
      %mul3A_1786 = arith.mulf %sub3A_1783, %sub3A_1783 : vector<8x128xf32>
      %add3A_1787 = arith.addf %mul3A_1785, %mul3A_1786 : vector<8x128xf32>
      %mul3A_1788 = arith.mulf %sub3A_1784, %sub3A_1784 : vector<8x128xf32>
      %add3A_1789 = arith.addf %add3A_1787, %mul3A_1788 : vector<8x128xf32>
      %get3A_1790 = arith.constant 384 : index
      %get3A_1791 = arith.constant 0 : index
      %get3A_1792 = vector.load %arg2[%get3A_1790, %get3A_1791] : memref<512x128xf32, #tpu.memory_space<vmem>>, vector<8x128xf32>
      %min3A_1793 = arith.minimumf %get3A_1792, %add3A_1789 : vector<8x128xf32>
      %swap3A_1794 = arith.constant 384 : index
      %swap3A_1795 = arith.constant 0 : index
      %swap3A_1796 = vector.load %arg2[%swap3A_1794, %swap3A_1795] : memref<512x128xf32, #tpu.memory_space<vmem>>, vector<8x128xf32>
      tpu.vector_store %arg2[%swap3A_1794, %swap3A_1795], %min3A_1793 {strides = array<i32>} : memref<512x128xf32, #tpu.memory_space<vmem>>, vector<8x128xf32>,
      %gt3A_1797 = arith.cmpf ogt, %min3A_1793, %select_n3A_1763 : vector<8x128xf32>
      %select_n3A_1798 = arith.select %gt3A_1797, %min3A_1793, %select_n3A_1763 : vector<8x128xi1>, vector<8x128xf32>
      %select_n3A_1799 = arith.select %gt3A_1797, %get3A_1771, %select_n3A_1764 : vector<8x128xi1>, vector<8x128xf32>
      %select_n3A_1800 = arith.select %gt3A_1797, %get3A_1776, %select_n3A_1765 : vector<8x128xi1>, vector<8x128xf32>
      %select_n3A_1801 = arith.select %gt3A_1797, %get3A_1781, %select_n3A_1766 : vector<8x128xi1>, vector<8x128xf32>
      %get3A_1802 = arith.constant 0 : index
      %get3A_1803 = arith.constant 392 : index
      %get3A_1804 = arith.constant 0 : index
      %get3A_1805 = vector.load %arg0[%get3A_1802, %get3A_1803, %get3A_1804] : memref<3x512x128xf32, #tpu.memory_space<vmem>>, vector<1x8x128xf32>
      %get3A_1806 = vector.shape_cast %get3A_1805 : vector<1x8x128xf32> to vector<8x128xf32>
      %get3A_1807 = arith.constant 1 : index
      %get3A_1808 = arith.constant 392 : index
      %get3A_1809 = arith.constant 0 : index
      %get3A_1810 = vector.load %arg0[%get3A_1807, %get3A_1808, %get3A_1809] : memref<3x512x128xf32, #tpu.memory_space<vmem>>, vector<1x8x128xf32>
      %get3A_1811 = vector.shape_cast %get3A_1810 : vector<1x8x128xf32> to vector<8x128xf32>
      %get3A_1812 = arith.constant 2 : index
      %get3A_1813 = arith.constant 392 : index
      %get3A_1814 = arith.constant 0 : index
      %get3A_1815 = vector.load %arg0[%get3A_1812, %get3A_1813, %get3A_1814] : memref<3x512x128xf32, #tpu.memory_space<vmem>>, vector<1x8x128xf32>
      %get3A_1816 = vector.shape_cast %get3A_1815 : vector<1x8x128xf32> to vector<8x128xf32>
      %sub3A_1817 = arith.subf %get3A_1806, %broadcast_in_dim3A_71 : vector<8x128xf32>
      %sub3A_1818 = arith.subf %get3A_1811, %broadcast_in_dim3A_73 : vector<8x128xf32>
      %sub3A_1819 = arith.subf %get3A_1816, %broadcast_in_dim3A_75 : vector<8x128xf32>
      %mul3A_1820 = arith.mulf %sub3A_1817, %sub3A_1817 : vector<8x128xf32>
      %mul3A_1821 = arith.mulf %sub3A_1818, %sub3A_1818 : vector<8x128xf32>
      %add3A_1822 = arith.addf %mul3A_1820, %mul3A_1821 : vector<8x128xf32>
      %mul3A_1823 = arith.mulf %sub3A_1819, %sub3A_1819 : vector<8x128xf32>
      %add3A_1824 = arith.addf %add3A_1822, %mul3A_1823 : vector<8x128xf32>
      %get3A_1825 = arith.constant 392 : index
      %get3A_1826 = arith.constant 0 : index
      %get3A_1827 = vector.load %arg2[%get3A_1825, %get3A_1826] : memref<512x128xf32, #tpu.memory_space<vmem>>, vector<8x128xf32>
      %min3A_1828 = arith.minimumf %get3A_1827, %add3A_1824 : vector<8x128xf32>
      %swap3A_1829 = arith.constant 392 : index
      %swap3A_1830 = arith.constant 0 : index
      %swap3A_1831 = vector.load %arg2[%swap3A_1829, %swap3A_1830] : memref<512x128xf32, #tpu.memory_space<vmem>>, vector<8x128xf32>
      tpu.vector_store %arg2[%swap3A_1829, %swap3A_1830], %min3A_1828 {strides = array<i32>} : memref<512x128xf32, #tpu.memory_space<vmem>>, vector<8x128xf32>,
      %gt3A_1832 = arith.cmpf ogt, %min3A_1828, %select_n3A_1798 : vector<8x128xf32>
      %select_n3A_1833 = arith.select %gt3A_1832, %min3A_1828, %select_n3A_1798 : vector<8x128xi1>, vector<8x128xf32>
      %select_n3A_1834 = arith.select %gt3A_1832, %get3A_1806, %select_n3A_1799 : vector<8x128xi1>, vector<8x128xf32>
      %select_n3A_1835 = arith.select %gt3A_1832, %get3A_1811, %select_n3A_1800 : vector<8x128xi1>, vector<8x128xf32>
      %select_n3A_1836 = arith.select %gt3A_1832, %get3A_1816, %select_n3A_1801 : vector<8x128xi1>, vector<8x128xf32>
      %get3A_1837 = arith.constant 0 : index
      %get3A_1838 = arith.constant 400 : index
      %get3A_1839 = arith.constant 0 : index
      %get3A_1840 = vector.load %arg0[%get3A_1837, %get3A_1838, %get3A_1839] : memref<3x512x128xf32, #tpu.memory_space<vmem>>, vector<1x8x128xf32>
      %get3A_1841 = vector.shape_cast %get3A_1840 : vector<1x8x128xf32> to vector<8x128xf32>
      %get3A_1842 = arith.constant 1 : index
      %get3A_1843 = arith.constant 400 : index
      %get3A_1844 = arith.constant 0 : index
      %get3A_1845 = vector.load %arg0[%get3A_1842, %get3A_1843, %get3A_1844] : memref<3x512x128xf32, #tpu.memory_space<vmem>>, vector<1x8x128xf32>
      %get3A_1846 = vector.shape_cast %get3A_1845 : vector<1x8x128xf32> to vector<8x128xf32>
      %get3A_1847 = arith.constant 2 : index
      %get3A_1848 = arith.constant 400 : index
      %get3A_1849 = arith.constant 0 : index
      %get3A_1850 = vector.load %arg0[%get3A_1847, %get3A_1848, %get3A_1849] : memref<3x512x128xf32, #tpu.memory_space<vmem>>, vector<1x8x128xf32>
      %get3A_1851 = vector.shape_cast %get3A_1850 : vector<1x8x128xf32> to vector<8x128xf32>
      %sub3A_1852 = arith.subf %get3A_1841, %broadcast_in_dim3A_71 : vector<8x128xf32>
      %sub3A_1853 = arith.subf %get3A_1846, %broadcast_in_dim3A_73 : vector<8x128xf32>
      %sub3A_1854 = arith.subf %get3A_1851, %broadcast_in_dim3A_75 : vector<8x128xf32>
      %mul3A_1855 = arith.mulf %sub3A_1852, %sub3A_1852 : vector<8x128xf32>
      %mul3A_1856 = arith.mulf %sub3A_1853, %sub3A_1853 : vector<8x128xf32>
      %add3A_1857 = arith.addf %mul3A_1855, %mul3A_1856 : vector<8x128xf32>
      %mul3A_1858 = arith.mulf %sub3A_1854, %sub3A_1854 : vector<8x128xf32>
      %add3A_1859 = arith.addf %add3A_1857, %mul3A_1858 : vector<8x128xf32>
      %get3A_1860 = arith.constant 400 : index
      %get3A_1861 = arith.constant 0 : index
      %get3A_1862 = vector.load %arg2[%get3A_1860, %get3A_1861] : memref<512x128xf32, #tpu.memory_space<vmem>>, vector<8x128xf32>
      %min3A_1863 = arith.minimumf %get3A_1862, %add3A_1859 : vector<8x128xf32>
      %swap3A_1864 = arith.constant 400 : index
      %swap3A_1865 = arith.constant 0 : index
      %swap3A_1866 = vector.load %arg2[%swap3A_1864, %swap3A_1865] : memref<512x128xf32, #tpu.memory_space<vmem>>, vector<8x128xf32>
      tpu.vector_store %arg2[%swap3A_1864, %swap3A_1865], %min3A_1863 {strides = array<i32>} : memref<512x128xf32, #tpu.memory_space<vmem>>, vector<8x128xf32>,
      %gt3A_1867 = arith.cmpf ogt, %min3A_1863, %select_n3A_1833 : vector<8x128xf32>
      %select_n3A_1868 = arith.select %gt3A_1867, %min3A_1863, %select_n3A_1833 : vector<8x128xi1>, vector<8x128xf32>
      %select_n3A_1869 = arith.select %gt3A_1867, %get3A_1841, %select_n3A_1834 : vector<8x128xi1>, vector<8x128xf32>
      %select_n3A_1870 = arith.select %gt3A_1867, %get3A_1846, %select_n3A_1835 : vector<8x128xi1>, vector<8x128xf32>
      %select_n3A_1871 = arith.select %gt3A_1867, %get3A_1851, %select_n3A_1836 : vector<8x128xi1>, vector<8x128xf32>
      %get3A_1872 = arith.constant 0 : index
      %get3A_1873 = arith.constant 408 : index
      %get3A_1874 = arith.constant 0 : index
      %get3A_1875 = vector.load %arg0[%get3A_1872, %get3A_1873, %get3A_1874] : memref<3x512x128xf32, #tpu.memory_space<vmem>>, vector<1x8x128xf32>
      %get3A_1876 = vector.shape_cast %get3A_1875 : vector<1x8x128xf32> to vector<8x128xf32>
      %get3A_1877 = arith.constant 1 : index
      %get3A_1878 = arith.constant 408 : index
      %get3A_1879 = arith.constant 0 : index
      %get3A_1880 = vector.load %arg0[%get3A_1877, %get3A_1878, %get3A_1879] : memref<3x512x128xf32, #tpu.memory_space<vmem>>, vector<1x8x128xf32>
      %get3A_1881 = vector.shape_cast %get3A_1880 : vector<1x8x128xf32> to vector<8x128xf32>
      %get3A_1882 = arith.constant 2 : index
      %get3A_1883 = arith.constant 408 : index
      %get3A_1884 = arith.constant 0 : index
      %get3A_1885 = vector.load %arg0[%get3A_1882, %get3A_1883, %get3A_1884] : memref<3x512x128xf32, #tpu.memory_space<vmem>>, vector<1x8x128xf32>
      %get3A_1886 = vector.shape_cast %get3A_1885 : vector<1x8x128xf32> to vector<8x128xf32>
      %sub3A_1887 = arith.subf %get3A_1876, %broadcast_in_dim3A_71 : vector<8x128xf32>
      %sub3A_1888 = arith.subf %get3A_1881, %broadcast_in_dim3A_73 : vector<8x128xf32>
      %sub3A_1889 = arith.subf %get3A_1886, %broadcast_in_dim3A_75 : vector<8x128xf32>
      %mul3A_1890 = arith.mulf %sub3A_1887, %sub3A_1887 : vector<8x128xf32>
      %mul3A_1891 = arith.mulf %sub3A_1888, %sub3A_1888 : vector<8x128xf32>
      %add3A_1892 = arith.addf %mul3A_1890, %mul3A_1891 : vector<8x128xf32>
      %mul3A_1893 = arith.mulf %sub3A_1889, %sub3A_1889 : vector<8x128xf32>
      %add3A_1894 = arith.addf %add3A_1892, %mul3A_1893 : vector<8x128xf32>
      %get3A_1895 = arith.constant 408 : index
      %get3A_1896 = arith.constant 0 : index
      %get3A_1897 = vector.load %arg2[%get3A_1895, %get3A_1896] : memref<512x128xf32, #tpu.memory_space<vmem>>, vector<8x128xf32>
      %min3A_1898 = arith.minimumf %get3A_1897, %add3A_1894 : vector<8x128xf32>
      %swap3A_1899 = arith.constant 408 : index
      %swap3A_1900 = arith.constant 0 : index
      %swap3A_1901 = vector.load %arg2[%swap3A_1899, %swap3A_1900] : memref<512x128xf32, #tpu.memory_space<vmem>>, vector<8x128xf32>
      tpu.vector_store %arg2[%swap3A_1899, %swap3A_1900], %min3A_1898 {strides = array<i32>} : memref<512x128xf32, #tpu.memory_space<vmem>>, vector<8x128xf32>,
      %gt3A_1902 = arith.cmpf ogt, %min3A_1898, %select_n3A_1868 : vector<8x128xf32>
      %select_n3A_1903 = arith.select %gt3A_1902, %min3A_1898, %select_n3A_1868 : vector<8x128xi1>, vector<8x128xf32>
      %select_n3A_1904 = arith.select %gt3A_1902, %get3A_1876, %select_n3A_1869 : vector<8x128xi1>, vector<8x128xf32>
      %select_n3A_1905 = arith.select %gt3A_1902, %get3A_1881, %select_n3A_1870 : vector<8x128xi1>, vector<8x128xf32>
      %select_n3A_1906 = arith.select %gt3A_1902, %get3A_1886, %select_n3A_1871 : vector<8x128xi1>, vector<8x128xf32>
      %get3A_1907 = arith.constant 0 : index
      %get3A_1908 = arith.constant 416 : index
      %get3A_1909 = arith.constant 0 : index
      %get3A_1910 = vector.load %arg0[%get3A_1907, %get3A_1908, %get3A_1909] : memref<3x512x128xf32, #tpu.memory_space<vmem>>, vector<1x8x128xf32>
      %get3A_1911 = vector.shape_cast %get3A_1910 : vector<1x8x128xf32> to vector<8x128xf32>
      %get3A_1912 = arith.constant 1 : index
      %get3A_1913 = arith.constant 416 : index
      %get3A_1914 = arith.constant 0 : index
      %get3A_1915 = vector.load %arg0[%get3A_1912, %get3A_1913, %get3A_1914] : memref<3x512x128xf32, #tpu.memory_space<vmem>>, vector<1x8x128xf32>
      %get3A_1916 = vector.shape_cast %get3A_1915 : vector<1x8x128xf32> to vector<8x128xf32>
      %get3A_1917 = arith.constant 2 : index
      %get3A_1918 = arith.constant 416 : index
      %get3A_1919 = arith.constant 0 : index
      %get3A_1920 = vector.load %arg0[%get3A_1917, %get3A_1918, %get3A_1919] : memref<3x512x128xf32, #tpu.memory_space<vmem>>, vector<1x8x128xf32>
      %get3A_1921 = vector.shape_cast %get3A_1920 : vector<1x8x128xf32> to vector<8x128xf32>
      %sub3A_1922 = arith.subf %get3A_1911, %broadcast_in_dim3A_71 : vector<8x128xf32>
      %sub3A_1923 = arith.subf %get3A_1916, %broadcast_in_dim3A_73 : vector<8x128xf32>
      %sub3A_1924 = arith.subf %get3A_1921, %broadcast_in_dim3A_75 : vector<8x128xf32>
      %mul3A_1925 = arith.mulf %sub3A_1922, %sub3A_1922 : vector<8x128xf32>
      %mul3A_1926 = arith.mulf %sub3A_1923, %sub3A_1923 : vector<8x128xf32>
      %add3A_1927 = arith.addf %mul3A_1925, %mul3A_1926 : vector<8x128xf32>
      %mul3A_1928 = arith.mulf %sub3A_1924, %sub3A_1924 : vector<8x128xf32>
      %add3A_1929 = arith.addf %add3A_1927, %mul3A_1928 : vector<8x128xf32>
      %get3A_1930 = arith.constant 416 : index
      %get3A_1931 = arith.constant 0 : index
      %get3A_1932 = vector.load %arg2[%get3A_1930, %get3A_1931] : memref<512x128xf32, #tpu.memory_space<vmem>>, vector<8x128xf32>
      %min3A_1933 = arith.minimumf %get3A_1932, %add3A_1929 : vector<8x128xf32>
      %swap3A_1934 = arith.constant 416 : index
      %swap3A_1935 = arith.constant 0 : index
      %swap3A_1936 = vector.load %arg2[%swap3A_1934, %swap3A_1935] : memref<512x128xf32, #tpu.memory_space<vmem>>, vector<8x128xf32>
      tpu.vector_store %arg2[%swap3A_1934, %swap3A_1935], %min3A_1933 {strides = array<i32>} : memref<512x128xf32, #tpu.memory_space<vmem>>, vector<8x128xf32>,
      %gt3A_1937 = arith.cmpf ogt, %min3A_1933, %select_n3A_1903 : vector<8x128xf32>
      %select_n3A_1938 = arith.select %gt3A_1937, %min3A_1933, %select_n3A_1903 : vector<8x128xi1>, vector<8x128xf32>
      %select_n3A_1939 = arith.select %gt3A_1937, %get3A_1911, %select_n3A_1904 : vector<8x128xi1>, vector<8x128xf32>
      %select_n3A_1940 = arith.select %gt3A_1937, %get3A_1916, %select_n3A_1905 : vector<8x128xi1>, vector<8x128xf32>
      %select_n3A_1941 = arith.select %gt3A_1937, %get3A_1921, %select_n3A_1906 : vector<8x128xi1>, vector<8x128xf32>
      %get3A_1942 = arith.constant 0 : index
      %get3A_1943 = arith.constant 424 : index
      %get3A_1944 = arith.constant 0 : index
      %get3A_1945 = vector.load %arg0[%get3A_1942, %get3A_1943, %get3A_1944] : memref<3x512x128xf32, #tpu.memory_space<vmem>>, vector<1x8x128xf32>
      %get3A_1946 = vector.shape_cast %get3A_1945 : vector<1x8x128xf32> to vector<8x128xf32>
      %get3A_1947 = arith.constant 1 : index
      %get3A_1948 = arith.constant 424 : index
      %get3A_1949 = arith.constant 0 : index
      %get3A_1950 = vector.load %arg0[%get3A_1947, %get3A_1948, %get3A_1949] : memref<3x512x128xf32, #tpu.memory_space<vmem>>, vector<1x8x128xf32>
      %get3A_1951 = vector.shape_cast %get3A_1950 : vector<1x8x128xf32> to vector<8x128xf32>
      %get3A_1952 = arith.constant 2 : index
      %get3A_1953 = arith.constant 424 : index
      %get3A_1954 = arith.constant 0 : index
      %get3A_1955 = vector.load %arg0[%get3A_1952, %get3A_1953, %get3A_1954] : memref<3x512x128xf32, #tpu.memory_space<vmem>>, vector<1x8x128xf32>
      %get3A_1956 = vector.shape_cast %get3A_1955 : vector<1x8x128xf32> to vector<8x128xf32>
      %sub3A_1957 = arith.subf %get3A_1946, %broadcast_in_dim3A_71 : vector<8x128xf32>
      %sub3A_1958 = arith.subf %get3A_1951, %broadcast_in_dim3A_73 : vector<8x128xf32>
      %sub3A_1959 = arith.subf %get3A_1956, %broadcast_in_dim3A_75 : vector<8x128xf32>
      %mul3A_1960 = arith.mulf %sub3A_1957, %sub3A_1957 : vector<8x128xf32>
      %mul3A_1961 = arith.mulf %sub3A_1958, %sub3A_1958 : vector<8x128xf32>
      %add3A_1962 = arith.addf %mul3A_1960, %mul3A_1961 : vector<8x128xf32>
      %mul3A_1963 = arith.mulf %sub3A_1959, %sub3A_1959 : vector<8x128xf32>
      %add3A_1964 = arith.addf %add3A_1962, %mul3A_1963 : vector<8x128xf32>
      %get3A_1965 = arith.constant 424 : index
      %get3A_1966 = arith.constant 0 : index
      %get3A_1967 = vector.load %arg2[%get3A_1965, %get3A_1966] : memref<512x128xf32, #tpu.memory_space<vmem>>, vector<8x128xf32>
      %min3A_1968 = arith.minimumf %get3A_1967, %add3A_1964 : vector<8x128xf32>
      %swap3A_1969 = arith.constant 424 : index
      %swap3A_1970 = arith.constant 0 : index
      %swap3A_1971 = vector.load %arg2[%swap3A_1969, %swap3A_1970] : memref<512x128xf32, #tpu.memory_space<vmem>>, vector<8x128xf32>
      tpu.vector_store %arg2[%swap3A_1969, %swap3A_1970], %min3A_1968 {strides = array<i32>} : memref<512x128xf32, #tpu.memory_space<vmem>>, vector<8x128xf32>,
      %gt3A_1972 = arith.cmpf ogt, %min3A_1968, %select_n3A_1938 : vector<8x128xf32>
      %select_n3A_1973 = arith.select %gt3A_1972, %min3A_1968, %select_n3A_1938 : vector<8x128xi1>, vector<8x128xf32>
      %select_n3A_1974 = arith.select %gt3A_1972, %get3A_1946, %select_n3A_1939 : vector<8x128xi1>, vector<8x128xf32>
      %select_n3A_1975 = arith.select %gt3A_1972, %get3A_1951, %select_n3A_1940 : vector<8x128xi1>, vector<8x128xf32>
      %select_n3A_1976 = arith.select %gt3A_1972, %get3A_1956, %select_n3A_1941 : vector<8x128xi1>, vector<8x128xf32>
      %get3A_1977 = arith.constant 0 : index
      %get3A_1978 = arith.constant 432 : index
      %get3A_1979 = arith.constant 0 : index
      %get3A_1980 = vector.load %arg0[%get3A_1977, %get3A_1978, %get3A_1979] : memref<3x512x128xf32, #tpu.memory_space<vmem>>, vector<1x8x128xf32>
      %get3A_1981 = vector.shape_cast %get3A_1980 : vector<1x8x128xf32> to vector<8x128xf32>
      %get3A_1982 = arith.constant 1 : index
      %get3A_1983 = arith.constant 432 : index
      %get3A_1984 = arith.constant 0 : index
      %get3A_1985 = vector.load %arg0[%get3A_1982, %get3A_1983, %get3A_1984] : memref<3x512x128xf32, #tpu.memory_space<vmem>>, vector<1x8x128xf32>
      %get3A_1986 = vector.shape_cast %get3A_1985 : vector<1x8x128xf32> to vector<8x128xf32>
      %get3A_1987 = arith.constant 2 : index
      %get3A_1988 = arith.constant 432 : index
      %get3A_1989 = arith.constant 0 : index
      %get3A_1990 = vector.load %arg0[%get3A_1987, %get3A_1988, %get3A_1989] : memref<3x512x128xf32, #tpu.memory_space<vmem>>, vector<1x8x128xf32>
      %get3A_1991 = vector.shape_cast %get3A_1990 : vector<1x8x128xf32> to vector<8x128xf32>
      %sub3A_1992 = arith.subf %get3A_1981, %broadcast_in_dim3A_71 : vector<8x128xf32>
      %sub3A_1993 = arith.subf %get3A_1986, %broadcast_in_dim3A_73 : vector<8x128xf32>
      %sub3A_1994 = arith.subf %get3A_1991, %broadcast_in_dim3A_75 : vector<8x128xf32>
      %mul3A_1995 = arith.mulf %sub3A_1992, %sub3A_1992 : vector<8x128xf32>
      %mul3A_1996 = arith.mulf %sub3A_1993, %sub3A_1993 : vector<8x128xf32>
      %add3A_1997 = arith.addf %mul3A_1995, %mul3A_1996 : vector<8x128xf32>
      %mul3A_1998 = arith.mulf %sub3A_1994, %sub3A_1994 : vector<8x128xf32>
      %add3A_1999 = arith.addf %add3A_1997, %mul3A_1998 : vector<8x128xf32>
      %get3A_2000 = arith.constant 432 : index
      %get3A_2001 = arith.constant 0 : index
      %get3A_2002 = vector.load %arg2[%get3A_2000, %get3A_2001] : memref<512x128xf32, #tpu.memory_space<vmem>>, vector<8x128xf32>
      %min3A_2003 = arith.minimumf %get3A_2002, %add3A_1999 : vector<8x128xf32>
      %swap3A_2004 = arith.constant 432 : index
      %swap3A_2005 = arith.constant 0 : index
      %swap3A_2006 = vector.load %arg2[%swap3A_2004, %swap3A_2005] : memref<512x128xf32, #tpu.memory_space<vmem>>, vector<8x128xf32>
      tpu.vector_store %arg2[%swap3A_2004, %swap3A_2005], %min3A_2003 {strides = array<i32>} : memref<512x128xf32, #tpu.memory_space<vmem>>, vector<8x128xf32>,
      %gt3A_2007 = arith.cmpf ogt, %min3A_2003, %select_n3A_1973 : vector<8x128xf32>
      %select_n3A_2008 = arith.select %gt3A_2007, %min3A_2003, %select_n3A_1973 : vector<8x128xi1>, vector<8x128xf32>
      %select_n3A_2009 = arith.select %gt3A_2007, %get3A_1981, %select_n3A_1974 : vector<8x128xi1>, vector<8x128xf32>
      %select_n3A_2010 = arith.select %gt3A_2007, %get3A_1986, %select_n3A_1975 : vector<8x128xi1>, vector<8x128xf32>
      %select_n3A_2011 = arith.select %gt3A_2007, %get3A_1991, %select_n3A_1976 : vector<8x128xi1>, vector<8x128xf32>
      %get3A_2012 = arith.constant 0 : index
      %get3A_2013 = arith.constant 440 : index
      %get3A_2014 = arith.constant 0 : index
      %get3A_2015 = vector.load %arg0[%get3A_2012, %get3A_2013, %get3A_2014] : memref<3x512x128xf32, #tpu.memory_space<vmem>>, vector<1x8x128xf32>
      %get3A_2016 = vector.shape_cast %get3A_2015 : vector<1x8x128xf32> to vector<8x128xf32>
      %get3A_2017 = arith.constant 1 : index
      %get3A_2018 = arith.constant 440 : index
      %get3A_2019 = arith.constant 0 : index
      %get3A_2020 = vector.load %arg0[%get3A_2017, %get3A_2018, %get3A_2019] : memref<3x512x128xf32, #tpu.memory_space<vmem>>, vector<1x8x128xf32>
      %get3A_2021 = vector.shape_cast %get3A_2020 : vector<1x8x128xf32> to vector<8x128xf32>
      %get3A_2022 = arith.constant 2 : index
      %get3A_2023 = arith.constant 440 : index
      %get3A_2024 = arith.constant 0 : index
      %get3A_2025 = vector.load %arg0[%get3A_2022, %get3A_2023, %get3A_2024] : memref<3x512x128xf32, #tpu.memory_space<vmem>>, vector<1x8x128xf32>
      %get3A_2026 = vector.shape_cast %get3A_2025 : vector<1x8x128xf32> to vector<8x128xf32>
      %sub3A_2027 = arith.subf %get3A_2016, %broadcast_in_dim3A_71 : vector<8x128xf32>
      %sub3A_2028 = arith.subf %get3A_2021, %broadcast_in_dim3A_73 : vector<8x128xf32>
      %sub3A_2029 = arith.subf %get3A_2026, %broadcast_in_dim3A_75 : vector<8x128xf32>
      %mul3A_2030 = arith.mulf %sub3A_2027, %sub3A_2027 : vector<8x128xf32>
      %mul3A_2031 = arith.mulf %sub3A_2028, %sub3A_2028 : vector<8x128xf32>
      %add3A_2032 = arith.addf %mul3A_2030, %mul3A_2031 : vector<8x128xf32>
      %mul3A_2033 = arith.mulf %sub3A_2029, %sub3A_2029 : vector<8x128xf32>
      %add3A_2034 = arith.addf %add3A_2032, %mul3A_2033 : vector<8x128xf32>
      %get3A_2035 = arith.constant 440 : index
      %get3A_2036 = arith.constant 0 : index
      %get3A_2037 = vector.load %arg2[%get3A_2035, %get3A_2036] : memref<512x128xf32, #tpu.memory_space<vmem>>, vector<8x128xf32>
      %min3A_2038 = arith.minimumf %get3A_2037, %add3A_2034 : vector<8x128xf32>
      %swap3A_2039 = arith.constant 440 : index
      %swap3A_2040 = arith.constant 0 : index
      %swap3A_2041 = vector.load %arg2[%swap3A_2039, %swap3A_2040] : memref<512x128xf32, #tpu.memory_space<vmem>>, vector<8x128xf32>
      tpu.vector_store %arg2[%swap3A_2039, %swap3A_2040], %min3A_2038 {strides = array<i32>} : memref<512x128xf32, #tpu.memory_space<vmem>>, vector<8x128xf32>,
      %gt3A_2042 = arith.cmpf ogt, %min3A_2038, %select_n3A_2008 : vector<8x128xf32>
      %select_n3A_2043 = arith.select %gt3A_2042, %min3A_2038, %select_n3A_2008 : vector<8x128xi1>, vector<8x128xf32>
      %select_n3A_2044 = arith.select %gt3A_2042, %get3A_2016, %select_n3A_2009 : vector<8x128xi1>, vector<8x128xf32>
      %select_n3A_2045 = arith.select %gt3A_2042, %get3A_2021, %select_n3A_2010 : vector<8x128xi1>, vector<8x128xf32>
      %select_n3A_2046 = arith.select %gt3A_2042, %get3A_2026, %select_n3A_2011 : vector<8x128xi1>, vector<8x128xf32>
      %get3A_2047 = arith.constant 0 : index
      %get3A_2048 = arith.constant 448 : index
      %get3A_2049 = arith.constant 0 : index
      %get3A_2050 = vector.load %arg0[%get3A_2047, %get3A_2048, %get3A_2049] : memref<3x512x128xf32, #tpu.memory_space<vmem>>, vector<1x8x128xf32>
      %get3A_2051 = vector.shape_cast %get3A_2050 : vector<1x8x128xf32> to vector<8x128xf32>
      %get3A_2052 = arith.constant 1 : index
      %get3A_2053 = arith.constant 448 : index
      %get3A_2054 = arith.constant 0 : index
      %get3A_2055 = vector.load %arg0[%get3A_2052, %get3A_2053, %get3A_2054] : memref<3x512x128xf32, #tpu.memory_space<vmem>>, vector<1x8x128xf32>
      %get3A_2056 = vector.shape_cast %get3A_2055 : vector<1x8x128xf32> to vector<8x128xf32>
      %get3A_2057 = arith.constant 2 : index
      %get3A_2058 = arith.constant 448 : index
      %get3A_2059 = arith.constant 0 : index
      %get3A_2060 = vector.load %arg0[%get3A_2057, %get3A_2058, %get3A_2059] : memref<3x512x128xf32, #tpu.memory_space<vmem>>, vector<1x8x128xf32>
      %get3A_2061 = vector.shape_cast %get3A_2060 : vector<1x8x128xf32> to vector<8x128xf32>
      %sub3A_2062 = arith.subf %get3A_2051, %broadcast_in_dim3A_71 : vector<8x128xf32>
      %sub3A_2063 = arith.subf %get3A_2056, %broadcast_in_dim3A_73 : vector<8x128xf32>
      %sub3A_2064 = arith.subf %get3A_2061, %broadcast_in_dim3A_75 : vector<8x128xf32>
      %mul3A_2065 = arith.mulf %sub3A_2062, %sub3A_2062 : vector<8x128xf32>
      %mul3A_2066 = arith.mulf %sub3A_2063, %sub3A_2063 : vector<8x128xf32>
      %add3A_2067 = arith.addf %mul3A_2065, %mul3A_2066 : vector<8x128xf32>
      %mul3A_2068 = arith.mulf %sub3A_2064, %sub3A_2064 : vector<8x128xf32>
      %add3A_2069 = arith.addf %add3A_2067, %mul3A_2068 : vector<8x128xf32>
      %get3A_2070 = arith.constant 448 : index
      %get3A_2071 = arith.constant 0 : index
      %get3A_2072 = vector.load %arg2[%get3A_2070, %get3A_2071] : memref<512x128xf32, #tpu.memory_space<vmem>>, vector<8x128xf32>
      %min3A_2073 = arith.minimumf %get3A_2072, %add3A_2069 : vector<8x128xf32>
      %swap3A_2074 = arith.constant 448 : index
      %swap3A_2075 = arith.constant 0 : index
      %swap3A_2076 = vector.load %arg2[%swap3A_2074, %swap3A_2075] : memref<512x128xf32, #tpu.memory_space<vmem>>, vector<8x128xf32>
      tpu.vector_store %arg2[%swap3A_2074, %swap3A_2075], %min3A_2073 {strides = array<i32>} : memref<512x128xf32, #tpu.memory_space<vmem>>, vector<8x128xf32>,
      %gt3A_2077 = arith.cmpf ogt, %min3A_2073, %select_n3A_2043 : vector<8x128xf32>
      %select_n3A_2078 = arith.select %gt3A_2077, %min3A_2073, %select_n3A_2043 : vector<8x128xi1>, vector<8x128xf32>
      %select_n3A_2079 = arith.select %gt3A_2077, %get3A_2051, %select_n3A_2044 : vector<8x128xi1>, vector<8x128xf32>
      %select_n3A_2080 = arith.select %gt3A_2077, %get3A_2056, %select_n3A_2045 : vector<8x128xi1>, vector<8x128xf32>
      %select_n3A_2081 = arith.select %gt3A_2077, %get3A_2061, %select_n3A_2046 : vector<8x128xi1>, vector<8x128xf32>
      %get3A_2082 = arith.constant 0 : index
      %get3A_2083 = arith.constant 456 : index
      %get3A_2084 = arith.constant 0 : index
      %get3A_2085 = vector.load %arg0[%get3A_2082, %get3A_2083, %get3A_2084] : memref<3x512x128xf32, #tpu.memory_space<vmem>>, vector<1x8x128xf32>
      %get3A_2086 = vector.shape_cast %get3A_2085 : vector<1x8x128xf32> to vector<8x128xf32>
      %get3A_2087 = arith.constant 1 : index
      %get3A_2088 = arith.constant 456 : index
      %get3A_2089 = arith.constant 0 : index
      %get3A_2090 = vector.load %arg0[%get3A_2087, %get3A_2088, %get3A_2089] : memref<3x512x128xf32, #tpu.memory_space<vmem>>, vector<1x8x128xf32>
      %get3A_2091 = vector.shape_cast %get3A_2090 : vector<1x8x128xf32> to vector<8x128xf32>
      %get3A_2092 = arith.constant 2 : index
      %get3A_2093 = arith.constant 456 : index
      %get3A_2094 = arith.constant 0 : index
      %get3A_2095 = vector.load %arg0[%get3A_2092, %get3A_2093, %get3A_2094] : memref<3x512x128xf32, #tpu.memory_space<vmem>>, vector<1x8x128xf32>
      %get3A_2096 = vector.shape_cast %get3A_2095 : vector<1x8x128xf32> to vector<8x128xf32>
      %sub3A_2097 = arith.subf %get3A_2086, %broadcast_in_dim3A_71 : vector<8x128xf32>
      %sub3A_2098 = arith.subf %get3A_2091, %broadcast_in_dim3A_73 : vector<8x128xf32>
      %sub3A_2099 = arith.subf %get3A_2096, %broadcast_in_dim3A_75 : vector<8x128xf32>
      %mul3A_2100 = arith.mulf %sub3A_2097, %sub3A_2097 : vector<8x128xf32>
      %mul3A_2101 = arith.mulf %sub3A_2098, %sub3A_2098 : vector<8x128xf32>
      %add3A_2102 = arith.addf %mul3A_2100, %mul3A_2101 : vector<8x128xf32>
      %mul3A_2103 = arith.mulf %sub3A_2099, %sub3A_2099 : vector<8x128xf32>
      %add3A_2104 = arith.addf %add3A_2102, %mul3A_2103 : vector<8x128xf32>
      %get3A_2105 = arith.constant 456 : index
      %get3A_2106 = arith.constant 0 : index
      %get3A_2107 = vector.load %arg2[%get3A_2105, %get3A_2106] : memref<512x128xf32, #tpu.memory_space<vmem>>, vector<8x128xf32>
      %min3A_2108 = arith.minimumf %get3A_2107, %add3A_2104 : vector<8x128xf32>
      %swap3A_2109 = arith.constant 456 : index
      %swap3A_2110 = arith.constant 0 : index
      %swap3A_2111 = vector.load %arg2[%swap3A_2109, %swap3A_2110] : memref<512x128xf32, #tpu.memory_space<vmem>>, vector<8x128xf32>
      tpu.vector_store %arg2[%swap3A_2109, %swap3A_2110], %min3A_2108 {strides = array<i32>} : memref<512x128xf32, #tpu.memory_space<vmem>>, vector<8x128xf32>,
      %gt3A_2112 = arith.cmpf ogt, %min3A_2108, %select_n3A_2078 : vector<8x128xf32>
      %select_n3A_2113 = arith.select %gt3A_2112, %min3A_2108, %select_n3A_2078 : vector<8x128xi1>, vector<8x128xf32>
      %select_n3A_2114 = arith.select %gt3A_2112, %get3A_2086, %select_n3A_2079 : vector<8x128xi1>, vector<8x128xf32>
      %select_n3A_2115 = arith.select %gt3A_2112, %get3A_2091, %select_n3A_2080 : vector<8x128xi1>, vector<8x128xf32>
      %select_n3A_2116 = arith.select %gt3A_2112, %get3A_2096, %select_n3A_2081 : vector<8x128xi1>, vector<8x128xf32>
      %get3A_2117 = arith.constant 0 : index
      %get3A_2118 = arith.constant 464 : index
      %get3A_2119 = arith.constant 0 : index
      %get3A_2120 = vector.load %arg0[%get3A_2117, %get3A_2118, %get3A_2119] : memref<3x512x128xf32, #tpu.memory_space<vmem>>, vector<1x8x128xf32>
      %get3A_2121 = vector.shape_cast %get3A_2120 : vector<1x8x128xf32> to vector<8x128xf32>
      %get3A_2122 = arith.constant 1 : index
      %get3A_2123 = arith.constant 464 : index
      %get3A_2124 = arith.constant 0 : index
      %get3A_2125 = vector.load %arg0[%get3A_2122, %get3A_2123, %get3A_2124] : memref<3x512x128xf32, #tpu.memory_space<vmem>>, vector<1x8x128xf32>
      %get3A_2126 = vector.shape_cast %get3A_2125 : vector<1x8x128xf32> to vector<8x128xf32>
      %get3A_2127 = arith.constant 2 : index
      %get3A_2128 = arith.constant 464 : index
      %get3A_2129 = arith.constant 0 : index
      %get3A_2130 = vector.load %arg0[%get3A_2127, %get3A_2128, %get3A_2129] : memref<3x512x128xf32, #tpu.memory_space<vmem>>, vector<1x8x128xf32>
      %get3A_2131 = vector.shape_cast %get3A_2130 : vector<1x8x128xf32> to vector<8x128xf32>
      %sub3A_2132 = arith.subf %get3A_2121, %broadcast_in_dim3A_71 : vector<8x128xf32>
      %sub3A_2133 = arith.subf %get3A_2126, %broadcast_in_dim3A_73 : vector<8x128xf32>
      %sub3A_2134 = arith.subf %get3A_2131, %broadcast_in_dim3A_75 : vector<8x128xf32>
      %mul3A_2135 = arith.mulf %sub3A_2132, %sub3A_2132 : vector<8x128xf32>
      %mul3A_2136 = arith.mulf %sub3A_2133, %sub3A_2133 : vector<8x128xf32>
      %add3A_2137 = arith.addf %mul3A_2135, %mul3A_2136 : vector<8x128xf32>
      %mul3A_2138 = arith.mulf %sub3A_2134, %sub3A_2134 : vector<8x128xf32>
      %add3A_2139 = arith.addf %add3A_2137, %mul3A_2138 : vector<8x128xf32>
      %get3A_2140 = arith.constant 464 : index
      %get3A_2141 = arith.constant 0 : index
      %get3A_2142 = vector.load %arg2[%get3A_2140, %get3A_2141] : memref<512x128xf32, #tpu.memory_space<vmem>>, vector<8x128xf32>
      %min3A_2143 = arith.minimumf %get3A_2142, %add3A_2139 : vector<8x128xf32>
      %swap3A_2144 = arith.constant 464 : index
      %swap3A_2145 = arith.constant 0 : index
      %swap3A_2146 = vector.load %arg2[%swap3A_2144, %swap3A_2145] : memref<512x128xf32, #tpu.memory_space<vmem>>, vector<8x128xf32>
      tpu.vector_store %arg2[%swap3A_2144, %swap3A_2145], %min3A_2143 {strides = array<i32>} : memref<512x128xf32, #tpu.memory_space<vmem>>, vector<8x128xf32>,
      %gt3A_2147 = arith.cmpf ogt, %min3A_2143, %select_n3A_2113 : vector<8x128xf32>
      %select_n3A_2148 = arith.select %gt3A_2147, %min3A_2143, %select_n3A_2113 : vector<8x128xi1>, vector<8x128xf32>
      %select_n3A_2149 = arith.select %gt3A_2147, %get3A_2121, %select_n3A_2114 : vector<8x128xi1>, vector<8x128xf32>
      %select_n3A_2150 = arith.select %gt3A_2147, %get3A_2126, %select_n3A_2115 : vector<8x128xi1>, vector<8x128xf32>
      %select_n3A_2151 = arith.select %gt3A_2147, %get3A_2131, %select_n3A_2116 : vector<8x128xi1>, vector<8x128xf32>
      %get3A_2152 = arith.constant 0 : index
      %get3A_2153 = arith.constant 472 : index
      %get3A_2154 = arith.constant 0 : index
      %get3A_2155 = vector.load %arg0[%get3A_2152, %get3A_2153, %get3A_2154] : memref<3x512x128xf32, #tpu.memory_space<vmem>>, vector<1x8x128xf32>
      %get3A_2156 = vector.shape_cast %get3A_2155 : vector<1x8x128xf32> to vector<8x128xf32>
      %get3A_2157 = arith.constant 1 : index
      %get3A_2158 = arith.constant 472 : index
      %get3A_2159 = arith.constant 0 : index
      %get3A_2160 = vector.load %arg0[%get3A_2157, %get3A_2158, %get3A_2159] : memref<3x512x128xf32, #tpu.memory_space<vmem>>, vector<1x8x128xf32>
      %get3A_2161 = vector.shape_cast %get3A_2160 : vector<1x8x128xf32> to vector<8x128xf32>
      %get3A_2162 = arith.constant 2 : index
      %get3A_2163 = arith.constant 472 : index
      %get3A_2164 = arith.constant 0 : index
      %get3A_2165 = vector.load %arg0[%get3A_2162, %get3A_2163, %get3A_2164] : memref<3x512x128xf32, #tpu.memory_space<vmem>>, vector<1x8x128xf32>
      %get3A_2166 = vector.shape_cast %get3A_2165 : vector<1x8x128xf32> to vector<8x128xf32>
      %sub3A_2167 = arith.subf %get3A_2156, %broadcast_in_dim3A_71 : vector<8x128xf32>
      %sub3A_2168 = arith.subf %get3A_2161, %broadcast_in_dim3A_73 : vector<8x128xf32>
      %sub3A_2169 = arith.subf %get3A_2166, %broadcast_in_dim3A_75 : vector<8x128xf32>
      %mul3A_2170 = arith.mulf %sub3A_2167, %sub3A_2167 : vector<8x128xf32>
      %mul3A_2171 = arith.mulf %sub3A_2168, %sub3A_2168 : vector<8x128xf32>
      %add3A_2172 = arith.addf %mul3A_2170, %mul3A_2171 : vector<8x128xf32>
      %mul3A_2173 = arith.mulf %sub3A_2169, %sub3A_2169 : vector<8x128xf32>
      %add3A_2174 = arith.addf %add3A_2172, %mul3A_2173 : vector<8x128xf32>
      %get3A_2175 = arith.constant 472 : index
      %get3A_2176 = arith.constant 0 : index
      %get3A_2177 = vector.load %arg2[%get3A_2175, %get3A_2176] : memref<512x128xf32, #tpu.memory_space<vmem>>, vector<8x128xf32>
      %min3A_2178 = arith.minimumf %get3A_2177, %add3A_2174 : vector<8x128xf32>
      %swap3A_2179 = arith.constant 472 : index
      %swap3A_2180 = arith.constant 0 : index
      %swap3A_2181 = vector.load %arg2[%swap3A_2179, %swap3A_2180] : memref<512x128xf32, #tpu.memory_space<vmem>>, vector<8x128xf32>
      tpu.vector_store %arg2[%swap3A_2179, %swap3A_2180], %min3A_2178 {strides = array<i32>} : memref<512x128xf32, #tpu.memory_space<vmem>>, vector<8x128xf32>,
      %gt3A_2182 = arith.cmpf ogt, %min3A_2178, %select_n3A_2148 : vector<8x128xf32>
      %select_n3A_2183 = arith.select %gt3A_2182, %min3A_2178, %select_n3A_2148 : vector<8x128xi1>, vector<8x128xf32>
      %select_n3A_2184 = arith.select %gt3A_2182, %get3A_2156, %select_n3A_2149 : vector<8x128xi1>, vector<8x128xf32>
      %select_n3A_2185 = arith.select %gt3A_2182, %get3A_2161, %select_n3A_2150 : vector<8x128xi1>, vector<8x128xf32>
      %select_n3A_2186 = arith.select %gt3A_2182, %get3A_2166, %select_n3A_2151 : vector<8x128xi1>, vector<8x128xf32>
      %get3A_2187 = arith.constant 0 : index
      %get3A_2188 = arith.constant 480 : index
      %get3A_2189 = arith.constant 0 : index
      %get3A_2190 = vector.load %arg0[%get3A_2187, %get3A_2188, %get3A_2189] : memref<3x512x128xf32, #tpu.memory_space<vmem>>, vector<1x8x128xf32>
      %get3A_2191 = vector.shape_cast %get3A_2190 : vector<1x8x128xf32> to vector<8x128xf32>
      %get3A_2192 = arith.constant 1 : index
      %get3A_2193 = arith.constant 480 : index
      %get3A_2194 = arith.constant 0 : index
      %get3A_2195 = vector.load %arg0[%get3A_2192, %get3A_2193, %get3A_2194] : memref<3x512x128xf32, #tpu.memory_space<vmem>>, vector<1x8x128xf32>
      %get3A_2196 = vector.shape_cast %get3A_2195 : vector<1x8x128xf32> to vector<8x128xf32>
      %get3A_2197 = arith.constant 2 : index
      %get3A_2198 = arith.constant 480 : index
      %get3A_2199 = arith.constant 0 : index
      %get3A_2200 = vector.load %arg0[%get3A_2197, %get3A_2198, %get3A_2199] : memref<3x512x128xf32, #tpu.memory_space<vmem>>, vector<1x8x128xf32>
      %get3A_2201 = vector.shape_cast %get3A_2200 : vector<1x8x128xf32> to vector<8x128xf32>
      %sub3A_2202 = arith.subf %get3A_2191, %broadcast_in_dim3A_71 : vector<8x128xf32>
      %sub3A_2203 = arith.subf %get3A_2196, %broadcast_in_dim3A_73 : vector<8x128xf32>
      %sub3A_2204 = arith.subf %get3A_2201, %broadcast_in_dim3A_75 : vector<8x128xf32>
      %mul3A_2205 = arith.mulf %sub3A_2202, %sub3A_2202 : vector<8x128xf32>
      %mul3A_2206 = arith.mulf %sub3A_2203, %sub3A_2203 : vector<8x128xf32>
      %add3A_2207 = arith.addf %mul3A_2205, %mul3A_2206 : vector<8x128xf32>
      %mul3A_2208 = arith.mulf %sub3A_2204, %sub3A_2204 : vector<8x128xf32>
      %add3A_2209 = arith.addf %add3A_2207, %mul3A_2208 : vector<8x128xf32>
      %get3A_2210 = arith.constant 480 : index
      %get3A_2211 = arith.constant 0 : index
      %get3A_2212 = vector.load %arg2[%get3A_2210, %get3A_2211] : memref<512x128xf32, #tpu.memory_space<vmem>>, vector<8x128xf32>
      %min3A_2213 = arith.minimumf %get3A_2212, %add3A_2209 : vector<8x128xf32>
      %swap3A_2214 = arith.constant 480 : index
      %swap3A_2215 = arith.constant 0 : index
      %swap3A_2216 = vector.load %arg2[%swap3A_2214, %swap3A_2215] : memref<512x128xf32, #tpu.memory_space<vmem>>, vector<8x128xf32>
      tpu.vector_store %arg2[%swap3A_2214, %swap3A_2215], %min3A_2213 {strides = array<i32>} : memref<512x128xf32, #tpu.memory_space<vmem>>, vector<8x128xf32>,
      %gt3A_2217 = arith.cmpf ogt, %min3A_2213, %select_n3A_2183 : vector<8x128xf32>
      %select_n3A_2218 = arith.select %gt3A_2217, %min3A_2213, %select_n3A_2183 : vector<8x128xi1>, vector<8x128xf32>
      %select_n3A_2219 = arith.select %gt3A_2217, %get3A_2191, %select_n3A_2184 : vector<8x128xi1>, vector<8x128xf32>
      %select_n3A_2220 = arith.select %gt3A_2217, %get3A_2196, %select_n3A_2185 : vector<8x128xi1>, vector<8x128xf32>
      %select_n3A_2221 = arith.select %gt3A_2217, %get3A_2201, %select_n3A_2186 : vector<8x128xi1>, vector<8x128xf32>
      %get3A_2222 = arith.constant 0 : index
      %get3A_2223 = arith.constant 488 : index
      %get3A_2224 = arith.constant 0 : index
      %get3A_2225 = vector.load %arg0[%get3A_2222, %get3A_2223, %get3A_2224] : memref<3x512x128xf32, #tpu.memory_space<vmem>>, vector<1x8x128xf32>
      %get3A_2226 = vector.shape_cast %get3A_2225 : vector<1x8x128xf32> to vector<8x128xf32>
      %get3A_2227 = arith.constant 1 : index
      %get3A_2228 = arith.constant 488 : index
      %get3A_2229 = arith.constant 0 : index
      %get3A_2230 = vector.load %arg0[%get3A_2227, %get3A_2228, %get3A_2229] : memref<3x512x128xf32, #tpu.memory_space<vmem>>, vector<1x8x128xf32>
      %get3A_2231 = vector.shape_cast %get3A_2230 : vector<1x8x128xf32> to vector<8x128xf32>
      %get3A_2232 = arith.constant 2 : index
      %get3A_2233 = arith.constant 488 : index
      %get3A_2234 = arith.constant 0 : index
      %get3A_2235 = vector.load %arg0[%get3A_2232, %get3A_2233, %get3A_2234] : memref<3x512x128xf32, #tpu.memory_space<vmem>>, vector<1x8x128xf32>
      %get3A_2236 = vector.shape_cast %get3A_2235 : vector<1x8x128xf32> to vector<8x128xf32>
      %sub3A_2237 = arith.subf %get3A_2226, %broadcast_in_dim3A_71 : vector<8x128xf32>
      %sub3A_2238 = arith.subf %get3A_2231, %broadcast_in_dim3A_73 : vector<8x128xf32>
      %sub3A_2239 = arith.subf %get3A_2236, %broadcast_in_dim3A_75 : vector<8x128xf32>
      %mul3A_2240 = arith.mulf %sub3A_2237, %sub3A_2237 : vector<8x128xf32>
      %mul3A_2241 = arith.mulf %sub3A_2238, %sub3A_2238 : vector<8x128xf32>
      %add3A_2242 = arith.addf %mul3A_2240, %mul3A_2241 : vector<8x128xf32>
      %mul3A_2243 = arith.mulf %sub3A_2239, %sub3A_2239 : vector<8x128xf32>
      %add3A_2244 = arith.addf %add3A_2242, %mul3A_2243 : vector<8x128xf32>
      %get3A_2245 = arith.constant 488 : index
      %get3A_2246 = arith.constant 0 : index
      %get3A_2247 = vector.load %arg2[%get3A_2245, %get3A_2246] : memref<512x128xf32, #tpu.memory_space<vmem>>, vector<8x128xf32>
      %min3A_2248 = arith.minimumf %get3A_2247, %add3A_2244 : vector<8x128xf32>
      %swap3A_2249 = arith.constant 488 : index
      %swap3A_2250 = arith.constant 0 : index
      %swap3A_2251 = vector.load %arg2[%swap3A_2249, %swap3A_2250] : memref<512x128xf32, #tpu.memory_space<vmem>>, vector<8x128xf32>
      tpu.vector_store %arg2[%swap3A_2249, %swap3A_2250], %min3A_2248 {strides = array<i32>} : memref<512x128xf32, #tpu.memory_space<vmem>>, vector<8x128xf32>,
      %gt3A_2252 = arith.cmpf ogt, %min3A_2248, %select_n3A_2218 : vector<8x128xf32>
      %select_n3A_2253 = arith.select %gt3A_2252, %min3A_2248, %select_n3A_2218 : vector<8x128xi1>, vector<8x128xf32>
      %select_n3A_2254 = arith.select %gt3A_2252, %get3A_2226, %select_n3A_2219 : vector<8x128xi1>, vector<8x128xf32>
      %select_n3A_2255 = arith.select %gt3A_2252, %get3A_2231, %select_n3A_2220 : vector<8x128xi1>, vector<8x128xf32>
      %select_n3A_2256 = arith.select %gt3A_2252, %get3A_2236, %select_n3A_2221 : vector<8x128xi1>, vector<8x128xf32>
      %get3A_2257 = arith.constant 0 : index
      %get3A_2258 = arith.constant 496 : index
      %get3A_2259 = arith.constant 0 : index
      %get3A_2260 = vector.load %arg0[%get3A_2257, %get3A_2258, %get3A_2259] : memref<3x512x128xf32, #tpu.memory_space<vmem>>, vector<1x8x128xf32>
      %get3A_2261 = vector.shape_cast %get3A_2260 : vector<1x8x128xf32> to vector<8x128xf32>
      %get3A_2262 = arith.constant 1 : index
      %get3A_2263 = arith.constant 496 : index
      %get3A_2264 = arith.constant 0 : index
      %get3A_2265 = vector.load %arg0[%get3A_2262, %get3A_2263, %get3A_2264] : memref<3x512x128xf32, #tpu.memory_space<vmem>>, vector<1x8x128xf32>
      %get3A_2266 = vector.shape_cast %get3A_2265 : vector<1x8x128xf32> to vector<8x128xf32>
      %get3A_2267 = arith.constant 2 : index
      %get3A_2268 = arith.constant 496 : index
      %get3A_2269 = arith.constant 0 : index
      %get3A_2270 = vector.load %arg0[%get3A_2267, %get3A_2268, %get3A_2269] : memref<3x512x128xf32, #tpu.memory_space<vmem>>, vector<1x8x128xf32>
      %get3A_2271 = vector.shape_cast %get3A_2270 : vector<1x8x128xf32> to vector<8x128xf32>
      %sub3A_2272 = arith.subf %get3A_2261, %broadcast_in_dim3A_71 : vector<8x128xf32>
      %sub3A_2273 = arith.subf %get3A_2266, %broadcast_in_dim3A_73 : vector<8x128xf32>
      %sub3A_2274 = arith.subf %get3A_2271, %broadcast_in_dim3A_75 : vector<8x128xf32>
      %mul3A_2275 = arith.mulf %sub3A_2272, %sub3A_2272 : vector<8x128xf32>
      %mul3A_2276 = arith.mulf %sub3A_2273, %sub3A_2273 : vector<8x128xf32>
      %add3A_2277 = arith.addf %mul3A_2275, %mul3A_2276 : vector<8x128xf32>
      %mul3A_2278 = arith.mulf %sub3A_2274, %sub3A_2274 : vector<8x128xf32>
      %add3A_2279 = arith.addf %add3A_2277, %mul3A_2278 : vector<8x128xf32>
      %get3A_2280 = arith.constant 496 : index
      %get3A_2281 = arith.constant 0 : index
      %get3A_2282 = vector.load %arg2[%get3A_2280, %get3A_2281] : memref<512x128xf32, #tpu.memory_space<vmem>>, vector<8x128xf32>
      %min3A_2283 = arith.minimumf %get3A_2282, %add3A_2279 : vector<8x128xf32>
      %swap3A_2284 = arith.constant 496 : index
      %swap3A_2285 = arith.constant 0 : index
      %swap3A_2286 = vector.load %arg2[%swap3A_2284, %swap3A_2285] : memref<512x128xf32, #tpu.memory_space<vmem>>, vector<8x128xf32>
      tpu.vector_store %arg2[%swap3A_2284, %swap3A_2285], %min3A_2283 {strides = array<i32>} : memref<512x128xf32, #tpu.memory_space<vmem>>, vector<8x128xf32>,
      %gt3A_2287 = arith.cmpf ogt, %min3A_2283, %select_n3A_2253 : vector<8x128xf32>
      %select_n3A_2288 = arith.select %gt3A_2287, %min3A_2283, %select_n3A_2253 : vector<8x128xi1>, vector<8x128xf32>
      %select_n3A_2289 = arith.select %gt3A_2287, %get3A_2261, %select_n3A_2254 : vector<8x128xi1>, vector<8x128xf32>
      %select_n3A_2290 = arith.select %gt3A_2287, %get3A_2266, %select_n3A_2255 : vector<8x128xi1>, vector<8x128xf32>
      %select_n3A_2291 = arith.select %gt3A_2287, %get3A_2271, %select_n3A_2256 : vector<8x128xi1>, vector<8x128xf32>
      %get3A_2292 = arith.constant 0 : index
      %get3A_2293 = arith.constant 504 : index
      %get3A_2294 = arith.constant 0 : index
      %get3A_2295 = vector.load %arg0[%get3A_2292, %get3A_2293, %get3A_2294] : memref<3x512x128xf32, #tpu.memory_space<vmem>>, vector<1x8x128xf32>
      %get3A_2296 = vector.shape_cast %get3A_2295 : vector<1x8x128xf32> to vector<8x128xf32>
      %get3A_2297 = arith.constant 1 : index
      %get3A_2298 = arith.constant 504 : index
      %get3A_2299 = arith.constant 0 : index
      %get3A_2300 = vector.load %arg0[%get3A_2297, %get3A_2298, %get3A_2299] : memref<3x512x128xf32, #tpu.memory_space<vmem>>, vector<1x8x128xf32>
      %get3A_2301 = vector.shape_cast %get3A_2300 : vector<1x8x128xf32> to vector<8x128xf32>
      %get3A_2302 = arith.constant 2 : index
      %get3A_2303 = arith.constant 504 : index
      %get3A_2304 = arith.constant 0 : index
      %get3A_2305 = vector.load %arg0[%get3A_2302, %get3A_2303, %get3A_2304] : memref<3x512x128xf32, #tpu.memory_space<vmem>>, vector<1x8x128xf32>
      %get3A_2306 = vector.shape_cast %get3A_2305 : vector<1x8x128xf32> to vector<8x128xf32>
      %sub3A_2307 = arith.subf %get3A_2296, %broadcast_in_dim3A_71 : vector<8x128xf32>
      %sub3A_2308 = arith.subf %get3A_2301, %broadcast_in_dim3A_73 : vector<8x128xf32>
      %sub3A_2309 = arith.subf %get3A_2306, %broadcast_in_dim3A_75 : vector<8x128xf32>
      %mul3A_2310 = arith.mulf %sub3A_2307, %sub3A_2307 : vector<8x128xf32>
      %mul3A_2311 = arith.mulf %sub3A_2308, %sub3A_2308 : vector<8x128xf32>
      %add3A_2312 = arith.addf %mul3A_2310, %mul3A_2311 : vector<8x128xf32>
      %mul3A_2313 = arith.mulf %sub3A_2309, %sub3A_2309 : vector<8x128xf32>
      %add3A_2314 = arith.addf %add3A_2312, %mul3A_2313 : vector<8x128xf32>
      %get3A_2315 = arith.constant 504 : index
      %get3A_2316 = arith.constant 0 : index
      %get3A_2317 = vector.load %arg2[%get3A_2315, %get3A_2316] : memref<512x128xf32, #tpu.memory_space<vmem>>, vector<8x128xf32>
      %min3A_2318 = arith.minimumf %get3A_2317, %add3A_2314 : vector<8x128xf32>
      %swap3A_2319 = arith.constant 504 : index
      %swap3A_2320 = arith.constant 0 : index
      %swap3A_2321 = vector.load %arg2[%swap3A_2319, %swap3A_2320] : memref<512x128xf32, #tpu.memory_space<vmem>>, vector<8x128xf32>
      tpu.vector_store %arg2[%swap3A_2319, %swap3A_2320], %min3A_2318 {strides = array<i32>} : memref<512x128xf32, #tpu.memory_space<vmem>>, vector<8x128xf32>,
      %gt3A_2322 = arith.cmpf ogt, %min3A_2318, %select_n3A_2288 : vector<8x128xf32>
      %select_n3A_2323 = arith.select %gt3A_2322, %min3A_2318, %select_n3A_2288 : vector<8x128xi1>, vector<8x128xf32>
      %select_n3A_2324 = arith.select %gt3A_2322, %get3A_2296, %select_n3A_2289 : vector<8x128xi1>, vector<8x128xf32>
      %select_n3A_2325 = arith.select %gt3A_2322, %get3A_2301, %select_n3A_2290 : vector<8x128xi1>, vector<8x128xf32>
      %select_n3A_2326 = arith.select %gt3A_2322, %get3A_2306, %select_n3A_2291 : vector<8x128xi1>, vector<8x128xf32>
      %gt3A_2327 = arith.cmpf ogt, %select_n3A_2323, %select_n3A_1203 : vector<8x128xf32>
      %select_n3A_2328 = arith.select %gt3A_2327, %select_n3A_2323, %select_n3A_1203 : vector<8x128xi1>, vector<8x128xf32>
      %select_n3A_2329 = arith.select %gt3A_2327, %select_n3A_2324, %select_n3A_1204 : vector<8x128xi1>, vector<8x128xf32>
      %select_n3A_2330 = arith.select %gt3A_2327, %select_n3A_2325, %select_n3A_1205 : vector<8x128xi1>, vector<8x128xf32>
      %select_n3A_2331 = arith.select %gt3A_2327, %select_n3A_2326, %select_n3A_1206 : vector<8x128xi1>, vector<8x128xf32>
      %roll3A = arith.constant 1 : i32
      %roll3A_2332 = tpu.dynamic_rotate %select_n3A_2328 by %roll3A dim 0 : vector<8x128xf32>, i32 -> vector<8x128xf32>
      %roll3A_2333 = arith.constant 1 : i32
      %roll3A_2334 = tpu.dynamic_rotate %select_n3A_2329 by %roll3A_2333 dim 0 : vector<8x128xf32>, i32 -> vector<8x128xf32>
      %roll3A_2335 = arith.constant 1 : i32
      %roll3A_2336 = tpu.dynamic_rotate %select_n3A_2330 by %roll3A_2335 dim 0 : vector<8x128xf32>, i32 -> vector<8x128xf32>
      %roll3A_2337 = arith.constant 1 : i32
      %roll3A_2338 = tpu.dynamic_rotate %select_n3A_2331 by %roll3A_2337 dim 0 : vector<8x128xf32>, i32 -> vector<8x128xf32>
      %gt3A_2339 = arith.cmpf ogt, %roll3A_2332, %select_n3A_2328 : vector<8x128xf32>
      %select_n3A_2340 = arith.select %gt3A_2339, %roll3A_2332, %select_n3A_2328 : vector<8x128xi1>, vector<8x128xf32>
      %select_n3A_2341 = arith.select %gt3A_2339, %roll3A_2334, %select_n3A_2329 : vector<8x128xi1>, vector<8x128xf32>
      %select_n3A_2342 = arith.select %gt3A_2339, %roll3A_2336, %select_n3A_2330 : vector<8x128xi1>, vector<8x128xf32>
      %select_n3A_2343 = arith.select %gt3A_2339, %roll3A_2338, %select_n3A_2331 : vector<8x128xi1>, vector<8x128xf32>
      %roll3A_2344 = arith.constant 2 : i32
      %roll3A_2345 = tpu.dynamic_rotate %select_n3A_2340 by %roll3A_2344 dim 0 : vector<8x128xf32>, i32 -> vector<8x128xf32>
      %roll3A_2346 = arith.constant 2 : i32
      %roll3A_2347 = tpu.dynamic_rotate %select_n3A_2341 by %roll3A_2346 dim 0 : vector<8x128xf32>, i32 -> vector<8x128xf32>
      %roll3A_2348 = arith.constant 2 : i32
      %roll3A_2349 = tpu.dynamic_rotate %select_n3A_2342 by %roll3A_2348 dim 0 : vector<8x128xf32>, i32 -> vector<8x128xf32>
      %roll3A_2350 = arith.constant 2 : i32
      %roll3A_2351 = tpu.dynamic_rotate %select_n3A_2343 by %roll3A_2350 dim 0 : vector<8x128xf32>, i32 -> vector<8x128xf32>
      %gt3A_2352 = arith.cmpf ogt, %roll3A_2345, %select_n3A_2340 : vector<8x128xf32>
      %select_n3A_2353 = arith.select %gt3A_2352, %roll3A_2345, %select_n3A_2340 : vector<8x128xi1>, vector<8x128xf32>
      %select_n3A_2354 = arith.select %gt3A_2352, %roll3A_2347, %select_n3A_2341 : vector<8x128xi1>, vector<8x128xf32>
      %select_n3A_2355 = arith.select %gt3A_2352, %roll3A_2349, %select_n3A_2342 : vector<8x128xi1>, vector<8x128xf32>
      %select_n3A_2356 = arith.select %gt3A_2352, %roll3A_2351, %select_n3A_2343 : vector<8x128xi1>, vector<8x128xf32>
      %roll3A_2357 = arith.constant 4 : i32
      %roll3A_2358 = tpu.dynamic_rotate %select_n3A_2353 by %roll3A_2357 dim 0 : vector<8x128xf32>, i32 -> vector<8x128xf32>
      %roll3A_2359 = arith.constant 4 : i32
      %roll3A_2360 = tpu.dynamic_rotate %select_n3A_2354 by %roll3A_2359 dim 0 : vector<8x128xf32>, i32 -> vector<8x128xf32>
      %roll3A_2361 = arith.constant 4 : i32
      %roll3A_2362 = tpu.dynamic_rotate %select_n3A_2355 by %roll3A_2361 dim 0 : vector<8x128xf32>, i32 -> vector<8x128xf32>
      %roll3A_2363 = arith.constant 4 : i32
      %roll3A_2364 = tpu.dynamic_rotate %select_n3A_2356 by %roll3A_2363 dim 0 : vector<8x128xf32>, i32 -> vector<8x128xf32>
      %gt3A_2365 = arith.cmpf ogt, %roll3A_2358, %select_n3A_2353 : vector<8x128xf32>
      %select_n3A_2366 = arith.select %gt3A_2365, %roll3A_2358, %select_n3A_2353 : vector<8x128xi1>, vector<8x128xf32>
      %select_n3A_2367 = arith.select %gt3A_2365, %roll3A_2360, %select_n3A_2354 : vector<8x128xi1>, vector<8x128xf32>
      %select_n3A_2368 = arith.select %gt3A_2365, %roll3A_2362, %select_n3A_2355 : vector<8x128xi1>, vector<8x128xf32>
      %select_n3A_2369 = arith.select %gt3A_2365, %roll3A_2364, %select_n3A_2356 : vector<8x128xi1>, vector<8x128xf32>
      %slice3A = vector.extract_strided_slice %select_n3A_2366 {offsets = [0, 0], sizes = [1, 128], strides = [1, 1]} : vector<8x128xf32> to vector<1x128xf32>
      %slice3A_2370 = vector.extract_strided_slice %select_n3A_2367 {offsets = [0, 0], sizes = [1, 128], strides = [1, 1]} : vector<8x128xf32> to vector<1x128xf32>
      %slice3A_2371 = vector.extract_strided_slice %select_n3A_2368 {offsets = [0, 0], sizes = [1, 128], strides = [1, 1]} : vector<8x128xf32> to vector<1x128xf32>
      %slice3A_2372 = vector.extract_strided_slice %select_n3A_2369 {offsets = [0, 0], sizes = [1, 128], strides = [1, 1]} : vector<8x128xf32> to vector<1x128xf32>
      %reduce_max3A_2373 = arith.constant dense<0xFF800000> : vector<1xf32>
      %reduce_max3A_2374 = vector.multi_reduction <maximumf>, %slice3A, %reduce_max3A_2373 [1] : vector<1x128xf32> to vector<1xf32>
      %broadcast_in_dim3A_2375 = vector.shape_cast %reduce_max3A_2374 : vector<1xf32> to vector<1x1xf32>
      %eq3A_2376 = vector.broadcast %broadcast_in_dim3A_2375 : vector<1x1xf32> to vector<1x128xf32>
      %eq3A_2377 = arith.cmpf oeq, %slice3A, %eq3A_2376 : vector<1x128xf32>
      %jit3A_2378 = arith.constant 1.000000e+09 : f32
      %broadcast_in_dim3A_2379 = vector.broadcast %jit3A_2378 : f32 to vector<1x128xf32>
      %select_n3A_2380 = arith.select %eq3A_2377, %convert_element_type3A, %broadcast_in_dim3A_2379 : vector<1x128xi1>, vector<1x128xf32>
      %reduce_min3A = arith.constant dense<0x7F800000> : vector<1xf32>
      %reduce_min3A_2381 = vector.multi_reduction <minimumf>, %select_n3A_2380, %reduce_min3A [1] : vector<1x128xf32> to vector<1xf32>
      %broadcast_in_dim3A_2382 = vector.shape_cast %reduce_min3A_2381 : vector<1xf32> to vector<1x1xf32>
      %eq3A_2383 = arith.constant 0 : i32
      %eq3A_2384 = vector.broadcast %eq3A_2383 : i32 to vector<8x128xi32>
      %eq3A_2385 = arith.cmpi eq, %iota3A_0, %eq3A_2384 : vector<8x128xi32>
      %jit3A_2386 = arith.constant 0.000000e+00 : f32
      %broadcast_in_dim3A_2387 = vector.broadcast %jit3A_2386 : f32 to vector<1x128xf32>
      %select_n3A_2388 = arith.select %eq3A_2377, %slice3A_2370, %broadcast_in_dim3A_2387 : vector<1x128xi1>, vector<1x128xf32>
      %eq3A_2389 = arith.constant 1 : i32
      %eq3A_2390 = vector.broadcast %eq3A_2389 : i32 to vector<8x128xi32>
      %eq3A_2391 = arith.cmpi eq, %iota3A_0, %eq3A_2390 : vector<8x128xi32>
      %jit3A_2392 = arith.constant 0.000000e+00 : f32
      %broadcast_in_dim3A_2393 = vector.broadcast %jit3A_2392 : f32 to vector<1x128xf32>
      %select_n3A_2394 = arith.select %eq3A_2377, %slice3A_2371, %broadcast_in_dim3A_2393 : vector<1x128xi1>, vector<1x128xf32>
      %eq3A_2395 = arith.constant 2 : i32
      %eq3A_2396 = vector.broadcast %eq3A_2395 : i32 to vector<8x128xi32>
      %eq3A_2397 = arith.cmpi eq, %iota3A_0, %eq3A_2396 : vector<8x128xi32>
      %jit3A_2398 = arith.constant 0.000000e+00 : f32
      %broadcast_in_dim3A_2399 = vector.broadcast %jit3A_2398 : f32 to vector<1x128xf32>
      %select_n3A_2400 = arith.select %eq3A_2377, %slice3A_2372, %broadcast_in_dim3A_2399 : vector<1x128xi1>, vector<1x128xf32>
      %eq3A_2401 = arith.constant 3 : i32
      %eq3A_2402 = vector.broadcast %eq3A_2401 : i32 to vector<8x128xi32>
      %eq3A_2403 = arith.cmpi eq, %iota3A_0, %eq3A_2402 : vector<8x128xi32>
      %and3A = vector.broadcast %eq3A_2377 : vector<1x128xi1> to vector<8x128xi1>
      %and3A_2404 = arith.andi %eq3A_2403, %and3A : vector<8x128xi1>
      %jit3A_2405 = arith.constant 1.000000e+00 : f32
      %jit3A_2406 = arith.constant 0.000000e+00 : f32
      %broadcast_in_dim3A_2407 = vector.broadcast %jit3A_2405 : f32 to vector<8x128xf32>
      %broadcast_in_dim3A_2408 = vector.broadcast %jit3A_2406 : f32 to vector<8x128xf32>
      %select_n3A_2409 = arith.select %and3A_2404, %broadcast_in_dim3A_2407, %broadcast_in_dim3A_2408 : vector<8x128xi1>, vector<8x128xf32>
      %broadcast_in_dim3A_2410 = vector.shape_cast %select_n3A_2400 : vector<1x128xf32> to vector<1x128xf32>
      %broadcast_in_dim3A_2411 = vector.broadcast %broadcast_in_dim3A_2410 : vector<1x128xf32> to vector<8x128xf32>
      %select_n3A_2412 = arith.select %eq3A_2397, %broadcast_in_dim3A_2411, %select_n3A_2409 : vector<8x128xi1>, vector<8x128xf32>
      %broadcast_in_dim3A_2413 = vector.shape_cast %select_n3A_2394 : vector<1x128xf32> to vector<1x128xf32>
      %broadcast_in_dim3A_2414 = vector.broadcast %broadcast_in_dim3A_2413 : vector<1x128xf32> to vector<8x128xf32>
      %select_n3A_2415 = arith.select %eq3A_2391, %broadcast_in_dim3A_2414, %select_n3A_2412 : vector<8x128xi1>, vector<8x128xf32>
      %broadcast_in_dim3A_2416 = vector.shape_cast %select_n3A_2388 : vector<1x128xf32> to vector<1x128xf32>
      %broadcast_in_dim3A_2417 = vector.broadcast %broadcast_in_dim3A_2416 : vector<1x128xf32> to vector<8x128xf32>
      %select_n3A_2418 = arith.select %eq3A_2385, %broadcast_in_dim3A_2417, %select_n3A_2415 : vector<8x128xi1>, vector<8x128xf32>
      %reduce_sum3A = arith.constant dense<0.000000e+00> : vector<8xf32>
      %reduce_sum3A_2419 = vector.multi_reduction <add>, %select_n3A_2418, %reduce_sum3A [1] : vector<8x128xf32> to vector<8xf32>
      %broadcast_in_dim3A_2420 = vector.shape_cast %reduce_sum3A_2419 : vector<8xf32> to vector<8x1xf32>
      %slice3A_2421 = vector.extract_strided_slice %broadcast_in_dim3A_2420 {offsets = [3, 0], sizes = [1, 1], strides = [1, 1]} : vector<8x1xf32> to vector<1x1xf32>
      %squeeze3A = vector.extract %slice3A_2421[0, 0] : f32 from vector<1x1xf32>
      %eq3A_2422 = arith.constant 1.000000e+00 : f32
      %eq3A_2423 = arith.cmpf oeq, %squeeze3A, %eq3A_2422 : f32
      %convert_element_type3A_2424 = arith.extui %eq3A_2423 : i1 to i32
      %cond3A = arith.constant 0 : i32
      %cond3A_2425 = arith.cmpi ne, %convert_element_type3A_2424, %cond3A : i32
      %cond3A_2426 = scf.if %cond3A_2425 -> (vector<8x1xf32>) {
        scf.yield %broadcast_in_dim3A_2420 : vector<8x1xf32>
      } else {
        %eq3A_2436 = vector.broadcast %broadcast_in_dim3A_2382 : vector<1x1xf32> to vector<1x128xf32>
        %eq3A_2437 = arith.cmpf oeq, %convert_element_type3A, %eq3A_2436 : vector<1x128xf32>
        %and3A_2438 = arith.andi %eq3A_2377, %eq3A_2437 : vector<1x128xi1>
        %eq3A_2439 = arith.constant 0 : i32
        %eq3A_2440 = vector.broadcast %eq3A_2439 : i32 to vector<8x128xi32>
        %eq3A_2441 = arith.cmpi eq, %iota3A_0, %eq3A_2440 : vector<8x128xi32>
        %jit3A_2442 = arith.constant 0.000000e+00 : f32
        %broadcast_in_dim3A_2443 = vector.broadcast %jit3A_2442 : f32 to vector<1x128xf32>
        %select_n3A_2444 = arith.select %and3A_2438, %slice3A_2370, %broadcast_in_dim3A_2443 : vector<1x128xi1>, vector<1x128xf32>
        %eq3A_2445 = arith.constant 1 : i32
        %eq3A_2446 = vector.broadcast %eq3A_2445 : i32 to vector<8x128xi32>
        %eq3A_2447 = arith.cmpi eq, %iota3A_0, %eq3A_2446 : vector<8x128xi32>
        %jit3A_2448 = arith.constant 0.000000e+00 : f32
        %broadcast_in_dim3A_2449 = vector.broadcast %jit3A_2448 : f32 to vector<1x128xf32>
        %select_n3A_2450 = arith.select %and3A_2438, %slice3A_2371, %broadcast_in_dim3A_2449 : vector<1x128xi1>, vector<1x128xf32>
        %eq3A_2451 = arith.constant 2 : i32
        %eq3A_2452 = vector.broadcast %eq3A_2451 : i32 to vector<8x128xi32>
        %eq3A_2453 = arith.cmpi eq, %iota3A_0, %eq3A_2452 : vector<8x128xi32>
        %jit3A_2454 = arith.constant 0.000000e+00 : f32
        %broadcast_in_dim3A_2455 = vector.broadcast %jit3A_2454 : f32 to vector<1x128xf32>
        %select_n3A_2456 = arith.select %and3A_2438, %slice3A_2372, %broadcast_in_dim3A_2455 : vector<1x128xi1>, vector<1x128xf32>
        %eq3A_2457 = arith.constant 3 : i32
        %eq3A_2458 = vector.broadcast %eq3A_2457 : i32 to vector<8x128xi32>
        %eq3A_2459 = arith.cmpi eq, %iota3A_0, %eq3A_2458 : vector<8x128xi32>
        %and3A_2460 = vector.broadcast %and3A_2438 : vector<1x128xi1> to vector<8x128xi1>
        %and3A_2461 = arith.andi %eq3A_2459, %and3A_2460 : vector<8x128xi1>
        %jit3A_2462 = arith.constant 1.000000e+00 : f32
        %jit3A_2463 = arith.constant 0.000000e+00 : f32
        %broadcast_in_dim3A_2464 = vector.broadcast %jit3A_2462 : f32 to vector<8x128xf32>
        %broadcast_in_dim3A_2465 = vector.broadcast %jit3A_2463 : f32 to vector<8x128xf32>
        %select_n3A_2466 = arith.select %and3A_2461, %broadcast_in_dim3A_2464, %broadcast_in_dim3A_2465 : vector<8x128xi1>, vector<8x128xf32>
        %broadcast_in_dim3A_2467 = vector.shape_cast %select_n3A_2456 : vector<1x128xf32> to vector<1x128xf32>
        %broadcast_in_dim3A_2468 = vector.broadcast %broadcast_in_dim3A_2467 : vector<1x128xf32> to vector<8x128xf32>
        %select_n3A_2469 = arith.select %eq3A_2453, %broadcast_in_dim3A_2468, %select_n3A_2466 : vector<8x128xi1>, vector<8x128xf32>
        %broadcast_in_dim3A_2470 = vector.shape_cast %select_n3A_2450 : vector<1x128xf32> to vector<1x128xf32>
        %broadcast_in_dim3A_2471 = vector.broadcast %broadcast_in_dim3A_2470 : vector<1x128xf32> to vector<8x128xf32>
        %select_n3A_2472 = arith.select %eq3A_2447, %broadcast_in_dim3A_2471, %select_n3A_2469 : vector<8x128xi1>, vector<8x128xf32>
        %broadcast_in_dim3A_2473 = vector.shape_cast %select_n3A_2444 : vector<1x128xf32> to vector<1x128xf32>
        %broadcast_in_dim3A_2474 = vector.broadcast %broadcast_in_dim3A_2473 : vector<1x128xf32> to vector<8x128xf32>
        %select_n3A_2475 = arith.select %eq3A_2441, %broadcast_in_dim3A_2474, %select_n3A_2472 : vector<8x128xi1>, vector<8x128xf32>
        %reduce_sum3A_2476 = arith.constant dense<0.000000e+00> : vector<8xf32>
        %reduce_sum3A_2477 = vector.multi_reduction <add>, %select_n3A_2475, %reduce_sum3A_2476 [1] : vector<8x128xf32> to vector<8xf32>
        %broadcast_in_dim3A_2478 = vector.shape_cast %reduce_sum3A_2477 : vector<8xf32> to vector<8x1xf32>
        scf.yield %broadcast_in_dim3A_2478 : vector<8x1xf32>
      }
      %slice3A_2427 = vector.extract_strided_slice %cond3A_2426 {offsets = [0, 0], sizes = [1, 1], strides = [1, 1]} : vector<8x1xf32> to vector<1x1xf32>
      %broadcast_in_dim3A_2428 = vector.shape_cast %slice3A_2427 : vector<1x1xf32> to vector<1x1xf32>
      %broadcast_in_dim3A_2429 = vector.broadcast %broadcast_in_dim3A_2428 : vector<1x1xf32> to vector<1x128xf32>
      %slice3A_2430 = vector.extract_strided_slice %cond3A_2426 {offsets = [1, 0], sizes = [1, 1], strides = [1, 1]} : vector<8x1xf32> to vector<1x1xf32>
      %broadcast_in_dim3A_2431 = vector.shape_cast %slice3A_2430 : vector<1x1xf32> to vector<1x1xf32>
      %broadcast_in_dim3A_2432 = vector.broadcast %broadcast_in_dim3A_2431 : vector<1x1xf32> to vector<1x128xf32>
      %slice3A_2433 = vector.extract_strided_slice %cond3A_2426 {offsets = [2, 0], sizes = [1, 1], strides = [1, 1]} : vector<8x1xf32> to vector<1x1xf32>
      %broadcast_in_dim3A_2434 = vector.shape_cast %slice3A_2433 : vector<1x1xf32> to vector<1x1xf32>
      %broadcast_in_dim3A_2435 = vector.broadcast %broadcast_in_dim3A_2434 : vector<1x1xf32> to vector<1x128xf32>
      scf.yield %broadcast_in_dim3A_2429, %broadcast_in_dim3A_2432, %broadcast_in_dim3A_2435 : vector<1x128xf32>, vector<1x128xf32>, vector<1x128xf32>
    }
    %scan3A_48 = arith.constant 4096 : i32
    return
  }
}

module attributes {stable_mosaic.version = 14 : i64} {
  func.func @_prep_body(%arg0: memref<4096x128xf32, #tpu.memory_space<vmem>>, %arg1: memref<4096x128xi32, #tpu.memory_space<vmem>>) attributes {dimension_semantics = [], scalar_prefetch = 0 : i64, scratch_operands = 0 : i64, tpu.core_type = #tpu.core_type<tc>} {
    %get3A = arith.constant 0 : index
    %get3A_0 = arith.constant 0 : index
    %get3A_1 = vector.load %arg0[%get3A, %get3A_0] : memref<4096x128xf32, #tpu.memory_space<vmem>>, vector<4096x1xf32>
    %get3A_2 = arith.constant 0 : index
    %get3A_3 = arith.constant 1 : index
    %get3A_4 = vector.load %arg0[%get3A_2, %get3A_3] : memref<4096x128xf32, #tpu.memory_space<vmem>>, vector<4096x1xf32>
    %sub3A = arith.constant 0.000000e+00 : f32
    %sub3A_5 = vector.broadcast %sub3A : f32 to vector<4096x1xf32>
    %sub3A_6 = arith.subf %get3A_1, %sub3A_5 : vector<4096x1xf32>
    %div3A = arith.constant 5.000000e-02 : f32
    %div3A_7 = vector.broadcast %div3A : f32 to vector<4096x1xf32>
    %div3A_8 = arith.divf %sub3A_6, %div3A_7 : vector<4096x1xf32>
    %div3A_9 = arith.constant 8.000000e+00 : f32
    %div3A_10 = vector.broadcast %div3A_9 : f32 to vector<4096x1xf32>
    %div3A_11 = arith.divf %div3A_8, %div3A_10 : vector<4096x1xf32>
    %sub3A_12 = arith.constant -4.000000e+01 : f32
    %sub3A_13 = vector.broadcast %sub3A_12 : f32 to vector<4096x1xf32>
    %sub3A_14 = arith.subf %get3A_4, %sub3A_13 : vector<4096x1xf32>
    %div3A_15 = arith.constant 5.000000e-02 : f32
    %div3A_16 = vector.broadcast %div3A_15 : f32 to vector<4096x1xf32>
    %div3A_17 = arith.divf %sub3A_14, %div3A_16 : vector<4096x1xf32>
    %div3A_18 = arith.constant 8.000000e+00 : f32
    %div3A_19 = vector.broadcast %div3A_18 : f32 to vector<4096x1xf32>
    %div3A_20 = arith.divf %div3A_17, %div3A_19 : vector<4096x1xf32>
    %floor3A = math.floor %div3A_11 : vector<4096x1xf32>
    %convert_element_type3A = arith.fptosi %floor3A : vector<4096x1xf32> to vector<4096x1xi32>
    %add3A = arith.constant 1 : i32
    %add3A_21 = vector.broadcast %add3A : i32 to vector<4096x1xi32>
    %add3A_22 = arith.addi %convert_element_type3A, %add3A_21 : vector<4096x1xi32>
    %floor3A_23 = math.floor %div3A_20 : vector<4096x1xf32>
    %convert_element_type3A_24 = arith.fptosi %floor3A_23 : vector<4096x1xf32> to vector<4096x1xi32>
    %add3A_25 = arith.constant 1 : i32
    %add3A_26 = vector.broadcast %add3A_25 : i32 to vector<4096x1xi32>
    %add3A_27 = arith.addi %convert_element_type3A_24, %add3A_26 : vector<4096x1xi32>
    %jit3A = arith.constant 0 : i32
    %jit3A_28 = arith.constant 175 : i32
    %max3A = vector.broadcast %jit3A : i32 to vector<4096x1xi32>
    %max3A_29 = arith.maxsi %max3A, %convert_element_type3A : vector<4096x1xi32>
    %min3A = vector.broadcast %jit3A_28 : i32 to vector<4096x1xi32>
    %min3A_30 = arith.minsi %min3A, %max3A_29 : vector<4096x1xi32>
    %jit3A_31 = arith.constant 0 : i32
    %jit3A_32 = arith.constant 175 : i32
    %max3A_33 = vector.broadcast %jit3A_31 : i32 to vector<4096x1xi32>
    %max3A_34 = arith.maxsi %max3A_33, %add3A_22 : vector<4096x1xi32>
    %min3A_35 = vector.broadcast %jit3A_32 : i32 to vector<4096x1xi32>
    %min3A_36 = arith.minsi %min3A_35, %max3A_34 : vector<4096x1xi32>
    %jit3A_37 = arith.constant 0 : i32
    %jit3A_38 = arith.constant 199 : i32
    %max3A_39 = vector.broadcast %jit3A_37 : i32 to vector<4096x1xi32>
    %max3A_40 = arith.maxsi %max3A_39, %convert_element_type3A_24 : vector<4096x1xi32>
    %min3A_41 = vector.broadcast %jit3A_38 : i32 to vector<4096x1xi32>
    %min3A_42 = arith.minsi %min3A_41, %max3A_40 : vector<4096x1xi32>
    %jit3A_43 = arith.constant 0 : i32
    %jit3A_44 = arith.constant 199 : i32
    %max3A_45 = vector.broadcast %jit3A_43 : i32 to vector<4096x1xi32>
    %max3A_46 = arith.maxsi %max3A_45, %add3A_27 : vector<4096x1xi32>
    %min3A_47 = vector.broadcast %jit3A_44 : i32 to vector<4096x1xi32>
    %min3A_48 = arith.minsi %min3A_47, %max3A_46 : vector<4096x1xi32>
    %mul3A = arith.constant 176 : i32
    %mul3A_49 = vector.broadcast %mul3A : i32 to vector<4096x1xi32>
    %mul3A_50 = arith.muli %min3A_42, %mul3A_49 : vector<4096x1xi32>
    %add3A_51 = arith.addi %mul3A_50, %min3A_30 : vector<4096x1xi32>
    %mul3A_52 = arith.constant 176 : i32
    %mul3A_53 = vector.broadcast %mul3A_52 : i32 to vector<4096x1xi32>
    %mul3A_54 = arith.muli %min3A_48, %mul3A_53 : vector<4096x1xi32>
    %add3A_55 = arith.addi %mul3A_54, %min3A_30 : vector<4096x1xi32>
    %mul3A_56 = arith.constant 176 : i32
    %mul3A_57 = vector.broadcast %mul3A_56 : i32 to vector<4096x1xi32>
    %mul3A_58 = arith.muli %min3A_42, %mul3A_57 : vector<4096x1xi32>
    %add3A_59 = arith.addi %mul3A_58, %min3A_36 : vector<4096x1xi32>
    %mul3A_60 = arith.constant 176 : i32
    %mul3A_61 = vector.broadcast %mul3A_60 : i32 to vector<4096x1xi32>
    %mul3A_62 = arith.muli %min3A_48, %mul3A_61 : vector<4096x1xi32>
    %add3A_63 = arith.addi %mul3A_62, %min3A_36 : vector<4096x1xi32>
    %iota3A = tpu.iota {dimensions = array<i32: 1>} : vector<1x128xi32>
    %eq3A = arith.constant 0 : i32
    %eq3A_64 = vector.broadcast %eq3A : i32 to vector<1x128xi32>
    %eq3A_65 = arith.cmpi eq, %iota3A, %eq3A_64 : vector<1x128xi32>
    %eq3A_66 = arith.constant 1 : i32
    %eq3A_67 = vector.broadcast %eq3A_66 : i32 to vector<1x128xi32>
    %eq3A_68 = arith.cmpi eq, %iota3A, %eq3A_67 : vector<1x128xi32>
    %eq3A_69 = arith.constant 2 : i32
    %eq3A_70 = vector.broadcast %eq3A_69 : i32 to vector<1x128xi32>
    %eq3A_71 = arith.cmpi eq, %iota3A, %eq3A_70 : vector<1x128xi32>
    %broadcast_in_dim3A = vector.shape_cast %eq3A_71 : vector<1x128xi1> to vector<1x128xi1>
    %broadcast_in_dim3A_72 = vector.broadcast %broadcast_in_dim3A : vector<1x128xi1> to vector<4096x128xi1>
    %broadcast_in_dim3A_73 = vector.shape_cast %add3A_59 : vector<4096x1xi32> to vector<4096x1xi32>
    %broadcast_in_dim3A_74 = vector.broadcast %broadcast_in_dim3A_73 : vector<4096x1xi32> to vector<4096x128xi32>
    %broadcast_in_dim3A_75 = vector.shape_cast %add3A_63 : vector<4096x1xi32> to vector<4096x1xi32>
    %broadcast_in_dim3A_76 = vector.broadcast %broadcast_in_dim3A_75 : vector<4096x1xi32> to vector<4096x128xi32>
    %select_n3A = arith.select %broadcast_in_dim3A_72, %broadcast_in_dim3A_74, %broadcast_in_dim3A_76 : vector<4096x128xi1>, vector<4096x128xi32>
    %broadcast_in_dim3A_77 = vector.shape_cast %eq3A_68 : vector<1x128xi1> to vector<1x128xi1>
    %broadcast_in_dim3A_78 = vector.broadcast %broadcast_in_dim3A_77 : vector<1x128xi1> to vector<4096x128xi1>
    %broadcast_in_dim3A_79 = vector.shape_cast %add3A_55 : vector<4096x1xi32> to vector<4096x1xi32>
    %broadcast_in_dim3A_80 = vector.broadcast %broadcast_in_dim3A_79 : vector<4096x1xi32> to vector<4096x128xi32>
    %select_n3A_81 = arith.select %broadcast_in_dim3A_78, %broadcast_in_dim3A_80, %select_n3A : vector<4096x128xi1>, vector<4096x128xi32>
    %broadcast_in_dim3A_82 = vector.shape_cast %eq3A_65 : vector<1x128xi1> to vector<1x128xi1>
    %broadcast_in_dim3A_83 = vector.broadcast %broadcast_in_dim3A_82 : vector<1x128xi1> to vector<4096x128xi1>
    %broadcast_in_dim3A_84 = vector.shape_cast %add3A_51 : vector<4096x1xi32> to vector<4096x1xi32>
    %broadcast_in_dim3A_85 = vector.broadcast %broadcast_in_dim3A_84 : vector<4096x1xi32> to vector<4096x128xi32>
    %select_n3A_86 = arith.select %broadcast_in_dim3A_83, %broadcast_in_dim3A_85, %select_n3A_81 : vector<4096x128xi1>, vector<4096x128xi32>
    %swap3A = arith.constant 0 : index
    %swap3A_87 = arith.constant 0 : index
    %swap3A_88 = vector.load %arg1[%swap3A, %swap3A_87] : memref<4096x128xi32, #tpu.memory_space<vmem>>, vector<4096x128xi32>
    tpu.vector_store %arg1[%swap3A, %swap3A_87], %select_n3A_86 {strides = array<i32>} : memref<4096x128xi32, #tpu.memory_space<vmem>>, vector<4096x128xi32>,
    return
  }
}

module attributes {stable_mosaic.version = 14 : i64} {
  func.func @_head_body(%arg0: memref<4096x128xf32, #tpu.memory_space<vmem>>, %arg1: memref<4096x256xf32, #tpu.memory_space<vmem>>, %arg2: memref<4096x256xf32, #tpu.memory_space<vmem>>, %arg3: memref<4096x256xf32, #tpu.memory_space<vmem>>, %arg4: memref<4096x256xf32, #tpu.memory_space<vmem>>, %arg5: memref<128x256xf32, #tpu.memory_space<vmem>>, %arg6: memref<1x128xf32, #tpu.memory_space<vmem>>, %arg7: memref<1x128xf32, #tpu.memory_space<vmem>>, %arg8: memref<4096x128xf32, #tpu.memory_space<vmem>>) attributes {dimension_semantics = [], scalar_prefetch = 0 : i64, scratch_operands = 0 : i64, tpu.core_type = #tpu.core_type<tc>} {
    %get3A = arith.constant 0 : index
    %get3A_0 = arith.constant 0 : index
    %get3A_1 = vector.load %arg0[%get3A, %get3A_0] : memref<4096x128xf32, #tpu.memory_space<vmem>>, vector<4096x1xf32>
    %get3A_2 = arith.constant 0 : index
    %get3A_3 = arith.constant 1 : index
    %get3A_4 = vector.load %arg0[%get3A_2, %get3A_3] : memref<4096x128xf32, #tpu.memory_space<vmem>>, vector<4096x1xf32>
    %sub3A = arith.constant 0.000000e+00 : f32
    %sub3A_5 = vector.broadcast %sub3A : f32 to vector<4096x1xf32>
    %sub3A_6 = arith.subf %get3A_1, %sub3A_5 : vector<4096x1xf32>
    %div3A = arith.constant 5.000000e-02 : f32
    %div3A_7 = vector.broadcast %div3A : f32 to vector<4096x1xf32>
    %div3A_8 = arith.divf %sub3A_6, %div3A_7 : vector<4096x1xf32>
    %div3A_9 = arith.constant 8.000000e+00 : f32
    %div3A_10 = vector.broadcast %div3A_9 : f32 to vector<4096x1xf32>
    %div3A_11 = arith.divf %div3A_8, %div3A_10 : vector<4096x1xf32>
    %sub3A_12 = arith.constant -4.000000e+01 : f32
    %sub3A_13 = vector.broadcast %sub3A_12 : f32 to vector<4096x1xf32>
    %sub3A_14 = arith.subf %get3A_4, %sub3A_13 : vector<4096x1xf32>
    %div3A_15 = arith.constant 5.000000e-02 : f32
    %div3A_16 = vector.broadcast %div3A_15 : f32 to vector<4096x1xf32>
    %div3A_17 = arith.divf %sub3A_14, %div3A_16 : vector<4096x1xf32>
    %div3A_18 = arith.constant 8.000000e+00 : f32
    %div3A_19 = vector.broadcast %div3A_18 : f32 to vector<4096x1xf32>
    %div3A_20 = arith.divf %div3A_17, %div3A_19 : vector<4096x1xf32>
    %floor3A = math.floor %div3A_11 : vector<4096x1xf32>
    %convert_element_type3A = arith.fptosi %floor3A : vector<4096x1xf32> to vector<4096x1xi32>
    %add3A = arith.constant 1 : i32
    %add3A_21 = vector.broadcast %add3A : i32 to vector<4096x1xi32>
    %add3A_22 = arith.addi %convert_element_type3A, %add3A_21 : vector<4096x1xi32>
    %floor3A_23 = math.floor %div3A_20 : vector<4096x1xf32>
    %convert_element_type3A_24 = arith.fptosi %floor3A_23 : vector<4096x1xf32> to vector<4096x1xi32>
    %add3A_25 = arith.constant 1 : i32
    %add3A_26 = vector.broadcast %add3A_25 : i32 to vector<4096x1xi32>
    %add3A_27 = arith.addi %convert_element_type3A_24, %add3A_26 : vector<4096x1xi32>
    %jit3A = arith.constant 0 : i32
    %jit3A_28 = arith.constant 175 : i32
    %max3A = vector.broadcast %jit3A : i32 to vector<4096x1xi32>
    %max3A_29 = arith.maxsi %max3A, %convert_element_type3A : vector<4096x1xi32>
    %min3A = vector.broadcast %jit3A_28 : i32 to vector<4096x1xi32>
    %min3A_30 = arith.minsi %min3A, %max3A_29 : vector<4096x1xi32>
    %jit3A_31 = arith.constant 0 : i32
    %jit3A_32 = arith.constant 175 : i32
    %max3A_33 = vector.broadcast %jit3A_31 : i32 to vector<4096x1xi32>
    %max3A_34 = arith.maxsi %max3A_33, %add3A_22 : vector<4096x1xi32>
    %min3A_35 = vector.broadcast %jit3A_32 : i32 to vector<4096x1xi32>
    %min3A_36 = arith.minsi %min3A_35, %max3A_34 : vector<4096x1xi32>
    %jit3A_37 = arith.constant 0 : i32
    %jit3A_38 = arith.constant 199 : i32
    %max3A_39 = vector.broadcast %jit3A_37 : i32 to vector<4096x1xi32>
    %max3A_40 = arith.maxsi %max3A_39, %convert_element_type3A_24 : vector<4096x1xi32>
    %min3A_41 = vector.broadcast %jit3A_38 : i32 to vector<4096x1xi32>
    %min3A_42 = arith.minsi %min3A_41, %max3A_40 : vector<4096x1xi32>
    %jit3A_43 = arith.constant 0 : i32
    %jit3A_44 = arith.constant 199 : i32
    %max3A_45 = vector.broadcast %jit3A_43 : i32 to vector<4096x1xi32>
    %max3A_46 = arith.maxsi %max3A_45, %add3A_27 : vector<4096x1xi32>
    %min3A_47 = vector.broadcast %jit3A_44 : i32 to vector<4096x1xi32>
    %min3A_48 = arith.minsi %min3A_47, %max3A_46 : vector<4096x1xi32>
    %convert_element_type3A_49 = arith.sitofp %min3A_30 : vector<4096x1xi32> to vector<4096x1xf32>
    %convert_element_type3A_50 = arith.sitofp %min3A_36 : vector<4096x1xi32> to vector<4096x1xf32>
    %convert_element_type3A_51 = arith.sitofp %min3A_42 : vector<4096x1xi32> to vector<4096x1xf32>
    %convert_element_type3A_52 = arith.sitofp %min3A_48 : vector<4096x1xi32> to vector<4096x1xf32>
    %sub3A_53 = arith.subf %convert_element_type3A_50, %div3A_11 : vector<4096x1xf32>
    %sub3A_54 = arith.subf %convert_element_type3A_52, %div3A_20 : vector<4096x1xf32>
    %mul3A = arith.mulf %sub3A_53, %sub3A_54 : vector<4096x1xf32>
    %sub3A_55 = arith.subf %convert_element_type3A_50, %div3A_11 : vector<4096x1xf32>
    %sub3A_56 = arith.subf %div3A_20, %convert_element_type3A_51 : vector<4096x1xf32>
    %mul3A_57 = arith.mulf %sub3A_55, %sub3A_56 : vector<4096x1xf32>
    %sub3A_58 = arith.subf %div3A_11, %convert_element_type3A_49 : vector<4096x1xf32>
    %sub3A_59 = arith.subf %convert_element_type3A_52, %div3A_20 : vector<4096x1xf32>
    %mul3A_60 = arith.mulf %sub3A_58, %sub3A_59 : vector<4096x1xf32>
    %sub3A_61 = arith.subf %div3A_11, %convert_element_type3A_49 : vector<4096x1xf32>
    %sub3A_62 = arith.subf %div3A_20, %convert_element_type3A_51 : vector<4096x1xf32>
    %mul3A_63 = arith.mulf %sub3A_61, %sub3A_62 : vector<4096x1xf32>
    %get3A_64 = arith.constant 0 : index
    %get3A_65 = arith.constant 0 : index
    %get3A_66 = vector.load %arg1[%get3A_64, %get3A_65] : memref<4096x256xf32, #tpu.memory_space<vmem>>, vector<4096x256xf32>
    %mul3A_67 = vector.broadcast %mul3A : vector<4096x1xf32> to vector<4096x256xf32>
    %mul3A_68 = arith.mulf %get3A_66, %mul3A_67 : vector<4096x256xf32>
    %get3A_69 = arith.constant 0 : index
    %get3A_70 = arith.constant 0 : index
    %get3A_71 = vector.load %arg2[%get3A_69, %get3A_70] : memref<4096x256xf32, #tpu.memory_space<vmem>>, vector<4096x256xf32>
    %mul3A_72 = vector.broadcast %mul3A_57 : vector<4096x1xf32> to vector<4096x256xf32>
    %mul3A_73 = arith.mulf %get3A_71, %mul3A_72 : vector<4096x256xf32>
    %add3A_74 = arith.addf %mul3A_68, %mul3A_73 : vector<4096x256xf32>
    %get3A_75 = arith.constant 0 : index
    %get3A_76 = arith.constant 0 : index
    %get3A_77 = vector.load %arg3[%get3A_75, %get3A_76] : memref<4096x256xf32, #tpu.memory_space<vmem>>, vector<4096x256xf32>
    %mul3A_78 = vector.broadcast %mul3A_60 : vector<4096x1xf32> to vector<4096x256xf32>
    %mul3A_79 = arith.mulf %get3A_77, %mul3A_78 : vector<4096x256xf32>
    %add3A_80 = arith.addf %add3A_74, %mul3A_79 : vector<4096x256xf32>
    %get3A_81 = arith.constant 0 : index
    %get3A_82 = arith.constant 0 : index
    %get3A_83 = vector.load %arg4[%get3A_81, %get3A_82] : memref<4096x256xf32, #tpu.memory_space<vmem>>, vector<4096x256xf32>
    %mul3A_84 = vector.broadcast %mul3A_63 : vector<4096x1xf32> to vector<4096x256xf32>
    %mul3A_85 = arith.mulf %get3A_83, %mul3A_84 : vector<4096x256xf32>
    %add3A_86 = arith.addf %add3A_80, %mul3A_85 : vector<4096x256xf32>
    %get3A_87 = arith.constant 0 : index
    %get3A_88 = arith.constant 0 : index
    %get3A_89 = vector.load %arg5[%get3A_87, %get3A_88] : memref<128x256xf32, #tpu.memory_space<vmem>>, vector<128x256xf32>
    %dot_general3A = arith.constant dense<0.000000e+00> : vector<4096x128xf32>
    %dot_general3A_90 = tpu.matmul %add3A_86, %get3A_89, %dot_general3A {dimension_numbers = #tpu.dot_dimension_numbers<[1], [1], [0], [0], [0, 0, 1, 0], [], []>, precision = #tpu.contract_precision<fp32>, transpose_lhs_hint = false} : vector<4096x256xf32>, vector<128x256xf32>, vector<4096x128xf32> -> vector<4096x128xf32>
    %reduce_sum3A = arith.constant dense<0.000000e+00> : vector<128xf32>
    %reduce_sum3A_91 = vector.multi_reduction <add>, %dot_general3A_90, %reduce_sum3A [0] : vector<4096x128xf32> to vector<128xf32>
    %broadcast_in_dim3A = vector.shape_cast %reduce_sum3A_91 : vector<128xf32> to vector<1x128xf32>
    %div3A_92 = arith.constant 4.096000e+03 : f32
    %div3A_93 = vector.broadcast %div3A_92 : f32 to vector<1x128xf32>
    %div3A_94 = arith.divf %broadcast_in_dim3A, %div3A_93 : vector<1x128xf32>
    %sub3A_95 = vector.broadcast %div3A_94 : vector<1x128xf32> to vector<4096x128xf32>
    %sub3A_96 = arith.subf %dot_general3A_90, %sub3A_95 : vector<4096x128xf32>
    %mul3A_97 = arith.mulf %sub3A_96, %sub3A_96 : vector<4096x128xf32>
    %reduce_sum3A_98 = arith.constant dense<0.000000e+00> : vector<128xf32>
    %reduce_sum3A_99 = vector.multi_reduction <add>, %mul3A_97, %reduce_sum3A_98 [0] : vector<4096x128xf32> to vector<128xf32>
    %broadcast_in_dim3A_100 = vector.shape_cast %reduce_sum3A_99 : vector<128xf32> to vector<1x128xf32>
    %div3A_101 = arith.constant 4.096000e+03 : f32
    %div3A_102 = vector.broadcast %div3A_101 : f32 to vector<1x128xf32>
    %div3A_103 = arith.divf %broadcast_in_dim3A_100, %div3A_102 : vector<1x128xf32>
    %add3A_104 = arith.constant 9.99999974E-6 : f32
    %add3A_105 = vector.broadcast %add3A_104 : f32 to vector<1x128xf32>
    %add3A_106 = arith.addf %div3A_103, %add3A_105 : vector<1x128xf32>
    %sqrt3A = math.sqrt %add3A_106 : vector<1x128xf32>
    %div3A_107 = vector.broadcast %sqrt3A : vector<1x128xf32> to vector<4096x128xf32>
    %div3A_108 = arith.divf %sub3A_96, %div3A_107 : vector<4096x128xf32>
    %get3A_109 = arith.constant 0 : index
    %get3A_110 = arith.constant 0 : index
    %get3A_111 = vector.load %arg6[%get3A_109, %get3A_110] : memref<1x128xf32, #tpu.memory_space<vmem>>, vector<1x128xf32>
    %mul3A_112 = vector.broadcast %get3A_111 : vector<1x128xf32> to vector<4096x128xf32>
    %mul3A_113 = arith.mulf %div3A_108, %mul3A_112 : vector<4096x128xf32>
    %get3A_114 = arith.constant 0 : index
    %get3A_115 = arith.constant 0 : index
    %get3A_116 = vector.load %arg7[%get3A_114, %get3A_115] : memref<1x128xf32, #tpu.memory_space<vmem>>, vector<1x128xf32>
    %add3A_117 = vector.broadcast %get3A_116 : vector<1x128xf32> to vector<4096x128xf32>
    %add3A_118 = arith.addf %mul3A_113, %add3A_117 : vector<4096x128xf32>
    %max3A_119 = arith.constant 0.000000e+00 : f32
    %max3A_120 = vector.broadcast %max3A_119 : f32 to vector<4096x128xf32>
    %max3A_121 = arith.maximumf %add3A_118, %max3A_120 : vector<4096x128xf32>
    %swap3A = arith.constant 0 : index
    %swap3A_122 = arith.constant 0 : index
    %swap3A_123 = vector.load %arg8[%swap3A, %swap3A_122] : memref<4096x128xf32, #tpu.memory_space<vmem>>, vector<4096x128xf32>
    tpu.vector_store %arg8[%swap3A, %swap3A_122], %max3A_121 {strides = array<i32>} : memref<4096x128xf32, #tpu.memory_space<vmem>>, vector<4096x128xf32>,
    return
  }
}

</mosaic_0001>

<sc_bundles>
// kernel: kernel.6.cloned.1.call-start
scs
__scs_entry_jumppad:
0x0: {  	(pc) =	sbr.rel $0x88, $3  }
0x1: {  	(tag) =	ssettag $0x0;
	lr =	simm.s32 $0x1  }
0x2: {  	[smem:$0x3F9C] =	sst lr;
	_ =	strace $0xD0000000  }
0x3: {  	_ = 	snop  }
0x4: {  	_ = 	snop  }
0x5: {  	_ = 	snop  }
0x6: {  	_ = 	snop  }
0x7: {  	_ = 	snop  }
__scs_overlays_trampoline_lowered:
0x8: {  	[smem:$0x3FAB] =	sst s0  }
0x9: {  	[smem:$0x3FAC] =	sst s1  }
0xa: {  	[smem:$0x3FAD] =	sst s2  }
0xb: {  	[smem:$0x3FAE] =	sst s3  }
0xc: {  	[smem:$0x3FAF] =	sst s4  }
0xd: {  	[smem:$0x3FB0] =	sst s5  }
0xe: {  	[smem:$0x3FB1] =	sst s6  }
0xf: {  	[smem:$0x3FB2] =	sst s7  }
0x10: {  	[smem:$0x3FB3] =	sst s8  }
0x11: {  	[smem:$0x3FB4] =	sst s9;
	s0 =	simm.s32 @!p0 $0x0  }
0x12: {  	s1 =	sld [smem:$0x3F9A];
	s0 =	simm.s32 @p0 $0x1  }
0x13: {  	[smem:$0x3FB5] =	sst s0;
	s0 =	simm.s32 @!p1 $0x0  }
0x14: {  	s2 =	sld [smem:$0x3F99];
	s0 =	simm.s32 @p1 $0x1  }
0x15: {  	[smem:$0x3FB6] =	sst s0;
	s0 =	simm.s32 @!p2 $0x0  }
0x16: {  	s3 =	sld [smem:$0x3FDB];
	s0 =	simm.s32 @p2 $0x1  }
0x17: {  	s4 =	simm.s32 $0x1BF5;
	[smem:$0x3FB8] =	sst s0  }
0x18: {  	s0 =	sld [smem:$0x3F9B];
	_ =	swait.ge [sflag:s4], $0x0  }
0x19: {  	s7 =	sld [smem:$0x3F9C]  }
0x1a: {  	s8 =	sadd.s32 $0xFFFFE003, lr  }
0x1b: {  	s9 =	sadd.s32 $0xFFFFFEF7, lr;
	s5 =	simm.s32 $0xFFFFFFFF;
	p2 =	slt.u32 s8, $0xFFFFF086  }
0x1c: {  	p1 =	slt.u32 s9, $0xF7A;
	s5 =	simm.s32 @!p2 $0x0  }
0x1d: {  	s5 =	simm.s32 @p1 $0x1;
	p0 =	seq.s32 s7, s2  }
0x1e: {  	s7 =	smul.u32 @!p0 $0xF7A, s2;
	p2 =	seq.s32 @!p0 s5, $0x0  }
0x1f: {  	s9 =	smul.u32 $0xF7A, s1;
	s8 =	simm.s32 @!p0 $0x1BF5;
	p2 =	por !p2, p0  }
0x20: {  	[sflag:s8] =	ssyncset.s32 @!p0 $0xFFFFF086;
	s6 =	sadd.s32 @!p0 s3, s7;
	s7 =	simm.s32 @!p0 $0x108  }
0x21: {  	s3 =	sadd.s32 s3, s9;
	s6 =	sadd.s32 @!p0 $0x88, s6;
	s7 =	simm.s32 @p2 $0x1082  }
0x22: {  	[simem:s7], [sflag:s8] =	dma.local @!p0 [hbm:s6], $0xF7A  }
0x23: {  	s9 =	sor.u32 $0xD0000000, s2;
	s6 =	simm.s32 $0x108;
	_ =	swait.ge @!p0 [sflag:s8], $0x0  }
0x24: {  	s3 =	sadd.s32 $0x88, s3;
	s6 =	simm.s32 @!p1 $0x1082;
	[sflag:s4] =	ssyncset.s32 $0xFFFFF086  }
0x25: {  	[simem:s6], [sflag:s4] =	dma.local [hbm:s3], $0xF7A  }
0x26: {  	[smem:$0x3F9C] =	sst s1;
	(tag) =	ssettag s2;
	_ =	strace s9  }
0x27: {  	s1 =	sld [smem:$0x3FAC]  }
0x28: {  	s2 =	sld [smem:$0x3FAD]  }
0x29: {  	s4 =	sld [smem:$0x3FAF]  }
0x2a: {  	p0 =	seq.s32 s5, $0x0;
	s5 =	sld [smem:$0x3FB0]  }
0x2b: {  	s6 =	sld [smem:$0x3FB1]  }
0x2c: {  	s7 =	sld [smem:$0x3FB2]  }
0x2d: {  	s3 =	simm.s32 $0x108;
	s8 =	sld [smem:$0x3FB3]  }
0x2e: {  	s3 =	simm.s32 @!p0 $0x1082;
	s9 =	sld [smem:$0x3FB4]  }
0x2f: {  	lr =	sadd.s32 s0, s3;
	s0 =	sld [smem:$0x3FAB]  }
0x30: {  	s3 =	sld [smem:$0x3FAE]  }
0x31: {  	[smem:$0x3FB7] =	sst s10  }
0x32: {  	s10 =	sld [smem:$0x3FB5];
	_ =	sdelay $0x3  }
0x33: {  	p0 =	seq.s32 s10, $0x1;
	s10 =	sld [smem:$0x3FB7];
	_ =	sdelay $0x3  }
0x34: {  	[smem:$0x3FB7] =	sst s10  }
0x35: {  	s10 =	sld [smem:$0x3FB6];
	_ =	sdelay $0x3  }
0x36: {  	p1 =	seq.s32 s10, $0x1;
	s10 =	sld [smem:$0x3FB7];
	_ =	sdelay $0x3  }
0x37: {  	[smem:$0x3FB7] =	sst s10  }
0x38: {  	s10 =	sld [smem:$0x3FB8]  }
0x39: {  	_ = 	snop;
	(pc) =	sbr.ind lr, $3  }
0x3a: {  	_ = 	snop  }
0x3b: {  	_ = 	snop  }
0x3c: {  	p2 =	seq.s32 s10, $0x1;
	s10 =	sld [smem:$0x3FB7]  }
0x3d: {  	_ =	shalt  }
0x3e: {  	_ =	shalt  }
0x3f: {  	_ =	shalt  }
0x40: {  	_ =	shalt  }
0x41: {  	_ =	shalt  }
0x42: {  	_ =	shalt  }
0x43: {  	_ =	shalt  }
0x44: {  	_ =	shalt  }
0x45: {  	_ =	shalt  }
0x46: {  	_ =	shalt  }
0x47: {  	_ =	shalt  }
0x48: {  	_ =	shalt  }
0x49: {  	_ =	shalt  }
0x4a: {  	_ =	shalt  }
0x4b: {  	_ =	shalt  }
0x4c: {  	_ =	shalt  }
0x4d: {  	_ =	shalt  }
0x4e: {  	_ =	shalt  }
0x4f: {  	_ =	shalt  }
0x50: {  	_ =	shalt  }
0x51: {  	_ =	shalt  }
0x52: {  	_ =	shalt  }
0x53: {  	_ =	shalt  }
0x54: {  	_ =	shalt  }
0x55: {  	_ =	shalt  }
0x56: {  	_ =	shalt  }
0x57: {  	_ =	shalt  }
0x58: {  	_ =	shalt  }
0x59: {  	_ =	shalt  }
0x5a: {  	_ =	shalt  }
0x5b: {  	_ =	shalt  }
0x5c: {  	_ =	shalt  }
0x5d: {  	_ =	shalt  }
0x5e: {  	_ =	shalt  }
0x5f: {  	_ =	shalt  }
0x60: {  	_ =	shalt  }
0x61: {  	_ =	shalt  }
0x62: {  	_ =	shalt  }
0x63: {  	_ =	shalt  }
0x64: {  	_ =	shalt  }
0x65: {  	_ =	shalt  }
0x66: {  	_ =	shalt  }
0x67: {  	_ =	shalt  }
0x68: {  	_ =	shalt  }
0x69: {  	_ =	shalt  }
0x6a: {  	_ =	shalt  }
0x6b: {  	_ =	shalt  }
0x6c: {  	_ =	shalt  }
0x6d: {  	_ =	shalt  }
0x6e: {  	_ =	shalt  }
0x6f: {  	_ =	shalt  }
0x70: {  	_ =	shalt  }
0x71: {  	_ =	shalt  }
0x72: {  	_ =	shalt  }
0x73: {  	_ =	shalt  }
0x74: {  	_ =	shalt  }
0x75: {  	_ =	shalt  }
0x76: {  	_ =	shalt  }
0x77: {  	_ =	shalt  }
0x78: {  	_ =	shalt  }
0x79: {  	_ =	shalt  }
0x7a: {  	_ =	shalt  }
0x7b: {  	_ =	shalt  }
0x7c: {  	_ =	shalt  }
0x7d: {  	_ =	shalt  }
0x7e: {  	_ =	shalt  }
0x7f: {  	_ =	shalt  }
0x80: {  	_ =	shalt  }
0x81: {  	_ =	shalt  }
0x82: {  	_ =	shalt  }
0x83: {  	_ =	shalt  }
0x84: {  	_ =	shalt  }
0x85: {  	_ =	shalt  }
0x86: {  	_ =	shalt  }
0x87: {  	_ =	shalt  }
.Lfunc_end0:
.L_simem_size_0:
called_computation_lowered:
.L_overlay_start_0:
0x88: {  	s2 =	sld [smem:$0x3FD9]  }
0x89: {  	s3 =	sld [smem:$0x3FFE];
	_ =	sdelay $0x1  }
0x8a: {  	s1 =	srdreg.scid  }
0x8b: {  	s0 =	sand.u32 $0x1, s1  }
0x8c: {  	s14 =	sshll.u32 s0, $0xA;
	s2 =	sadd.s32 s3, s2  }
0x8d: {  	s2 =	sadd.s32 s2, s14  }
0x8e: {  	[smem:$0x3FC3] =	sst s2  }
0x8f: {  	_ = 	snop  }
0x90: {  	s2 =	sld [smem:$0x3FD0];
	_ =	sdelay $0x2  }
0x91: {  	s4 =	simm.s32 $0xA;
	s5 =	simm.s32 $0x10;
	s15 =	sld [smem:$0x3FC8]  }
0x92: {  	[smem:s5], [sflag:s4] =	dma.local [hbm:s2], $0x1  }
0x93: {  	_ =	swait.eq [sflag:s4], $0x1  }
0x94: {  	[sflag:s4] =	ssyncset.done $0x0  }
0x95: {  	[sflag:s4] =	ssyncadd.s32 $0xFFFFFFFF  }
0x96: {  	s16 =	sld [smem:$0x10];
	(tm) =	ssettm $0x1  }
0x97: {  	s17 =	sld [smem:$0x3FFB];
	_ =	sdelay $0x3  }
0x98: {  	_ =	strace s17  }
0x99: {  	s4 =	sld [smem:$0x3FFC];
	_ =	sdelay $0x3  }
0x9a: {  	_ =	strace s4  }
0x9b: {  	s4 =	sld [smem:$0x3FFD];
	_ =	sdelay $0x3  }
0x9c: {  	_ =	strace s4  }
0x9d: {  	_ =	strace $0x8FFFFFFF  }
0x9e: {  	s18 =	sld [smem:$0x3FDB];
	_ =	sdelay $0x1  }
0x9f: {  	s19 =	simm.s32 $_scs_section_size  }
0xa0: {  	s6 =	simm.s32 $_size__tile_overlayer_lowered;
	s7 =	simm.s32 $_tile_overlayer_lowered  }
0xa1: {  	s22 =	simm.s32 $0x1BFF;
	s21 =	sshll.u32 s7, $0x1;
	s4 =	sadd.s32 s19, s18  }
0xa2: {  	s8 =	simm.s32 $0x0;
	s20 =	sshll.u32 s6, $0x1;
	s6 =	sadd.s32 s21, s4  }
0xa3: {  	[timem:s8], [sflag:s22] =	dma.local [hbm:s6], s20  }
0xa4: {  	_ =	swait.ge [sflag:s22], s20  }
0xa5: {  	s5 =	ssub.s32 $0x0, s20;
	[sflag:s22] =	ssyncset.done $0x0  }
0xa6: {  	[sflag:s22] =	ssyncadd.s32 s5;
	_ =	sdelay $0x1  }
0xa7: {  	s23 =	simm.s32 $0x1B8B  }
0xa8: {  	_ =	swait.ge [sflag:s23], $0x1  }
0xa9: {  	[sflag:s23] =	ssyncset.done $0x0  }
0xaa: {  	s25 =	simm.s32 $0x1B8E;
	s24 =	sld [smem:$0x3FFE];
	[sflag:s23] =	ssyncadd.s32 $0xFFFFFFFF  }
0xab: {  	s26 =	simm.s32 $execute0_lowered;
	[smem:$0x3FD2] =	sst s25  }
0xac: {  	s6 =	sshll.u32 s26, $0x1;
	_ =	strace $0x80000046;
	[dreg:$0x1] =	wrdreg $0xFFFFFFFF  }
0xad: {  	s28 =	simm.s32 $_size_execute0_lowered;
	s4 =	sadd.s32 s4, s6;
	[dreg:$0x0] =	wrdreg $0x0  }
0xae: {  	s6 =	sshll.u32 s28, $0x1;
	[dreg:$0x2] =	wrdreg s4  }
0xaf: {  	[dreg:$0x3] =	wrdreg s6  }
0xb0: {  	[dreg:$0x4] =	wrdreg $0xC0  }
0xb1: {  	_ =	task [dreg:s8], $0x5FFFF  }
0xb2: {  	[dreg:$0x1] =	wrdreg $0xFFFFFFFF  }
0xb3: {  	[dreg:$0x0] =	wrdreg $0x60  }
0xb4: {  	[dreg:$0x2] =	wrdreg s15  }
0xb5: {  	[dreg:$0x3] =	wrdreg s16  }
0xb6: {  	[dreg:$0x4] =	wrdreg s24  }
0xb7: {  	[dreg:$0x5] =	wrdreg $0x9  }
0xb8: {  	_ =	task.clear_ibuf [dreg:s8], $0x6FFFF;
	_ =	strace $0x90000046  }
0xb9: {  	s29 =	simm.s32 $0x9;
	_ =	strace $0x80000048  }
0xba: {  	_ =	swait.ge [sflag:s29], $0x1  }
0xbb: {  	[sflag:s29] =	ssyncadd.s32 $0xFFFFFFFF  }
0xbc: {  	_ =	strace $0x90000048  }
0xbd: {  	_ =	sfence  }
0xbe: {  	s30 =	sld [smem:$0x0];
	_ =	sdelay $0x2  }
0xbf: {  	s31 =	sshll.u32 s1, $0xD;
	s1 =	sshrl.u32 s1, $0x2  }
0xc0: {  	s3 =	sand.u32 $0x4000, s31;
	s1 =	sadd.s32 s1, s30  }
0xc1: {  	s0 =	sor.u32 s3, s0;
	s1 =	sshll.u32 s1, $0x11  }
0xc2: {  	s0 =	sor.u32 s1, s0  }
0xc3: {  	s0 =	sadd.s32 $0x8F2B, s0  }
0xc4: {  	[sflag:s0] =	ssyncadd.remote.s32 $0x1  }
0xc5: {  	_ =	sfence.sel $0xFFFF  }
0xc6: {  	[dreg:$0x0] =	wrdreg $0xFFFFFFFF;
	(pc) =	sbr.abs _section_cstart, $3  }
0xc7: {  	[dreg:$0x1] =	wrdreg $0xFFFFFFFF  }
0xc8: {  	_ =	task.clear_ibuf [dreg:s8], $0x2FFFF;
	_ =	strace $0x9FFFFFFF  }
0xc9: {  	(tm) =	ssettm $0x7FFFFFFF  }
tec
execute0_lowered:
.L_overlay_start_1:
0x0: {  	(tag) =	ssettag $0x1  }
0x1: {  	s1 =	rddreg [dreg:$0x0]  }
0x2: {  	s10 =	rddreg [dreg:$0x1]  }
0x3: {  	s4 =	rddreg [dreg:$0x2]  }
0x4: {  	s0 =	rddreg [dreg:$0x3]  }
0x5: {  	s3 =	simm.s32 $0x0;
	s5 =	srdreg.scid;
	s2 =	stileid.u32  }
0x6: {  	s15 =	simm.s32 $0x880;
	s16 =	simm.s32 $0x1080;
	s17 =	simm.s32 $0x1880  }
0x7: {  	s18 =	simm.s32 $0x2080;
	s19 =	simm.s32 $0x2880;
	s20 =	simm.s32 $0x3080  }
0x8: {  	s28 =	simm.s32 $0x6880;
	s29 =	simm.s32 $0x7080;
	s30 =	simm.s32 $0x7880  }
0x9: {  	s31 =	simm.s32 $0x1;
	[smem:$0x7FF] =	sst s3;
	s5 =	sand.u32 $0x1, s5  }
0xa: {  	s7 =	sshll.u32 s2, $0xA;
	s6 =	ssub.s32 $0x2, s5;
	s5 =	sshll.u32 s5, $0x9  }
0xb: {  	s11 =	sadd.s32 $0xC00, s4;
	s21 =	sshrl.u32 s6, $0x1;
	s9 =	sor.u32 s5, s7  }
0xc: {  	_ =	strace $0x80000047;
	s12 =	ssub.s32 s6, s21;
	s22 =	sshrl.u32 s9, $0x3  }
0xd: {  	s5 =	sshll.u32 s9, $0x5;
	s23 =	sor.u32 $0x80, s9;
	s13 =	sor.u32 $0x100, s9  }
0xe: {  	s14 =	sor.u32 $0x180, s9;
	s21 =	simm.s32 $0x3880;
	s4 =	sadd.s32 s10, s22  }
0xf: {  	s5 =	sadd.s32 s11, s5;
	s24 =	sshrl.u32 s23, $0x3;
	s8 =	sshll.u32 s23, $0x5  }
0x10: {  	s25 =	sshrl.u32 s13, $0x3;
	s13 =	sshll.u32 s13, $0x5;
	s26 =	sshrl.u32 s14, $0x3  }
0x11: {  	s14 =	sshll.u32 s14, $0x5;
	s12 =	smax.u32 s12, $0x1;
	s22 =	simm.s32 $0x4080  }
0x12: {  	s23 =	simm.s32 $0x4880;
	s6 =	sadd.s32 s10, s24;
	s7 =	sadd.s32 s11, s8  }
0x13: {  	v2 =	vlaneseq.u32;
	s8 =	sadd.s32 s10, s25;
	s9 =	sadd.s32 s11, s13;
	s10 =	sadd.s32 s10, s26  }
0x14: {  	vm0 =	vmmov $0xffff;
	v1 =	vshrl.u32 v2, $0x3;
	s11 =	sadd.s32 s11, s14;
	s13 =	simm.s32 $0x2;
	s14 =	simm.s32 $0x80  }
0x15: {  	v0 =	vand.u32 $0x7, v2;
	v2 =	vor.u32 $0x8, v2;
	v1 =	vmul.u32 $0x8, v1;
	s24 =	simm.s32 $0x5080;
	s25 =	simm.s32 $0x5880;
	s26 =	simm.s32 $0x6080  }
.LBB2_1:
0x16: {  	[tilespmem:s3], [sflag:$0x2] =	stream.linear.gather [hbm4b:s4+s3], $0x80, $0x38;
	[tilespmem:$0x8080] =	vst v63  }
0x17: {  	_ =	swait.ge [sflag:s13], $0x80  }
0x18: {  	[sflag:s13] =	ssyncset.done $0x0  }
0x19: {  	[sflag:s13] =	ssyncadd.s32 $0xFFFFFF80  }
0x1a: {  	v3 =	vld [tilespmem:$0x0];
	_ =	sdelay $0x4  }
0x1b: {  	v4 =	vshll.u32 v3, $0x1  }
0x1c: {  	v3 =	vand.u32 $0x7, v3;
	v4 =	vand.u32 $0xFFFFFFF0, v4  }
0x1d: {  	v3 =	vor.u32 v3, v4  }
0x1e: {  	v4 =	vperm.xlane v3, v0;
	_ =	sdelay $0x1  }
0x1f: {  	v3 =	vperm.xlane v3, v2;
	v4 =	vadd.s32 v1, v4;
	_ =	sdelay $0x1  }
0x20: {  	v3 =	vadd.s32 v1, v3;
	_ =	sdelay $0x2  }
0x21: {  	[tilespmem:s14], [sflag:$0x1] =	stream.indirect_vreg.gather [hbm4b:s1+s3], $0x80, v4, vm0, $0xb8;
	[tilespmem:$0x8080] =	vst v63  }
0x22: {  	_ = 	snop  }
0x23: {  	[tilespmem:s15], [sflag:$0x1] =	stream.indirect_vreg.gather [hbm4b:s1+s3], $0x80, v3, vm0, $0xb8;
	[tilespmem:$0x8080] =	vst v63  }
0x24: {  	v3 =	vld [tilespmem:$0x10];
	_ =	sdelay $0x4  }
0x25: {  	v33 =	vshll.u32 v3, $0x1  }
0x26: {  	v3 =	vand.u32 $0x7, v3;
	v4 =	vand.u32 $0xFFFFFFF0, v33  }
0x27: {  	v3 =	vor.u32 v3, v4  }
0x28: {  	v4 =	vperm.xlane v3, v0;
	_ =	sdelay $0x1  }
0x29: {  	v3 =	vperm.xlane v3, v2;
	v4 =	vadd.s32 v1, v4;
	_ =	sdelay $0x1  }
0x2a: {  	v3 =	vadd.s32 v1, v3;
	_ =	sdelay $0x2  }
0x2b: {  	[tilespmem:s16], [sflag:$0x1] =	stream.indirect_vreg.gather [hbm4b:s1+s3], $0x80, v4, vm0, $0xb8;
	[tilespmem:$0x8080] =	vst v63  }
0x2c: {  	_ = 	snop  }
0x2d: {  	[tilespmem:s17], [sflag:$0x1] =	stream.indirect_vreg.gather [hbm4b:s1+s3], $0x80, v3, vm0, $0xb8;
	[tilespmem:$0x8080] =	vst v63  }
0x2e: {  	v3 =	vld [tilespmem:$0x20];
	_ =	sdelay $0x4  }
0x2f: {  	v34 =	vshll.u32 v3, $0x1  }
0x30: {  	v3 =	vand.u32 $0x7, v3;
	v4 =	vand.u32 $0xFFFFFFF0, v34  }
0x31: {  	v3 =	vor.u32 v3, v4  }
0x32: {  	v4 =	vperm.xlane v3, v0;
	_ =	sdelay $0x1  }
0x33: {  	v3 =	vperm.xlane v3, v2;
	v4 =	vadd.s32 v1, v4;
	_ =	sdelay $0x1  }
0x34: {  	v3 =	vadd.s32 v1, v3;
	_ =	sdelay $0x2  }
0x35: {  	[tilespmem:s18], [sflag:$0x1] =	stream.indirect_vreg.gather [hbm4b:s1+s3], $0x80, v4, vm0, $0xb8;
	[tilespmem:$0x8080] =	vst v63  }
0x36: {  	_ = 	snop  }
0x37: {  	[tilespmem:s19], [sflag:$0x1] =	stream.indirect_vreg.gather [hbm4b:s1+s3], $0x80, v3, vm0, $0xb8;
	[tilespmem:$0x8080] =	vst v63  }
0x38: {  	v3 =	vld [tilespmem:$0x30];
	_ =	sdelay $0x4  }
0x39: {  	v35 =	vshll.u32 v3, $0x1  }
0x3a: {  	v3 =	vand.u32 $0x7, v3;
	v4 =	vand.u32 $0xFFFFFFF0, v35  }
0x3b: {  	v3 =	vor.u32 v3, v4  }
0x3c: {  	v4 =	vperm.xlane v3, v0;
	_ =	sdelay $0x1  }
0x3d: {  	v3 =	vperm.xlane v3, v2;
	v4 =	vadd.s32 v1, v4;
	_ =	sdelay $0x1  }
0x3e: {  	v3 =	vadd.s32 v1, v3;
	_ =	sdelay $0x2  }
0x3f: {  	[tilespmem:s20], [sflag:$0x1] =	stream.indirect_vreg.gather [hbm4b:s1+s3], $0x80, v4, vm0, $0xb8;
	[tilespmem:$0x8080] =	vst v63  }
0x40: {  	_ = 	snop  }
0x41: {  	[tilespmem:s21], [sflag:$0x1] =	stream.indirect_vreg.gather [hbm4b:s1+s3], $0x80, v3, vm0, $0xb8;
	[tilespmem:$0x8080] =	vst v63  }
0x42: {  	v3 =	vld [tilespmem:$0x40];
	_ =	sdelay $0x4  }
0x43: {  	v36 =	vshll.u32 v3, $0x1  }
0x44: {  	v3 =	vand.u32 $0x7, v3;
	v4 =	vand.u32 $0xFFFFFFF0, v36  }
0x45: {  	v3 =	vor.u32 v3, v4  }
0x46: {  	v4 =	vperm.xlane v3, v0;
	_ =	sdelay $0x1  }
0x47: {  	v3 =	vperm.xlane v3, v2;
	v4 =	vadd.s32 v1, v4;
	_ =	sdelay $0x1  }
0x48: {  	v3 =	vadd.s32 v1, v3;
	_ =	sdelay $0x2  }
0x49: {  	[tilespmem:s22], [sflag:$0x1] =	stream.indirect_vreg.gather [hbm4b:s1+s3], $0x80, v4, vm0, $0xb8;
	[tilespmem:$0x8080] =	vst v63  }
0x4a: {  	_ = 	snop  }
0x4b: {  	[tilespmem:s23], [sflag:$0x1] =	stream.indirect_vreg.gather [hbm4b:s1+s3], $0x80, v3, vm0, $0xb8;
	[tilespmem:$0x8080] =	vst v63  }
0x4c: {  	v3 =	vld [tilespmem:$0x50];
	_ =	sdelay $0x4  }
0x4d: {  	v37 =	vshll.u32 v3, $0x1  }
0x4e: {  	v3 =	vand.u32 $0x7, v3;
	v4 =	vand.u32 $0xFFFFFFF0, v37  }
0x4f: {  	v3 =	vor.u32 v3, v4  }
0x50: {  	v4 =	vperm.xlane v3, v0;
	_ =	sdelay $0x1  }
0x51: {  	v3 =	vperm.xlane v3, v2;
	v4 =	vadd.s32 v1, v4;
	_ =	sdelay $0x1  }
0x52: {  	v3 =	vadd.s32 v1, v3;
	_ =	sdelay $0x2  }
0x53: {  	[tilespmem:s24], [sflag:$0x1] =	stream.indirect_vreg.gather [hbm4b:s1+s3], $0x80, v4, vm0, $0xb8;
	[tilespmem:$0x8080] =	vst v63  }
0x54: {  	_ = 	snop  }
0x55: {  	[tilespmem:s25], [sflag:$0x1] =	stream.indirect_vreg.gather [hbm4b:s1+s3], $0x80, v3, vm0, $0xb8;
	[tilespmem:$0x8080] =	vst v63  }
0x56: {  	v3 =	vld [tilespmem:$0x60];
	_ =	sdelay $0x4  }
0x57: {  	v38 =	vshll.u32 v3, $0x1  }
0x58: {  	v3 =	vand.u32 $0x7, v3;
	v4 =	vand.u32 $0xFFFFFFF0, v38  }
0x59: {  	v3 =	vor.u32 v3, v4  }
0x5a: {  	v4 =	vperm.xlane v3, v0;
	_ =	sdelay $0x1  }
0x5b: {  	v3 =	vperm.xlane v3, v2;
	v4 =	vadd.s32 v1, v4;
	_ =	sdelay $0x1  }
0x5c: {  	v3 =	vadd.s32 v1, v3;
	_ =	sdelay $0x2  }
0x5d: {  	[tilespmem:s26], [sflag:$0x1] =	stream.indirect_vreg.gather [hbm4b:s1+s3], $0x80, v4, vm0, $0xb8;
	[tilespmem:$0x8080] =	vst v63  }
0x5e: {  	_ = 	snop  }
0x5f: {  	[tilespmem:s28], [sflag:$0x1] =	stream.indirect_vreg.gather [hbm4b:s1+s3], $0x80, v3, vm0, $0xb8;
	[tilespmem:$0x8080] =	vst v63  }
0x60: {  	v3 =	vld [tilespmem:$0x70];
	_ =	sdelay $0x4  }
0x61: {  	v39 =	vshll.u32 v3, $0x1  }
0x62: {  	v3 =	vand.u32 $0x7, v3;
	v4 =	vand.u32 $0xFFFFFFF0, v39  }
0x63: {  	v3 =	vor.u32 v3, v4  }
0x64: {  	v4 =	vperm.xlane v3, v0;
	_ =	sdelay $0x1  }
0x65: {  	v3 =	vperm.xlane v3, v2;
	v4 =	vadd.s32 v1, v4;
	_ =	sdelay $0x1  }
0x66: {  	v3 =	vadd.s32 v1, v3;
	_ =	sdelay $0x2  }
0x67: {  	[tilespmem:s29], [sflag:$0x1] =	stream.indirect_vreg.gather [hbm4b:s1+s3], $0x80, v4, vm0, $0xb8;
	[tilespmem:$0x8080] =	vst v63  }
0x68: {  	_ = 	snop  }
0x69: {  	[tilespmem:s30], [sflag:$0x1] =	stream.indirect_vreg.gather [hbm4b:s1+s3], $0x80, v3, vm0, $0xb8;
	[tilespmem:$0x8080] =	vst v63  }
0x6a: {  	_ =	swait.ge [sflag:s31], $0x8000  }
0x6b: {  	[sflag:s31] =	ssyncset.done $0x0  }
0x6c: {  	[sflag:s31] =	ssyncadd.s32 $0xFFFF8000  }
0x6d: {  	[hbm4b:s5+s3] =	stream.linear.scatter [tilespmem:s14], [sflag:$0x2], $0x8000, $0x38;
	[tilespmem:$0x8080] =	vst v63  }
0x6e: {  	_ =	swait.ge [sflag:s13], $0x8000  }
0x6f: {  	[sflag:s13] =	ssyncset.done $0x0  }
0x70: {  	[sflag:s13] =	ssyncadd.s32 $0xFFFF8000  }
0x71: {  	[tilespmem:s3], [sflag:$0x2] =	stream.linear.gather [hbm4b:s6+s3], $0x80, $0x38;
	[tilespmem:$0x8080] =	vst v63  }
0x72: {  	_ =	swait.ge [sflag:s13], $0x80  }
0x73: {  	[sflag:s13] =	ssyncset.done $0x0  }
0x74: {  	[sflag:s13] =	ssyncadd.s32 $0xFFFFFF80  }
0x75: {  	v3 =	vld [tilespmem:$0x0];
	_ =	sdelay $0x4  }
0x76: {  	v40 =	vshll.u32 v3, $0x1  }
0x77: {  	v3 =	vand.u32 $0x7, v3;
	v4 =	vand.u32 $0xFFFFFFF0, v40  }
0x78: {  	v3 =	vor.u32 v3, v4  }
0x79: {  	v4 =	vperm.xlane v3, v0;
	_ =	sdelay $0x1  }
0x7a: {  	v3 =	vperm.xlane v3, v2;
	v4 =	vadd.s32 v1, v4;
	_ =	sdelay $0x1  }
0x7b: {  	v3 =	vadd.s32 v1, v3;
	_ =	sdelay $0x2  }
0x7c: {  	[tilespmem:s14], [sflag:$0x1] =	stream.indirect_vreg.gather [hbm4b:s1+s3], $0x80, v4, vm0, $0xb8;
	[tilespmem:$0x8080] =	vst v63  }
0x7d: {  	_ = 	snop  }
0x7e: {  	[tilespmem:s15], [sflag:$0x1] =	stream.indirect_vreg.gather [hbm4b:s1+s3], $0x80, v3, vm0, $0xb8;
	[tilespmem:$0x8080] =	vst v63  }
0x7f: {  	v3 =	vld [tilespmem:$0x10];
	_ =	sdelay $0x4  }
0x80: {  	v41 =	vshll.u32 v3, $0x1  }
0x81: {  	v3 =	vand.u32 $0x7, v3;
	v4 =	vand.u32 $0xFFFFFFF0, v41  }
0x82: {  	v3 =	vor.u32 v3, v4  }
0x83: {  	v4 =	vperm.xlane v3, v0;
	_ =	sdelay $0x1  }
0x84: {  	v3 =	vperm.xlane v3, v2;
	v4 =	vadd.s32 v1, v4;
	_ =	sdelay $0x1  }
0x85: {  	v3 =	vadd.s32 v1, v3;
	_ =	sdelay $0x2  }
0x86: {  	[tilespmem:s16], [sflag:$0x1] =	stream.indirect_vreg.gather [hbm4b:s1+s3], $0x80, v4, vm0, $0xb8;
	[tilespmem:$0x8080] =	vst v63  }
0x87: {  	_ = 	snop  }
0x88: {  	[tilespmem:s17], [sflag:$0x1] =	stream.indirect_vreg.gather [hbm4b:s1+s3], $0x80, v3, vm0, $0xb8;
	[tilespmem:$0x8080] =	vst v63  }
0x89: {  	v3 =	vld [tilespmem:$0x20];
	_ =	sdelay $0x4  }
0x8a: {  	v42 =	vshll.u32 v3, $0x1  }
0x8b: {  	v3 =	vand.u32 $0x7, v3;
	v4 =	vand.u32 $0xFFFFFFF0, v42  }
0x8c: {  	v3 =	vor.u32 v3, v4  }
0x8d: {  	v4 =	vperm.xlane v3, v0;
	_ =	sdelay $0x1  }
0x8e: {  	v3 =	vperm.xlane v3, v2;
	v4 =	vadd.s32 v1, v4;
	_ =	sdelay $0x1  }
0x8f: {  	v3 =	vadd.s32 v1, v3;
	_ =	sdelay $0x2  }
0x90: {  	[tilespmem:s18], [sflag:$0x1] =	stream.indirect_vreg.gather [hbm4b:s1+s3], $0x80, v4, vm0, $0xb8;
	[tilespmem:$0x8080] =	vst v63  }
0x91: {  	_ = 	snop  }
0x92: {  	[tilespmem:s19], [sflag:$0x1] =	stream.indirect_vreg.gather [hbm4b:s1+s3], $0x80, v3, vm0, $0xb8;
	[tilespmem:$0x8080] =	vst v63  }
0x93: {  	v3 =	vld [tilespmem:$0x30];
	_ =	sdelay $0x4  }
0x94: {  	v43 =	vshll.u32 v3, $0x1  }
0x95: {  	v3 =	vand.u32 $0x7, v3;
	v4 =	vand.u32 $0xFFFFFFF0, v43  }
0x96: {  	v3 =	vor.u32 v3, v4  }
0x97: {  	v4 =	vperm.xlane v3, v0;
	_ =	sdelay $0x1  }
0x98: {  	v3 =	vperm.xlane v3, v2;
	v4 =	vadd.s32 v1, v4;
	_ =	sdelay $0x1  }
0x99: {  	v3 =	vadd.s32 v1, v3;
	_ =	sdelay $0x2  }
0x9a: {  	[tilespmem:s20], [sflag:$0x1] =	stream.indirect_vreg.gather [hbm4b:s1+s3], $0x80, v4, vm0, $0xb8;
	[tilespmem:$0x8080] =	vst v63  }
0x9b: {  	_ = 	snop  }
0x9c: {  	[tilespmem:s21], [sflag:$0x1] =	stream.indirect_vreg.gather [hbm4b:s1+s3], $0x80, v3, vm0, $0xb8;
	[tilespmem:$0x8080] =	vst v63  }
0x9d: {  	v3 =	vld [tilespmem:$0x40];
	_ =	sdelay $0x4  }
0x9e: {  	v44 =	vshll.u32 v3, $0x1  }
0x9f: {  	v3 =	vand.u32 $0x7, v3;
	v4 =	vand.u32 $0xFFFFFFF0, v44  }
0xa0: {  	v3 =	vor.u32 v3, v4  }
0xa1: {  	v4 =	vperm.xlane v3, v0;
	_ =	sdelay $0x1  }
0xa2: {  	v3 =	vperm.xlane v3, v2;
	v4 =	vadd.s32 v1, v4;
	_ =	sdelay $0x1  }
0xa3: {  	v3 =	vadd.s32 v1, v3;
	_ =	sdelay $0x2  }
0xa4: {  	[tilespmem:s22], [sflag:$0x1] =	stream.indirect_vreg.gather [hbm4b:s1+s3], $0x80, v4, vm0, $0xb8;
	[tilespmem:$0x8080] =	vst v63  }
0xa5: {  	_ = 	snop  }
0xa6: {  	[tilespmem:s23], [sflag:$0x1] =	stream.indirect_vreg.gather [hbm4b:s1+s3], $0x80, v3, vm0, $0xb8;
	[tilespmem:$0x8080] =	vst v63  }
0xa7: {  	v3 =	vld [tilespmem:$0x50];
	_ =	sdelay $0x4  }
0xa8: {  	v45 =	vshll.u32 v3, $0x1  }
0xa9: {  	v3 =	vand.u32 $0x7, v3;
	v4 =	vand.u32 $0xFFFFFFF0, v45  }
0xaa: {  	v3 =	vor.u32 v3, v4  }
0xab: {  	v4 =	vperm.xlane v3, v0;
	_ =	sdelay $0x1  }
0xac: {  	v3 =	vperm.xlane v3, v2;
	v4 =	vadd.s32 v1, v4;
	_ =	sdelay $0x1  }
0xad: {  	v3 =	vadd.s32 v1, v3;
	_ =	sdelay $0x2  }
0xae: {  	[tilespmem:s24], [sflag:$0x1] =	stream.indirect_vreg.gather [hbm4b:s1+s3], $0x80, v4, vm0, $0xb8;
	[tilespmem:$0x8080] =	vst v63  }
0xaf: {  	_ = 	snop  }
0xb0: {  	[tilespmem:s25], [sflag:$0x1] =	stream.indirect_vreg.gather [hbm4b:s1+s3], $0x80, v3, vm0, $0xb8;
	[tilespmem:$0x8080] =	vst v63  }
0xb1: {  	v3 =	vld [tilespmem:$0x60];
	_ =	sdelay $0x4  }
0xb2: {  	v46 =	vshll.u32 v3, $0x1  }
0xb3: {  	v3 =	vand.u32 $0x7, v3;
	v4 =	vand.u32 $0xFFFFFFF0, v46  }
0xb4: {  	v3 =	vor.u32 v3, v4  }
0xb5: {  	v4 =	vperm.xlane v3, v0;
	_ =	sdelay $0x1  }
0xb6: {  	v3 =	vperm.xlane v3, v2;
	v4 =	vadd.s32 v1, v4;
	_ =	sdelay $0x1  }
0xb7: {  	v3 =	vadd.s32 v1, v3;
	_ =	sdelay $0x2  }
0xb8: {  	[tilespmem:s26], [sflag:$0x1] =	stream.indirect_vreg.gather [hbm4b:s1+s3], $0x80, v4, vm0, $0xb8;
	[tilespmem:$0x8080] =	vst v63  }
0xb9: {  	_ = 	snop  }
0xba: {  	[tilespmem:s28], [sflag:$0x1] =	stream.indirect_vreg.gather [hbm4b:s1+s3], $0x80, v3, vm0, $0xb8;
	[tilespmem:$0x8080] =	vst v63  }
0xbb: {  	v3 =	vld [tilespmem:$0x70];
	_ =	sdelay $0x4  }
0xbc: {  	v47 =	vshll.u32 v3, $0x1  }
0xbd: {  	v3 =	vand.u32 $0x7, v3;
	v4 =	vand.u32 $0xFFFFFFF0, v47  }
0xbe: {  	v3 =	vor.u32 v3, v4  }
0xbf: {  	v4 =	vperm.xlane v3, v0;
	_ =	sdelay $0x1  }
0xc0: {  	v3 =	vperm.xlane v3, v2;
	v4 =	vadd.s32 v1, v4;
	_ =	sdelay $0x1  }
0xc1: {  	v3 =	vadd.s32 v1, v3;
	_ =	sdelay $0x2  }
0xc2: {  	[tilespmem:s29], [sflag:$0x1] =	stream.indirect_vreg.gather [hbm4b:s1+s3], $0x80, v4, vm0, $0xb8;
	[tilespmem:$0x8080] =	vst v63  }
0xc3: {  	_ = 	snop  }
0xc4: {  	[tilespmem:s30], [sflag:$0x1] =	stream.indirect_vreg.gather [hbm4b:s1+s3], $0x80, v3, vm0, $0xb8;
	[tilespmem:$0x8080] =	vst v63  }
0xc5: {  	_ =	swait.ge [sflag:s31], $0x8000  }
0xc6: {  	[sflag:s31] =	ssyncset.done $0x0  }
0xc7: {  	[sflag:s31] =	ssyncadd.s32 $0xFFFF8000  }
0xc8: {  	[hbm4b:s7+s3] =	stream.linear.scatter [tilespmem:s14], [sflag:$0x2], $0x8000, $0x38;
	[tilespmem:$0x8080] =	vst v63  }
0xc9: {  	_ =	swait.ge [sflag:s13], $0x8000  }
0xca: {  	[sflag:s13] =	ssyncset.done $0x0  }
0xcb: {  	[sflag:s13] =	ssyncadd.s32 $0xFFFF8000  }
0xcc: {  	[tilespmem:s3], [sflag:$0x2] =	stream.linear.gather [hbm4b:s8+s3], $0x80, $0x38;
	[tilespmem:$0x8080] =	vst v63  }
0xcd: {  	_ =	swait.ge [sflag:s13], $0x80  }
0xce: {  	[sflag:s13] =	ssyncset.done $0x0  }
0xcf: {  	[sflag:s13] =	ssyncadd.s32 $0xFFFFFF80  }
0xd0: {  	v3 =	vld [tilespmem:$0x0];
	_ =	sdelay $0x4  }
0xd1: {  	v48 =	vshll.u32 v3, $0x1  }
0xd2: {  	v3 =	vand.u32 $0x7, v3;
	v4 =	vand.u32 $0xFFFFFFF0, v48  }
0xd3: {  	v3 =	vor.u32 v3, v4  }
0xd4: {  	v4 =	vperm.xlane v3, v0;
	_ =	sdelay $0x1  }
0xd5: {  	v3 =	vperm.xlane v3, v2;
	v4 =	vadd.s32 v1, v4;
	_ =	sdelay $0x1  }
0xd6: {  	v3 =	vadd.s32 v1, v3;
	_ =	sdelay $0x2  }
0xd7: {  	[tilespmem:s14], [sflag:$0x1] =	stream.indirect_vreg.gather [hbm4b:s1+s3], $0x80, v4, vm0, $0xb8;
	[tilespmem:$0x8080] =	vst v63  }
0xd8: {  	_ = 	snop  }
0xd9: {  	[tilespmem:s15], [sflag:$0x1] =	stream.indirect_vreg.gather [hbm4b:s1+s3], $0x80, v3, vm0, $0xb8;
	[tilespmem:$0x8080] =	vst v63  }
0xda: {  	v3 =	vld [tilespmem:$0x10];
	_ =	sdelay $0x4  }
0xdb: {  	v49 =	vshll.u32 v3, $0x1  }
0xdc: {  	v3 =	vand.u32 $0x7, v3;
	v4 =	vand.u32 $0xFFFFFFF0, v49  }
0xdd: {  	v3 =	vor.u32 v3, v4  }
0xde: {  	v4 =	vperm.xlane v3, v0;
	_ =	sdelay $0x1  }
0xdf: {  	v3 =	vperm.xlane v3, v2;
	v4 =	vadd.s32 v1, v4;
	_ =	sdelay $0x1  }
0xe0: {  	v3 =	vadd.s32 v1, v3;
	_ =	sdelay $0x2  }
0xe1: {  	[tilespmem:s16], [sflag:$0x1] =	stream.indirect_vreg.gather [hbm4b:s1+s3], $0x80, v4, vm0, $0xb8;
	[tilespmem:$0x8080] =	vst v63  }
0xe2: {  	_ = 	snop  }
0xe3: {  	[tilespmem:s17], [sflag:$0x1] =	stream.indirect_vreg.gather [hbm4b:s1+s3], $0x80, v3, vm0, $0xb8;
	[tilespmem:$0x8080] =	vst v63  }
0xe4: {  	v3 =	vld [tilespmem:$0x20];
	_ =	sdelay $0x4  }
0xe5: {  	v50 =	vshll.u32 v3, $0x1  }
0xe6: {  	v3 =	vand.u32 $0x7, v3;
	v4 =	vand.u32 $0xFFFFFFF0, v50  }
0xe7: {  	v3 =	vor.u32 v3, v4  }
0xe8: {  	v4 =	vperm.xlane v3, v0;
	_ =	sdelay $0x1  }
0xe9: {  	v3 =	vperm.xlane v3, v2;
	v4 =	vadd.s32 v1, v4;
	_ =	sdelay $0x1  }
0xea: {  	v3 =	vadd.s32 v1, v3;
	_ =	sdelay $0x2  }
0xeb: {  	[tilespmem:s18], [sflag:$0x1] =	stream.indirect_vreg.gather [hbm4b:s1+s3], $0x80, v4, vm0, $0xb8;
	[tilespmem:$0x8080] =	vst v63  }
0xec: {  	_ = 	snop  }
0xed: {  	[tilespmem:s19], [sflag:$0x1] =	stream.indirect_vreg.gather [hbm4b:s1+s3], $0x80, v3, vm0, $0xb8;
	[tilespmem:$0x8080] =	vst v63  }
0xee: {  	v3 =	vld [tilespmem:$0x30];
	_ =	sdelay $0x4  }
0xef: {  	v51 =	vshll.u32 v3, $0x1  }
0xf0: {  	v3 =	vand.u32 $0x7, v3;
	v4 =	vand.u32 $0xFFFFFFF0, v51  }
0xf1: {  	v3 =	vor.u32 v3, v4  }
0xf2: {  	v4 =	vperm.xlane v3, v0;
	_ =	sdelay $0x1  }
0xf3: {  	v3 =	vperm.xlane v3, v2;
	v4 =	vadd.s32 v1, v4;
	_ =	sdelay $0x1  }
0xf4: {  	v3 =	vadd.s32 v1, v3;
	_ =	sdelay $0x2  }
0xf5: {  	[tilespmem:s20], [sflag:$0x1] =	stream.indirect_vreg.gather [hbm4b:s1+s3], $0x80, v4, vm0, $0xb8;
	[tilespmem:$0x8080] =	vst v63  }
0xf6: {  	_ = 	snop  }
0xf7: {  	[tilespmem:s21], [sflag:$0x1] =	stream.indirect_vreg.gather [hbm4b:s1+s3], $0x80, v3, vm0, $0xb8;
	[tilespmem:$0x8080] =	vst v63  }
0xf8: {  	v3 =	vld [tilespmem:$0x40];
	_ =	sdelay $0x4  }
0xf9: {  	v52 =	vshll.u32 v3, $0x1  }
0xfa: {  	v3 =	vand.u32 $0x7, v3;
	v4 =	vand.u32 $0xFFFFFFF0, v52  }
0xfb: {  	v3 =	vor.u32 v3, v4  }
0xfc: {  	v4 =	vperm.xlane v3, v0;
	_ =	sdelay $0x1  }
0xfd: {  	v3 =	vperm.xlane v3, v2;
	v4 =	vadd.s32 v1, v4;
	_ =	sdelay $0x1  }
0xfe: {  	v3 =	vadd.s32 v1, v3;
	_ =	sdelay $0x2  }
0xff: {  	[tilespmem:s22], [sflag:$0x1] =	stream.indirect_vreg.gather [hbm4b:s1+s3], $0x80, v4, vm0, $0xb8;
	[tilespmem:$0x8080] =	vst v63  }
0x100: {  	_ = 	snop  }
0x101: {  	[tilespmem:s23], [sflag:$0x1] =	stream.indirect_vreg.gather [hbm4b:s1+s3], $0x80, v3, vm0, $0xb8;
	[tilespmem:$0x8080] =	vst v63  }
0x102: {  	v3 =	vld [tilespmem:$0x50];
	_ =	sdelay $0x4  }
0x103: {  	v53 =	vshll.u32 v3, $0x1  }
0x104: {  	v3 =	vand.u32 $0x7, v3;
	v4 =	vand.u32 $0xFFFFFFF0, v53  }
0x105: {  	v3 =	vor.u32 v3, v4  }
0x106: {  	v4 =	vperm.xlane v3, v0;
	_ =	sdelay $0x1  }
0x107: {  	v3 =	vperm.xlane v3, v2;
	v4 =	vadd.s32 v1, v4;
	_ =	sdelay $0x1  }
0x108: {  	v3 =	vadd.s32 v1, v3;
	_ =	sdelay $0x2  }
0x109: {  	[tilespmem:s24], [sflag:$0x1] =	stream.indirect_vreg.gather [hbm4b:s1+s3], $0x80, v4, vm0, $0xb8;
	[tilespmem:$0x8080] =	vst v63  }
0x10a: {  	_ = 	snop  }
0x10b: {  	[tilespmem:s25], [sflag:$0x1] =	stream.indirect_vreg.gather [hbm4b:s1+s3], $0x80, v3, vm0, $0xb8;
	[tilespmem:$0x8080] =	vst v63  }
0x10c: {  	v3 =	vld [tilespmem:$0x60];
	_ =	sdelay $0x4  }
0x10d: {  	v54 =	vshll.u32 v3, $0x1  }
0x10e: {  	v3 =	vand.u32 $0x7, v3;
	v4 =	vand.u32 $0xFFFFFFF0, v54  }
0x10f: {  	v3 =	vor.u32 v3, v4  }
0x110: {  	v4 =	vperm.xlane v3, v0;
	_ =	sdelay $0x1  }
0x111: {  	v3 =	vperm.xlane v3, v2;
	v4 =	vadd.s32 v1, v4;
	_ =	sdelay $0x1  }
0x112: {  	v3 =	vadd.s32 v1, v3;
	_ =	sdelay $0x2  }
0x113: {  	[tilespmem:s26], [sflag:$0x1] =	stream.indirect_vreg.gather [hbm4b:s1+s3], $0x80, v4, vm0, $0xb8;
	[tilespmem:$0x8080] =	vst v63  }
0x114: {  	_ = 	snop  }
0x115: {  	[tilespmem:s28], [sflag:$0x1] =	stream.indirect_vreg.gather [hbm4b:s1+s3], $0x80, v3, vm0, $0xb8;
	[tilespmem:$0x8080] =	vst v63  }
0x116: {  	v3 =	vld [tilespmem:$0x70];
	_ =	sdelay $0x4  }
0x117: {  	v55 =	vshll.u32 v3, $0x1  }
0x118: {  	v3 =	vand.u32 $0x7, v3;
	v4 =	vand.u32 $0xFFFFFFF0, v55  }
0x119: {  	v3 =	vor.u32 v3, v4  }
0x11a: {  	v4 =	vperm.xlane v3, v0;
	_ =	sdelay $0x1  }
0x11b: {  	v3 =	vperm.xlane v3, v2;
	v4 =	vadd.s32 v1, v4;
	_ =	sdelay $0x1  }
0x11c: {  	v3 =	vadd.s32 v1, v3;
	_ =	sdelay $0x2  }
0x11d: {  	[tilespmem:s29], [sflag:$0x1] =	stream.indirect_vreg.gather [hbm4b:s1+s3], $0x80, v4, vm0, $0xb8;
	[tilespmem:$0x8080] =	vst v63  }
0x11e: {  	_ = 	snop  }
0x11f: {  	[tilespmem:s30], [sflag:$0x1] =	stream.indirect_vreg.gather [hbm4b:s1+s3], $0x80, v3, vm0, $0xb8;
	[tilespmem:$0x8080] =	vst v63  }
0x120: {  	_ =	swait.ge [sflag:s31], $0x8000  }
0x121: {  	[sflag:s31] =	ssyncset.done $0x0  }
0x122: {  	[sflag:s31] =	ssyncadd.s32 $0xFFFF8000  }
0x123: {  	[hbm4b:s9+s3] =	stream.linear.scatter [tilespmem:s14], [sflag:$0x2], $0x8000, $0x38;
	[tilespmem:$0x8080] =	vst v63  }
0x124: {  	_ =	swait.ge [sflag:s13], $0x8000  }
0x125: {  	[sflag:s13] =	ssyncset.done $0x0  }
0x126: {  	[sflag:s13] =	ssyncadd.s32 $0xFFFF8000  }
0x127: {  	[tilespmem:s3], [sflag:$0x2] =	stream.linear.gather [hbm4b:s10+s3], $0x80, $0x38;
	[tilespmem:$0x8080] =	vst v63  }
0x128: {  	_ =	swait.ge [sflag:s13], $0x80  }
0x129: {  	[sflag:s13] =	ssyncset.done $0x0  }
0x12a: {  	[sflag:s13] =	ssyncadd.s32 $0xFFFFFF80  }
0x12b: {  	v3 =	vld [tilespmem:$0x0];
	_ =	sdelay $0x4  }
0x12c: {  	v56 =	vshll.u32 v3, $0x1  }
0x12d: {  	v3 =	vand.u32 $0x7, v3;
	v4 =	vand.u32 $0xFFFFFFF0, v56  }
0x12e: {  	v3 =	vor.u32 v3, v4  }
0x12f: {  	v4 =	vperm.xlane v3, v0;
	_ =	sdelay $0x1  }
0x130: {  	v3 =	vperm.xlane v3, v2;
	v4 =	vadd.s32 v1, v4;
	_ =	sdelay $0x1  }
0x131: {  	v3 =	vadd.s32 v1, v3;
	_ =	sdelay $0x2  }
0x132: {  	[tilespmem:s14], [sflag:$0x1] =	stream.indirect_vreg.gather [hbm4b:s1+s3], $0x80, v4, vm0, $0xb8;
	[tilespmem:$0x8080] =	vst v63  }
0x133: {  	_ = 	snop  }
0x134: {  	[tilespmem:s15], [sflag:$0x1] =	stream.indirect_vreg.gather [hbm4b:s1+s3], $0x80, v3, vm0, $0xb8;
	[tilespmem:$0x8080] =	vst v63  }
0x135: {  	v3 =	vld [tilespmem:$0x10];
	_ =	sdelay $0x4  }
0x136: {  	v57 =	vshll.u32 v3, $0x1  }
0x137: {  	v3 =	vand.u32 $0x7, v3;
	v4 =	vand.u32 $0xFFFFFFF0, v57  }
0x138: {  	v3 =	vor.u32 v3, v4  }
0x139: {  	v4 =	vperm.xlane v3, v0;
	_ =	sdelay $0x1  }
0x13a: {  	v3 =	vperm.xlane v3, v2;
	v4 =	vadd.s32 v1, v4;
	_ =	sdelay $0x1  }
0x13b: {  	v3 =	vadd.s32 v1, v3;
	_ =	sdelay $0x2  }
0x13c: {  	[tilespmem:s16], [sflag:$0x1] =	stream.indirect_vreg.gather [hbm4b:s1+s3], $0x80, v4, vm0, $0xb8;
	[tilespmem:$0x8080] =	vst v63  }
0x13d: {  	_ = 	snop  }
0x13e: {  	[tilespmem:s17], [sflag:$0x1] =	stream.indirect_vreg.gather [hbm4b:s1+s3], $0x80, v3, vm0, $0xb8;
	[tilespmem:$0x8080] =	vst v63  }
0x13f: {  	v3 =	vld [tilespmem:$0x20];
	_ =	sdelay $0x4  }
0x140: {  	v58 =	vshll.u32 v3, $0x1  }
0x141: {  	v3 =	vand.u32 $0x7, v3;
	v4 =	vand.u32 $0xFFFFFFF0, v58  }
0x142: {  	v3 =	vor.u32 v3, v4  }
0x143: {  	v4 =	vperm.xlane v3, v0;
	_ =	sdelay $0x1  }
0x144: {  	v3 =	vperm.xlane v3, v2;
	v4 =	vadd.s32 v1, v4;
	_ =	sdelay $0x1  }
0x145: {  	v3 =	vadd.s32 v1, v3;
	_ =	sdelay $0x2  }
0x146: {  	[tilespmem:s18], [sflag:$0x1] =	stream.indirect_vreg.gather [hbm4b:s1+s3], $0x80, v4, vm0, $0xb8;
	[tilespmem:$0x8080] =	vst v63  }
0x147: {  	_ = 	snop  }
0x148: {  	[tilespmem:s19], [sflag:$0x1] =	stream.indirect_vreg.gather [hbm4b:s1+s3], $0x80, v3, vm0, $0xb8;
	[tilespmem:$0x8080] =	vst v63  }
0x149: {  	v3 =	vld [tilespmem:$0x30];
	_ =	sdelay $0x4  }
0x14a: {  	v59 =	vshll.u32 v3, $0x1  }
0x14b: {  	v3 =	vand.u32 $0x7, v3;
	v4 =	vand.u32 $0xFFFFFFF0, v59  }
0x14c: {  	v3 =	vor.u32 v3, v4  }
0x14d: {  	v4 =	vperm.xlane v3, v0;
	_ =	sdelay $0x1  }
0x14e: {  	v3 =	vperm.xlane v3, v2;
	v4 =	vadd.s32 v1, v4;
	_ =	sdelay $0x1  }
0x14f: {  	v3 =	vadd.s32 v1, v3;
	_ =	sdelay $0x2  }
0x150: {  	[tilespmem:s20], [sflag:$0x1] =	stream.indirect_vreg.gather [hbm4b:s1+s3], $0x80, v4, vm0, $0xb8;
	[tilespmem:$0x8080] =	vst v63  }
0x151: {  	_ = 	snop  }
0x152: {  	[tilespmem:s21], [sflag:$0x1] =	stream.indirect_vreg.gather [hbm4b:s1+s3], $0x80, v3, vm0, $0xb8;
	[tilespmem:$0x8080] =	vst v63  }
0x153: {  	v3 =	vld [tilespmem:$0x40];
	_ =	sdelay $0x4  }
0x154: {  	v60 =	vshll.u32 v3, $0x1  }
0x155: {  	v3 =	vand.u32 $0x7, v3;
	v4 =	vand.u32 $0xFFFFFFF0, v60  }
0x156: {  	v3 =	vor.u32 v3, v4  }
0x157: {  	v4 =	vperm.xlane v3, v0;
	_ =	sdelay $0x1  }
0x158: {  	v3 =	vperm.xlane v3, v2;
	v4 =	vadd.s32 v1, v4;
	_ =	sdelay $0x1  }
0x159: {  	v3 =	vadd.s32 v1, v3;
	_ =	sdelay $0x2  }
0x15a: {  	[tilespmem:s22], [sflag:$0x1] =	stream.indirect_vreg.gather [hbm4b:s1+s3], $0x80, v4, vm0, $0xb8;
	[tilespmem:$0x8080] =	vst v63  }
0x15b: {  	_ = 	snop  }
0x15c: {  	[tilespmem:s23], [sflag:$0x1] =	stream.indirect_vreg.gather [hbm4b:s1+s3], $0x80, v3, vm0, $0xb8;
	[tilespmem:$0x8080] =	vst v63  }
0x15d: {  	v3 =	vld [tilespmem:$0x50];
	_ =	sdelay $0x4  }
0x15e: {  	v61 =	vshll.u32 v3, $0x1  }
0x15f: {  	v3 =	vand.u32 $0x7, v3;
	v4 =	vand.u32 $0xFFFFFFF0, v61  }
0x160: {  	v3 =	vor.u32 v3, v4  }
0x161: {  	v4 =	vperm.xlane v3, v0;
	_ =	sdelay $0x1  }
0x162: {  	v3 =	vperm.xlane v3, v2;
	v4 =	vadd.s32 v1, v4;
	_ =	sdelay $0x1  }
0x163: {  	v3 =	vadd.s32 v1, v3;
	_ =	sdelay $0x2  }
0x164: {  	[tilespmem:s24], [sflag:$0x1] =	stream.indirect_vreg.gather [hbm4b:s1+s3], $0x80, v4, vm0, $0xb8;
	[tilespmem:$0x8080] =	vst v63  }
0x165: {  	_ = 	snop  }
0x166: {  	[tilespmem:s25], [sflag:$0x1] =	stream.indirect_vreg.gather [hbm4b:s1+s3], $0x80, v3, vm0, $0xb8;
	[tilespmem:$0x8080] =	vst v63  }
0x167: {  	v3 =	vld [tilespmem:$0x60];
	_ =	sdelay $0x4  }
0x168: {  	v62 =	vshll.u32 v3, $0x1  }
0x169: {  	v3 =	vand.u32 $0x7, v3;
	v4 =	vand.u32 $0xFFFFFFF0, v62  }
0x16a: {  	v3 =	vor.u32 v3, v4  }
0x16b: {  	v4 =	vperm.xlane v3, v0;
	_ =	sdelay $0x1  }
0x16c: {  	v3 =	vperm.xlane v3, v2;
	v4 =	vadd.s32 v1, v4;
	_ =	sdelay $0x1  }
0x16d: {  	v3 =	vadd.s32 v1, v3;
	_ =	sdelay $0x2  }
0x16e: {  	[tilespmem:s26], [sflag:$0x1] =	stream.indirect_vreg.gather [hbm4b:s1+s3], $0x80, v4, vm0, $0xb8;
	[tilespmem:$0x8080] =	vst v63  }
0x16f: {  	_ = 	snop  }
0x170: {  	[tilespmem:s28], [sflag:$0x1] =	stream.indirect_vreg.gather [hbm4b:s1+s3], $0x80, v3, vm0, $0xb8;
	[tilespmem:$0x8080] =	vst v63  }
0x171: {  	v3 =	vld [tilespmem:$0x70];
	_ =	sdelay $0x4  }
0x172: {  	v63 =	vshll.u32 v3, $0x1  }
0x173: {  	v3 =	vand.u32 $0x7, v3;
	v4 =	vand.u32 $0xFFFFFFF0, v63  }
0x174: {  	v3 =	vor.u32 v3, v4  }
0x175: {  	v4 =	vperm.xlane v3, v0;
	_ =	sdelay $0x1  }
0x176: {  	v3 =	vperm.xlane v3, v2;
	v4 =	vadd.s32 v1, v4;
	_ =	sdelay $0x1  }
0x177: {  	v3 =	vadd.s32 v1, v3;
	_ =	sdelay $0x2  }
0x178: {  	[tilespmem:s29], [sflag:$0x1] =	stream.indirect_vreg.gather [hbm4b:s1+s3], $0x80, v4, vm0, $0xb8;
	[tilespmem:$0x8080] =	vst v63  }
0x179: {  	_ = 	snop  }
0x17a: {  	[tilespmem:s30], [sflag:$0x1] =	stream.indirect_vreg.gather [hbm4b:s1+s3], $0x80, v3, vm0, $0xb8;
	[tilespmem:$0x8080] =	vst v63  }
0x17b: {  	_ =	swait.ge [sflag:s31], $0x8000  }
0x17c: {  	p0 =	sne.s32 s12, $0x1;
	[sflag:s31] =	ssyncset.done $0x0  }
.Ltmp0:
0x17d: {  	[sflag:s31] =	ssyncadd.s32 $0xFFFF8000;
	(pc) =	sbr.rel @p0 .LBB2_1-.Ltmp0, $4  }
0x17e: {  	[hbm4b:s11+s3] =	stream.linear.scatter [tilespmem:s14], [sflag:$0x2], $0x8000, $0x38;
	[tilespmem:$0x8080] =	vst v63  }
0x17f: {  	_ =	swait.ge [sflag:s13], $0x8000  }
0x180: {  	[sflag:s13] =	ssyncset.done $0x0  }
0x181: {  	s12 =	sadd.s32 $0xFFFFFFFF, s12;
	[sflag:s13] =	ssyncadd.s32 $0xFFFF8000  }
0x182: {  	_ =	sfence.sel $0x180000  }
0x183: {  	[bflag:$0x0] =	sbarrier.arrive $0xFFFF  }
0x184: {  	p0 =	sne.s32 s2, $0x0;
	_ =	strace $0x90000047  }
0x185: {  	s0 =	sadd.s32 @!p0 $0x100000, s0;
	[bflag:$0x2] =	sbarrier.arrive $0xFFFF  }
0x186: {  	[sflag:s0] =	ssyncadd.tile.s32 @!p0 $0x1;
	_ =	shalt  }
.Lfunc_end2:
_tile_overlayer_lowered:
.L_overlay_start_2:
0x187: {  	(tag) =	ssettag $0x2  }
0x188: {  	s0 =	rddreg [dreg:$0x0];
	s2 =	stileid.u32  }
0x189: {  	s1 =	rddreg [dreg:$0x1];
	p0 =	sne.s32 s2, $0x0  }
0x18a: {  	s3 =	rddreg [dreg:$0x2];
	[bflag:$0x3] =	sbarrier.arrive $0xFFFF;
	s2 =	simm.s32 @!p0 $0x1C02  }
0x18b: {  	[timem:s3], [sflag:s2] =	dma.local @!p0 [hbm:s0], s1  }
0x18c: {  	s0 =	simm.s32 @!p0 $0x2  }
0x18d: {  	_ =	swait.ge @!p0 [sflag:s0], s1  }
0x18e: {  	s1 =	ssub.s32 @!p0 $0x0, s1;
	[sflag:s0] =	ssyncset.done @!p0 $0x0  }
0x18f: {  	[sflag:s0] =	ssyncadd.s32 @!p0 s1  }
0x190: {  	[bflag:$0x3] =	sbarrier.arrive $0xFFFF  }
0x191: {  	_ =	shalt  }

</sc_bundles>
